<compile_context>
chip_gen: v7x
topology: tpu7x:2x2x1
jax: 0.10.2.dev20260603
libtpu: 0.0.44.dev20260713+nightly
codegen_flags: <defaults>
</compile_context>

<pallas_src>
import functools

import jax
import jax.numpy as jnp
from jax import lax
from jax.experimental import pallas as pl
from jax.experimental.pallas import tpu as pltpu
from jax.experimental.pallas import tpu_sc as plsc

NC = 2
NS = 16
NW = NC * NS
CB = 8
NSET = 4
HP = 56
EP = 128


@functools.lru_cache(maxsize=None)
def _build(batch: int, hist: int, vocab: int, embed: int):
    assert batch % (NW * CB) == 0
    rows_per_w = batch // NW
    n_chunks = rows_per_w // CB
    assert n_chunks > NSET
    mesh = plsc.VectorSubcoreMesh(core_axis_name="c", subcore_axis_name="s")

    @functools.partial(
        pl.kernel,
        mesh=mesh,
        compiler_params=pltpu.CompilerParams(use_tc_tiling_on_sc=False),
        out_type=jax.ShapeDtypeStruct((NW, n_chunks, CB, HP, EP), jnp.float32),
        scratch_types=[
            pltpu.VMEM((rows_per_w, hist), jnp.int32),
            pltpu.VMEM((NSET, CB, hist, embed), jnp.float32),
            pltpu.SemaphoreType.DMA((NSET,)),
            pltpu.SemaphoreType.DMA,
        ],
    )
    def emb_kernel(idx_hbm, table_hbm, out_hbm, idx_v, stage_v, sem_g, sem_o):
        wid = lax.axis_index("s") * NC + lax.axis_index("c")
        pltpu.sync_copy(idx_hbm.at[wid], idx_v)

        def fire_gathers(c):
            s = lax.rem(c, NSET)
            for bb in range(CB):
                pltpu.async_copy(
                    table_hbm.at[idx_v.at[c * CB + bb]],
                    stage_v.at[s, bb],
                    sem_g.at[s],
                )

        def fire_write(c):
            s = lax.rem(c, NSET)
            pltpu.async_copy(
                stage_v.at[s],
                out_hbm.at[wid, c, slice(None), pl.ds(0, hist), pl.ds(0, embed)],
                sem_o,
            )

        def drain_g(c, n):
            s = lax.rem(c, NSET)
            for _ in range(n):
                pltpu.make_async_copy(
                    out_hbm.at[wid, 0, 0, pl.ds(0, hist), pl.ds(0, embed)],
                    stage_v.at[0, 0],
                    sem_g.at[s],
                ).wait()

        def drain_o(n):
            for _ in range(n):
                pltpu.make_async_copy(
                    stage_v.at[0],
                    out_hbm.at[wid, 0, slice(None), pl.ds(0, hist), pl.ds(0, embed)],
                    sem_o,
                ).wait()

        for c in range(NSET - 1):
            fire_gathers(c)

        drain_g(0, CB)
        fire_write(0)
        fire_gathers(NSET - 1)

        @pl.loop(1, n_chunks - (NSET - 1))
        def _(c):
            drain_g(c, CB)
            drain_o(1)
            fire_write(c)
            fire_gathers(c + NSET - 1)

        @pl.loop(n_chunks - (NSET - 1), n_chunks)
        def _(c):
            drain_g(c, CB)
            fire_write(c)

        drain_o(NSET)

    return emb_kernel


def kernel(x, vectors):
    batch, hist = x.shape
    vocab, embed = vectors.shape
    idx = x.astype(jnp.int32).reshape(NW, batch // NW, hist)
    out = _build(batch, hist, vocab, embed)(idx, vectors)
    return out.reshape(batch, HP, EP)[:, :hist, :embed]

# --- scband reference (transcript-rebuilt; emitter-appended) ---
"""Pipeline reference for scband-bi-lstmpooled-embedder-16810501996942 (READ-ONLY COPY).

The authoritative reference and input builder live on the scoring server;
editing this copy changes nothing except your own understanding.
"""

import jax, jax.numpy as jnp
import numpy as np

VOCAB = 100000
EMBED_DIM = 64
BATCH = 4096
HIST = 50

def setup_inputs(seed: int = 0) -> dict:
    key = jax.random.key(seed)
    k_tab, k_idx = jax.random.split(key)
    vectors = jax.random.normal(k_tab, (VOCAB, EMBED_DIM), dtype=jnp.float32)
    x = jax.random.randint(k_idx, (BATCH, HIST), 0, VOCAB, dtype=jnp.int64 if jax.config.jax_enable_x64 else jnp.int32)
    return {"x": x, "vectors": vectors}

def reference(x, vectors):
    # Faithful translation of nn.Embedding.from_pretrained(vectors, freeze=True)(x)
    embeddings = jnp.take(vectors, x, axis=0)
    return embeddings

if __name__ == "__main__":
    import jax
    _d = setup_inputs()
    print(jax.jit(kernel)(*tuple(_d.values())))

</pallas_src>

<mosaic_0001>
#map = affine_map<(d0, d1) -> (0, 0, 0)>
#map1 = affine_map<(d0, d1) -> (0, 0)>
#map2 = affine_map<(d0, d1) -> (0, 0, 0, 0, 0)>
module attributes {stable_mosaic.version = 14 : i64} {
  func.func @emb_kernel(%arg0: i32, %arg1: i32, %arg2: memref<32x128x50xi32, #tpu.memory_space<hbm>>, %arg3: memref<100000x64xf32, #tpu.memory_space<hbm>>, %arg4: memref<32x16x8x56x128xf32, #tpu.memory_space<hbm>>, %arg5: memref<128x50xi32, #tpu.memory_space<vmem>>, %arg6: memref<4x8x50x64xf32, #tpu.memory_space<vmem>>, %arg7: memref<4x!tpu.dma_semaphore, #tpu.memory_space<semaphore_mem>>, %arg8: memref<!tpu.dma_semaphore, #tpu.memory_space<semaphore_mem>>) attributes {dimension_semantics = [#tpu.dimension_semantics<core_parallel>, #tpu.dimension_semantics<subcore_parallel>], iteration_bounds = array<i64: 2, 16>, scalar_prefetch = 0 : i64, scratch_operands = 4 : i64, tpu.core_type = #tpu.core_type<sc_vector_subcore>, window_params = [{transform_indices = #map}, {transform_indices = #map1}, {transform_indices = #map2}]} {
    %mul3A = arith.constant 2 : i32
    %mul3A_0 = arith.muli %arg1, %mul3A : i32
    %add3A = arith.addi %mul3A_0, %arg0 : i32
    "tpu.region"() ({
      %run_scoped3A = tpu.sem_alloc : memref<!tpu.dma_semaphore, #tpu.memory_space<semaphore_mem>>
      %dma_start3A_758 = arith.constant 0 : i32
      %dma_start3A_759 = arith.constant 0 : i32
      %dma_start3A_760 = tpu.memref_slice %arg2[%add3A, %dma_start3A_758, %dma_start3A_759] : memref<32x128x50xi32, #tpu.memory_space<hbm>> -> memref<1x128x50xi32, #tpu.memory_space<hbm>>
      %dma_start3A_761 = tpu.memref_squeeze %dma_start3A_760 : memref<1x128x50xi32, #tpu.memory_space<hbm>> -> memref<128x50xi32, #tpu.memory_space<hbm>>
      %dma_start3A_762 = arith.constant 0 : i32
      %dma_start3A_763 = arith.constant 0 : i32
      %dma_start3A_764 = tpu.memref_slice %arg2[%add3A, %dma_start3A_762, %dma_start3A_763] : memref<32x128x50xi32, #tpu.memory_space<hbm>> -> memref<1x128x50xi32, #tpu.memory_space<hbm>>
      %dma_start3A_765 = tpu.memref_squeeze %dma_start3A_764 : memref<1x128x50xi32, #tpu.memory_space<hbm>> -> memref<128x50xi32, #tpu.memory_space<hbm>>
      tpu.enqueue_dma source(%dma_start3A_765 : memref<128x50xi32, #tpu.memory_space<hbm>>) target(%arg5 : memref<128x50xi32, #tpu.memory_space<vmem>>) target_semaphore(%run_scoped3A : memref<!tpu.dma_semaphore, #tpu.memory_space<semaphore_mem>>)
      %dma_wait3A_766 = arith.constant 0 : i32
      %dma_wait3A_767 = arith.constant 0 : i32
      %dma_wait3A_768 = tpu.memref_slice %arg2[%add3A, %dma_wait3A_766, %dma_wait3A_767] : memref<32x128x50xi32, #tpu.memory_space<hbm>> -> memref<1x128x50xi32, #tpu.memory_space<hbm>>
      %dma_wait3A_769 = tpu.memref_squeeze %dma_wait3A_768 : memref<1x128x50xi32, #tpu.memory_space<hbm>> -> memref<128x50xi32, #tpu.memory_space<hbm>>
      %dma_wait3A_770 = arith.constant 0 : i32
      %dma_wait3A_771 = arith.constant 0 : i32
      %dma_wait3A_772 = tpu.memref_slice %arg2[%add3A, %dma_wait3A_770, %dma_wait3A_771] : memref<32x128x50xi32, #tpu.memory_space<hbm>> -> memref<1x128x50xi32, #tpu.memory_space<hbm>>
      %dma_wait3A_773 = tpu.memref_squeeze %dma_wait3A_772 : memref<1x128x50xi32, #tpu.memory_space<hbm>> -> memref<128x50xi32, #tpu.memory_space<hbm>>
      tpu.wait_dma2 semaphore(%run_scoped3A : memref<!tpu.dma_semaphore, #tpu.memory_space<semaphore_mem>>) src(%dma_wait3A_773 : memref<128x50xi32, #tpu.memory_space<hbm>>) dst(%arg5 : memref<128x50xi32, #tpu.memory_space<vmem>>)
      tpu.yield
    }) : () -> ()
    %rem3A = arith.constant 0 : i32
    %rem3A_1 = arith.constant 4 : i32
    %rem3A_2 = arith.remsi %rem3A, %rem3A_1 : i32
    %dma_start3A = arith.constant 0 : i32
    %dma_start3A_3 = arith.constant 0 : i32
    %dma_start3A_4 = arith.constant 0 : i32
    %dma_start3A_5 = arith.constant 0 : i32
    %dma_start3A_6 = tpu.memref_slice %arg6[%rem3A_2, %dma_start3A_3, %dma_start3A_4, %dma_start3A_5] : memref<4x8x50x64xf32, #tpu.memory_space<vmem>> -> memref<1x1x50x64xf32, #tpu.memory_space<vmem>>
    %dma_start3A_7 = tpu.memref_squeeze %dma_start3A_6 : memref<1x1x50x64xf32, #tpu.memory_space<vmem>> -> memref<50x64xf32, #tpu.memory_space<vmem>>
    %dma_start3A_8 = arith.constant 0 : i32
    %dma_start3A_9 = tpu.memref_slice %arg5[%dma_start3A, %dma_start3A_8] : memref<128x50xi32, #tpu.memory_space<vmem>> -> memref<1x50xi32, #tpu.memory_space<vmem>>
    %dma_start3A_10 = tpu.memref_squeeze %dma_start3A_9 : memref<1x50xi32, #tpu.memory_space<vmem>> -> memref<50xi32, #tpu.memory_space<vmem>>
    %dma_start3A_11 = arith.constant 0 : i32
    %dma_start3A_12 = arith.constant 0 : i32
    %dma_start3A_13 = tpu.memref_slice %arg3[%dma_start3A_11, %dma_start3A_12] : memref<100000x64xf32, #tpu.memory_space<hbm>> -> memref<100000x64xf32, #tpu.memory_space<hbm>>
    %dma_start3A_14 = tpu.memref_slice %arg7[%rem3A_2] : memref<4x!tpu.dma_semaphore, #tpu.memory_space<semaphore_mem>> -> memref<1x!tpu.dma_semaphore, #tpu.memory_space<semaphore_mem>>
    %dma_start3A_15 = tpu.memref_squeeze %dma_start3A_14 : memref<1x!tpu.dma_semaphore, #tpu.memory_space<semaphore_mem>> -> memref<!tpu.dma_semaphore, #tpu.memory_space<semaphore_mem>>
    tpu.enqueue_indirect_dma source(%dma_start3A_13 : memref<100000x64xf32, #tpu.memory_space<hbm>>) target(%dma_start3A_7 : memref<50x64xf32, #tpu.memory_space<vmem>>) offsets(%dma_start3A_10 : memref<50xi32, #tpu.memory_space<vmem>>) semaphore(%dma_start3A_15 : memref<!tpu.dma_semaphore, #tpu.memory_space<semaphore_mem>>)
    %dma_start3A_16 = arith.constant 1 : i32
    %dma_start3A_17 = arith.constant 1 : i32
    %dma_start3A_18 = arith.constant 0 : i32
    %dma_start3A_19 = arith.constant 0 : i32
    %dma_start3A_20 = tpu.memref_slice %arg6[%rem3A_2, %dma_start3A_17, %dma_start3A_18, %dma_start3A_19] : memref<4x8x50x64xf32, #tpu.memory_space<vmem>> -> memref<1x1x50x64xf32, #tpu.memory_space<vmem>>
    %dma_start3A_21 = tpu.memref_squeeze %dma_start3A_20 : memref<1x1x50x64xf32, #tpu.memory_space<vmem>> -> memref<50x64xf32, #tpu.memory_space<vmem>>
    %dma_start3A_22 = arith.constant 0 : i32
    %dma_start3A_23 = tpu.memref_slice %arg5[%dma_start3A_16, %dma_start3A_22] : memref<128x50xi32, #tpu.memory_space<vmem>> -> memref<1x50xi32, #tpu.memory_space<vmem>>
    %dma_start3A_24 = tpu.memref_squeeze %dma_start3A_23 : memref<1x50xi32, #tpu.memory_space<vmem>> -> memref<50xi32, #tpu.memory_space<vmem>>
    %dma_start3A_25 = arith.constant 0 : i32
    %dma_start3A_26 = arith.constant 0 : i32
    %dma_start3A_27 = tpu.memref_slice %arg3[%dma_start3A_25, %dma_start3A_26] : memref<100000x64xf32, #tpu.memory_space<hbm>> -> memref<100000x64xf32, #tpu.memory_space<hbm>>
    %dma_start3A_28 = tpu.memref_slice %arg7[%rem3A_2] : memref<4x!tpu.dma_semaphore, #tpu.memory_space<semaphore_mem>> -> memref<1x!tpu.dma_semaphore, #tpu.memory_space<semaphore_mem>>
    %dma_start3A_29 = tpu.memref_squeeze %dma_start3A_28 : memref<1x!tpu.dma_semaphore, #tpu.memory_space<semaphore_mem>> -> memref<!tpu.dma_semaphore, #tpu.memory_space<semaphore_mem>>
    tpu.enqueue_indirect_dma source(%dma_start3A_27 : memref<100000x64xf32, #tpu.memory_space<hbm>>) target(%dma_start3A_21 : memref<50x64xf32, #tpu.memory_space<vmem>>) offsets(%dma_start3A_24 : memref<50xi32, #tpu.memory_space<vmem>>) semaphore(%dma_start3A_29 : memref<!tpu.dma_semaphore, #tpu.memory_space<semaphore_mem>>)
    %dma_start3A_30 = arith.constant 2 : i32
    %dma_start3A_31 = arith.constant 2 : i32
    %dma_start3A_32 = arith.constant 0 : i32
    %dma_start3A_33 = arith.constant 0 : i32
    %dma_start3A_34 = tpu.memref_slice %arg6[%rem3A_2, %dma_start3A_31, %dma_start3A_32, %dma_start3A_33] : memref<4x8x50x64xf32, #tpu.memory_space<vmem>> -> memref<1x1x50x64xf32, #tpu.memory_space<vmem>>
    %dma_start3A_35 = tpu.memref_squeeze %dma_start3A_34 : memref<1x1x50x64xf32, #tpu.memory_space<vmem>> -> memref<50x64xf32, #tpu.memory_space<vmem>>
    %dma_start3A_36 = arith.constant 0 : i32
    %dma_start3A_37 = tpu.memref_slice %arg5[%dma_start3A_30, %dma_start3A_36] : memref<128x50xi32, #tpu.memory_space<vmem>> -> memref<1x50xi32, #tpu.memory_space<vmem>>
    %dma_start3A_38 = tpu.memref_squeeze %dma_start3A_37 : memref<1x50xi32, #tpu.memory_space<vmem>> -> memref<50xi32, #tpu.memory_space<vmem>>
    %dma_start3A_39 = arith.constant 0 : i32
    %dma_start3A_40 = arith.constant 0 : i32
    %dma_start3A_41 = tpu.memref_slice %arg3[%dma_start3A_39, %dma_start3A_40] : memref<100000x64xf32, #tpu.memory_space<hbm>> -> memref<100000x64xf32, #tpu.memory_space<hbm>>
    %dma_start3A_42 = tpu.memref_slice %arg7[%rem3A_2] : memref<4x!tpu.dma_semaphore, #tpu.memory_space<semaphore_mem>> -> memref<1x!tpu.dma_semaphore, #tpu.memory_space<semaphore_mem>>
    %dma_start3A_43 = tpu.memref_squeeze %dma_start3A_42 : memref<1x!tpu.dma_semaphore, #tpu.memory_space<semaphore_mem>> -> memref<!tpu.dma_semaphore, #tpu.memory_space<semaphore_mem>>
    tpu.enqueue_indirect_dma source(%dma_start3A_41 : memref<100000x64xf32, #tpu.memory_space<hbm>>) target(%dma_start3A_35 : memref<50x64xf32, #tpu.memory_space<vmem>>) offsets(%dma_start3A_38 : memref<50xi32, #tpu.memory_space<vmem>>) semaphore(%dma_start3A_43 : memref<!tpu.dma_semaphore, #tpu.memory_space<semaphore_mem>>)
    %dma_start3A_44 = arith.constant 3 : i32
    %dma_start3A_45 = arith.constant 3 : i32
    %dma_start3A_46 = arith.constant 0 : i32
    %dma_start3A_47 = arith.constant 0 : i32
    %dma_start3A_48 = tpu.memref_slice %arg6[%rem3A_2, %dma_start3A_45, %dma_start3A_46, %dma_start3A_47] : memref<4x8x50x64xf32, #tpu.memory_space<vmem>> -> memref<1x1x50x64xf32, #tpu.memory_space<vmem>>
    %dma_start3A_49 = tpu.memref_squeeze %dma_start3A_48 : memref<1x1x50x64xf32, #tpu.memory_space<vmem>> -> memref<50x64xf32, #tpu.memory_space<vmem>>
    %dma_start3A_50 = arith.constant 0 : i32
    %dma_start3A_51 = tpu.memref_slice %arg5[%dma_start3A_44, %dma_start3A_50] : memref<128x50xi32, #tpu.memory_space<vmem>> -> memref<1x50xi32, #tpu.memory_space<vmem>>
    %dma_start3A_52 = tpu.memref_squeeze %dma_start3A_51 : memref<1x50xi32, #tpu.memory_space<vmem>> -> memref<50xi32, #tpu.memory_space<vmem>>
    %dma_start3A_53 = arith.constant 0 : i32
    %dma_start3A_54 = arith.constant 0 : i32
    %dma_start3A_55 = tpu.memref_slice %arg3[%dma_start3A_53, %dma_start3A_54] : memref<100000x64xf32, #tpu.memory_space<hbm>> -> memref<100000x64xf32, #tpu.memory_space<hbm>>
    %dma_start3A_56 = tpu.memref_slice %arg7[%rem3A_2] : memref<4x!tpu.dma_semaphore, #tpu.memory_space<semaphore_mem>> -> memref<1x!tpu.dma_semaphore, #tpu.memory_space<semaphore_mem>>
    %dma_start3A_57 = tpu.memref_squeeze %dma_start3A_56 : memref<1x!tpu.dma_semaphore, #tpu.memory_space<semaphore_mem>> -> memref<!tpu.dma_semaphore, #tpu.memory_space<semaphore_mem>>
    tpu.enqueue_indirect_dma source(%dma_start3A_55 : memref<100000x64xf32, #tpu.memory_space<hbm>>) target(%dma_start3A_49 : memref<50x64xf32, #tpu.memory_space<vmem>>) offsets(%dma_start3A_52 : memref<50xi32, #tpu.memory_space<vmem>>) semaphore(%dma_start3A_57 : memref<!tpu.dma_semaphore, #tpu.memory_space<semaphore_mem>>)
    %dma_start3A_58 = arith.constant 4 : i32
    %dma_start3A_59 = arith.constant 4 : i32
    %dma_start3A_60 = arith.constant 0 : i32
    %dma_start3A_61 = arith.constant 0 : i32
    %dma_start3A_62 = tpu.memref_slice %arg6[%rem3A_2, %dma_start3A_59, %dma_start3A_60, %dma_start3A_61] : memref<4x8x50x64xf32, #tpu.memory_space<vmem>> -> memref<1x1x50x64xf32, #tpu.memory_space<vmem>>
    %dma_start3A_63 = tpu.memref_squeeze %dma_start3A_62 : memref<1x1x50x64xf32, #tpu.memory_space<vmem>> -> memref<50x64xf32, #tpu.memory_space<vmem>>
    %dma_start3A_64 = arith.constant 0 : i32
    %dma_start3A_65 = tpu.memref_slice %arg5[%dma_start3A_58, %dma_start3A_64] : memref<128x50xi32, #tpu.memory_space<vmem>> -> memref<1x50xi32, #tpu.memory_space<vmem>>
    %dma_start3A_66 = tpu.memref_squeeze %dma_start3A_65 : memref<1x50xi32, #tpu.memory_space<vmem>> -> memref<50xi32, #tpu.memory_space<vmem>>
    %dma_start3A_67 = arith.constant 0 : i32
    %dma_start3A_68 = arith.constant 0 : i32
    %dma_start3A_69 = tpu.memref_slice %arg3[%dma_start3A_67, %dma_start3A_68] : memref<100000x64xf32, #tpu.memory_space<hbm>> -> memref<100000x64xf32, #tpu.memory_space<hbm>>
    %dma_start3A_70 = tpu.memref_slice %arg7[%rem3A_2] : memref<4x!tpu.dma_semaphore, #tpu.memory_space<semaphore_mem>> -> memref<1x!tpu.dma_semaphore, #tpu.memory_space<semaphore_mem>>
    %dma_start3A_71 = tpu.memref_squeeze %dma_start3A_70 : memref<1x!tpu.dma_semaphore, #tpu.memory_space<semaphore_mem>> -> memref<!tpu.dma_semaphore, #tpu.memory_space<semaphore_mem>>
    tpu.enqueue_indirect_dma source(%dma_start3A_69 : memref<100000x64xf32, #tpu.memory_space<hbm>>) target(%dma_start3A_63 : memref<50x64xf32, #tpu.memory_space<vmem>>) offsets(%dma_start3A_66 : memref<50xi32, #tpu.memory_space<vmem>>) semaphore(%dma_start3A_71 : memref<!tpu.dma_semaphore, #tpu.memory_space<semaphore_mem>>)
    %dma_start3A_72 = arith.constant 5 : i32
    %dma_start3A_73 = arith.constant 5 : i32
    %dma_start3A_74 = arith.constant 0 : i32
    %dma_start3A_75 = arith.constant 0 : i32
    %dma_start3A_76 = tpu.memref_slice %arg6[%rem3A_2, %dma_start3A_73, %dma_start3A_74, %dma_start3A_75] : memref<4x8x50x64xf32, #tpu.memory_space<vmem>> -> memref<1x1x50x64xf32, #tpu.memory_space<vmem>>
    %dma_start3A_77 = tpu.memref_squeeze %dma_start3A_76 : memref<1x1x50x64xf32, #tpu.memory_space<vmem>> -> memref<50x64xf32, #tpu.memory_space<vmem>>
    %dma_start3A_78 = arith.constant 0 : i32
    %dma_start3A_79 = tpu.memref_slice %arg5[%dma_start3A_72, %dma_start3A_78] : memref<128x50xi32, #tpu.memory_space<vmem>> -> memref<1x50xi32, #tpu.memory_space<vmem>>
    %dma_start3A_80 = tpu.memref_squeeze %dma_start3A_79 : memref<1x50xi32, #tpu.memory_space<vmem>> -> memref<50xi32, #tpu.memory_space<vmem>>
    %dma_start3A_81 = arith.constant 0 : i32
    %dma_start3A_82 = arith.constant 0 : i32
    %dma_start3A_83 = tpu.memref_slice %arg3[%dma_start3A_81, %dma_start3A_82] : memref<100000x64xf32, #tpu.memory_space<hbm>> -> memref<100000x64xf32, #tpu.memory_space<hbm>>
    %dma_start3A_84 = tpu.memref_slice %arg7[%rem3A_2] : memref<4x!tpu.dma_semaphore, #tpu.memory_space<semaphore_mem>> -> memref<1x!tpu.dma_semaphore, #tpu.memory_space<semaphore_mem>>
    %dma_start3A_85 = tpu.memref_squeeze %dma_start3A_84 : memref<1x!tpu.dma_semaphore, #tpu.memory_space<semaphore_mem>> -> memref<!tpu.dma_semaphore, #tpu.memory_space<semaphore_mem>>
    tpu.enqueue_indirect_dma source(%dma_start3A_83 : memref<100000x64xf32, #tpu.memory_space<hbm>>) target(%dma_start3A_77 : memref<50x64xf32, #tpu.memory_space<vmem>>) offsets(%dma_start3A_80 : memref<50xi32, #tpu.memory_space<vmem>>) semaphore(%dma_start3A_85 : memref<!tpu.dma_semaphore, #tpu.memory_space<semaphore_mem>>)
    %dma_start3A_86 = arith.constant 6 : i32
    %dma_start3A_87 = arith.constant 6 : i32
    %dma_start3A_88 = arith.constant 0 : i32
    %dma_start3A_89 = arith.constant 0 : i32
    %dma_start3A_90 = tpu.memref_slice %arg6[%rem3A_2, %dma_start3A_87, %dma_start3A_88, %dma_start3A_89] : memref<4x8x50x64xf32, #tpu.memory_space<vmem>> -> memref<1x1x50x64xf32, #tpu.memory_space<vmem>>
    %dma_start3A_91 = tpu.memref_squeeze %dma_start3A_90 : memref<1x1x50x64xf32, #tpu.memory_space<vmem>> -> memref<50x64xf32, #tpu.memory_space<vmem>>
    %dma_start3A_92 = arith.constant 0 : i32
    %dma_start3A_93 = tpu.memref_slice %arg5[%dma_start3A_86, %dma_start3A_92] : memref<128x50xi32, #tpu.memory_space<vmem>> -> memref<1x50xi32, #tpu.memory_space<vmem>>
    %dma_start3A_94 = tpu.memref_squeeze %dma_start3A_93 : memref<1x50xi32, #tpu.memory_space<vmem>> -> memref<50xi32, #tpu.memory_space<vmem>>
    %dma_start3A_95 = arith.constant 0 : i32
    %dma_start3A_96 = arith.constant 0 : i32
    %dma_start3A_97 = tpu.memref_slice %arg3[%dma_start3A_95, %dma_start3A_96] : memref<100000x64xf32, #tpu.memory_space<hbm>> -> memref<100000x64xf32, #tpu.memory_space<hbm>>
    %dma_start3A_98 = tpu.memref_slice %arg7[%rem3A_2] : memref<4x!tpu.dma_semaphore, #tpu.memory_space<semaphore_mem>> -> memref<1x!tpu.dma_semaphore, #tpu.memory_space<semaphore_mem>>
    %dma_start3A_99 = tpu.memref_squeeze %dma_start3A_98 : memref<1x!tpu.dma_semaphore, #tpu.memory_space<semaphore_mem>> -> memref<!tpu.dma_semaphore, #tpu.memory_space<semaphore_mem>>
    tpu.enqueue_indirect_dma source(%dma_start3A_97 : memref<100000x64xf32, #tpu.memory_space<hbm>>) target(%dma_start3A_91 : memref<50x64xf32, #tpu.memory_space<vmem>>) offsets(%dma_start3A_94 : memref<50xi32, #tpu.memory_space<vmem>>) semaphore(%dma_start3A_99 : memref<!tpu.dma_semaphore, #tpu.memory_space<semaphore_mem>>)
    %dma_start3A_100 = arith.constant 7 : i32
    %dma_start3A_101 = arith.constant 7 : i32
    %dma_start3A_102 = arith.constant 0 : i32
    %dma_start3A_103 = arith.constant 0 : i32
    %dma_start3A_104 = tpu.memref_slice %arg6[%rem3A_2, %dma_start3A_101, %dma_start3A_102, %dma_start3A_103] : memref<4x8x50x64xf32, #tpu.memory_space<vmem>> -> memref<1x1x50x64xf32, #tpu.memory_space<vmem>>
    %dma_start3A_105 = tpu.memref_squeeze %dma_start3A_104 : memref<1x1x50x64xf32, #tpu.memory_space<vmem>> -> memref<50x64xf32, #tpu.memory_space<vmem>>
    %dma_start3A_106 = arith.constant 0 : i32
    %dma_start3A_107 = tpu.memref_slice %arg5[%dma_start3A_100, %dma_start3A_106] : memref<128x50xi32, #tpu.memory_space<vmem>> -> memref<1x50xi32, #tpu.memory_space<vmem>>
    %dma_start3A_108 = tpu.memref_squeeze %dma_start3A_107 : memref<1x50xi32, #tpu.memory_space<vmem>> -> memref<50xi32, #tpu.memory_space<vmem>>
    %dma_start3A_109 = arith.constant 0 : i32
    %dma_start3A_110 = arith.constant 0 : i32
    %dma_start3A_111 = tpu.memref_slice %arg3[%dma_start3A_109, %dma_start3A_110] : memref<100000x64xf32, #tpu.memory_space<hbm>> -> memref<100000x64xf32, #tpu.memory_space<hbm>>
    %dma_start3A_112 = tpu.memref_slice %arg7[%rem3A_2] : memref<4x!tpu.dma_semaphore, #tpu.memory_space<semaphore_mem>> -> memref<1x!tpu.dma_semaphore, #tpu.memory_space<semaphore_mem>>
    %dma_start3A_113 = tpu.memref_squeeze %dma_start3A_112 : memref<1x!tpu.dma_semaphore, #tpu.memory_space<semaphore_mem>> -> memref<!tpu.dma_semaphore, #tpu.memory_space<semaphore_mem>>
    tpu.enqueue_indirect_dma source(%dma_start3A_111 : memref<100000x64xf32, #tpu.memory_space<hbm>>) target(%dma_start3A_105 : memref<50x64xf32, #tpu.memory_space<vmem>>) offsets(%dma_start3A_108 : memref<50xi32, #tpu.memory_space<vmem>>) semaphore(%dma_start3A_113 : memref<!tpu.dma_semaphore, #tpu.memory_space<semaphore_mem>>)
    %rem3A_114 = arith.constant 1 : i32
    %rem3A_115 = arith.constant 4 : i32
    %rem3A_116 = arith.remsi %rem3A_114, %rem3A_115 : i32
    %dma_start3A_117 = arith.constant 8 : i32
    %dma_start3A_118 = arith.constant 0 : i32
    %dma_start3A_119 = arith.constant 0 : i32
    %dma_start3A_120 = arith.constant 0 : i32
    %dma_start3A_121 = tpu.memref_slice %arg6[%rem3A_116, %dma_start3A_118, %dma_start3A_119, %dma_start3A_120] : memref<4x8x50x64xf32, #tpu.memory_space<vmem>> -> memref<1x1x50x64xf32, #tpu.memory_space<vmem>>
    %dma_start3A_122 = tpu.memref_squeeze %dma_start3A_121 : memref<1x1x50x64xf32, #tpu.memory_space<vmem>> -> memref<50x64xf32, #tpu.memory_space<vmem>>
    %dma_start3A_123 = arith.constant 0 : i32
    %dma_start3A_124 = tpu.memref_slice %arg5[%dma_start3A_117, %dma_start3A_123] : memref<128x50xi32, #tpu.memory_space<vmem>> -> memref<1x50xi32, #tpu.memory_space<vmem>>
    %dma_start3A_125 = tpu.memref_squeeze %dma_start3A_124 : memref<1x50xi32, #tpu.memory_space<vmem>> -> memref<50xi32, #tpu.memory_space<vmem>>
    %dma_start3A_126 = arith.constant 0 : i32
    %dma_start3A_127 = arith.constant 0 : i32
    %dma_start3A_128 = tpu.memref_slice %arg3[%dma_start3A_126, %dma_start3A_127] : memref<100000x64xf32, #tpu.memory_space<hbm>> -> memref<100000x64xf32, #tpu.memory_space<hbm>>
    %dma_start3A_129 = tpu.memref_slice %arg7[%rem3A_116] : memref<4x!tpu.dma_semaphore, #tpu.memory_space<semaphore_mem>> -> memref<1x!tpu.dma_semaphore, #tpu.memory_space<semaphore_mem>>
    %dma_start3A_130 = tpu.memref_squeeze %dma_start3A_129 : memref<1x!tpu.dma_semaphore, #tpu.memory_space<semaphore_mem>> -> memref<!tpu.dma_semaphore, #tpu.memory_space<semaphore_mem>>
    tpu.enqueue_indirect_dma source(%dma_start3A_128 : memref<100000x64xf32, #tpu.memory_space<hbm>>) target(%dma_start3A_122 : memref<50x64xf32, #tpu.memory_space<vmem>>) offsets(%dma_start3A_125 : memref<50xi32, #tpu.memory_space<vmem>>) semaphore(%dma_start3A_130 : memref<!tpu.dma_semaphore, #tpu.memory_space<semaphore_mem>>)
    %dma_start3A_131 = arith.constant 9 : i32
    %dma_start3A_132 = arith.constant 1 : i32
    %dma_start3A_133 = arith.constant 0 : i32
    %dma_start3A_134 = arith.constant 0 : i32
    %dma_start3A_135 = tpu.memref_slice %arg6[%rem3A_116, %dma_start3A_132, %dma_start3A_133, %dma_start3A_134] : memref<4x8x50x64xf32, #tpu.memory_space<vmem>> -> memref<1x1x50x64xf32, #tpu.memory_space<vmem>>
    %dma_start3A_136 = tpu.memref_squeeze %dma_start3A_135 : memref<1x1x50x64xf32, #tpu.memory_space<vmem>> -> memref<50x64xf32, #tpu.memory_space<vmem>>
    %dma_start3A_137 = arith.constant 0 : i32
    %dma_start3A_138 = tpu.memref_slice %arg5[%dma_start3A_131, %dma_start3A_137] : memref<128x50xi32, #tpu.memory_space<vmem>> -> memref<1x50xi32, #tpu.memory_space<vmem>>
    %dma_start3A_139 = tpu.memref_squeeze %dma_start3A_138 : memref<1x50xi32, #tpu.memory_space<vmem>> -> memref<50xi32, #tpu.memory_space<vmem>>
    %dma_start3A_140 = arith.constant 0 : i32
    %dma_start3A_141 = arith.constant 0 : i32
    %dma_start3A_142 = tpu.memref_slice %arg3[%dma_start3A_140, %dma_start3A_141] : memref<100000x64xf32, #tpu.memory_space<hbm>> -> memref<100000x64xf32, #tpu.memory_space<hbm>>
    %dma_start3A_143 = tpu.memref_slice %arg7[%rem3A_116] : memref<4x!tpu.dma_semaphore, #tpu.memory_space<semaphore_mem>> -> memref<1x!tpu.dma_semaphore, #tpu.memory_space<semaphore_mem>>
    %dma_start3A_144 = tpu.memref_squeeze %dma_start3A_143 : memref<1x!tpu.dma_semaphore, #tpu.memory_space<semaphore_mem>> -> memref<!tpu.dma_semaphore, #tpu.memory_space<semaphore_mem>>
    tpu.enqueue_indirect_dma source(%dma_start3A_142 : memref<100000x64xf32, #tpu.memory_space<hbm>>) target(%dma_start3A_136 : memref<50x64xf32, #tpu.memory_space<vmem>>) offsets(%dma_start3A_139 : memref<50xi32, #tpu.memory_space<vmem>>) semaphore(%dma_start3A_144 : memref<!tpu.dma_semaphore, #tpu.memory_space<semaphore_mem>>)
    %dma_start3A_145 = arith.constant 10 : i32
    %dma_start3A_146 = arith.constant 2 : i32
    %dma_start3A_147 = arith.constant 0 : i32
    %dma_start3A_148 = arith.constant 0 : i32
    %dma_start3A_149 = tpu.memref_slice %arg6[%rem3A_116, %dma_start3A_146, %dma_start3A_147, %dma_start3A_148] : memref<4x8x50x64xf32, #tpu.memory_space<vmem>> -> memref<1x1x50x64xf32, #tpu.memory_space<vmem>>
    %dma_start3A_150 = tpu.memref_squeeze %dma_start3A_149 : memref<1x1x50x64xf32, #tpu.memory_space<vmem>> -> memref<50x64xf32, #tpu.memory_space<vmem>>
    %dma_start3A_151 = arith.constant 0 : i32
    %dma_start3A_152 = tpu.memref_slice %arg5[%dma_start3A_145, %dma_start3A_151] : memref<128x50xi32, #tpu.memory_space<vmem>> -> memref<1x50xi32, #tpu.memory_space<vmem>>
    %dma_start3A_153 = tpu.memref_squeeze %dma_start3A_152 : memref<1x50xi32, #tpu.memory_space<vmem>> -> memref<50xi32, #tpu.memory_space<vmem>>
    %dma_start3A_154 = arith.constant 0 : i32
    %dma_start3A_155 = arith.constant 0 : i32
    %dma_start3A_156 = tpu.memref_slice %arg3[%dma_start3A_154, %dma_start3A_155] : memref<100000x64xf32, #tpu.memory_space<hbm>> -> memref<100000x64xf32, #tpu.memory_space<hbm>>
    %dma_start3A_157 = tpu.memref_slice %arg7[%rem3A_116] : memref<4x!tpu.dma_semaphore, #tpu.memory_space<semaphore_mem>> -> memref<1x!tpu.dma_semaphore, #tpu.memory_space<semaphore_mem>>
    %dma_start3A_158 = tpu.memref_squeeze %dma_start3A_157 : memref<1x!tpu.dma_semaphore, #tpu.memory_space<semaphore_mem>> -> memref<!tpu.dma_semaphore, #tpu.memory_space<semaphore_mem>>
    tpu.enqueue_indirect_dma source(%dma_start3A_156 : memref<100000x64xf32, #tpu.memory_space<hbm>>) target(%dma_start3A_150 : memref<50x64xf32, #tpu.memory_space<vmem>>) offsets(%dma_start3A_153 : memref<50xi32, #tpu.memory_space<vmem>>) semaphore(%dma_start3A_158 : memref<!tpu.dma_semaphore, #tpu.memory_space<semaphore_mem>>)
    %dma_start3A_159 = arith.constant 11 : i32
    %dma_start3A_160 = arith.constant 3 : i32
    %dma_start3A_161 = arith.constant 0 : i32
    %dma_start3A_162 = arith.constant 0 : i32
    %dma_start3A_163 = tpu.memref_slice %arg6[%rem3A_116, %dma_start3A_160, %dma_start3A_161, %dma_start3A_162] : memref<4x8x50x64xf32, #tpu.memory_space<vmem>> -> memref<1x1x50x64xf32, #tpu.memory_space<vmem>>
    %dma_start3A_164 = tpu.memref_squeeze %dma_start3A_163 : memref<1x1x50x64xf32, #tpu.memory_space<vmem>> -> memref<50x64xf32, #tpu.memory_space<vmem>>
    %dma_start3A_165 = arith.constant 0 : i32
    %dma_start3A_166 = tpu.memref_slice %arg5[%dma_start3A_159, %dma_start3A_165] : memref<128x50xi32, #tpu.memory_space<vmem>> -> memref<1x50xi32, #tpu.memory_space<vmem>>
    %dma_start3A_167 = tpu.memref_squeeze %dma_start3A_166 : memref<1x50xi32, #tpu.memory_space<vmem>> -> memref<50xi32, #tpu.memory_space<vmem>>
    %dma_start3A_168 = arith.constant 0 : i32
    %dma_start3A_169 = arith.constant 0 : i32
    %dma_start3A_170 = tpu.memref_slice %arg3[%dma_start3A_168, %dma_start3A_169] : memref<100000x64xf32, #tpu.memory_space<hbm>> -> memref<100000x64xf32, #tpu.memory_space<hbm>>
    %dma_start3A_171 = tpu.memref_slice %arg7[%rem3A_116] : memref<4x!tpu.dma_semaphore, #tpu.memory_space<semaphore_mem>> -> memref<1x!tpu.dma_semaphore, #tpu.memory_space<semaphore_mem>>
    %dma_start3A_172 = tpu.memref_squeeze %dma_start3A_171 : memref<1x!tpu.dma_semaphore, #tpu.memory_space<semaphore_mem>> -> memref<!tpu.dma_semaphore, #tpu.memory_space<semaphore_mem>>
    tpu.enqueue_indirect_dma source(%dma_start3A_170 : memref<100000x64xf32, #tpu.memory_space<hbm>>) target(%dma_start3A_164 : memref<50x64xf32, #tpu.memory_space<vmem>>) offsets(%dma_start3A_167 : memref<50xi32, #tpu.memory_space<vmem>>) semaphore(%dma_start3A_172 : memref<!tpu.dma_semaphore, #tpu.memory_space<semaphore_mem>>)
    %dma_start3A_173 = arith.constant 12 : i32
    %dma_start3A_174 = arith.constant 4 : i32
    %dma_start3A_175 = arith.constant 0 : i32
    %dma_start3A_176 = arith.constant 0 : i32
    %dma_start3A_177 = tpu.memref_slice %arg6[%rem3A_116, %dma_start3A_174, %dma_start3A_175, %dma_start3A_176] : memref<4x8x50x64xf32, #tpu.memory_space<vmem>> -> memref<1x1x50x64xf32, #tpu.memory_space<vmem>>
    %dma_start3A_178 = tpu.memref_squeeze %dma_start3A_177 : memref<1x1x50x64xf32, #tpu.memory_space<vmem>> -> memref<50x64xf32, #tpu.memory_space<vmem>>
    %dma_start3A_179 = arith.constant 0 : i32
    %dma_start3A_180 = tpu.memref_slice %arg5[%dma_start3A_173, %dma_start3A_179] : memref<128x50xi32, #tpu.memory_space<vmem>> -> memref<1x50xi32, #tpu.memory_space<vmem>>
    %dma_start3A_181 = tpu.memref_squeeze %dma_start3A_180 : memref<1x50xi32, #tpu.memory_space<vmem>> -> memref<50xi32, #tpu.memory_space<vmem>>
    %dma_start3A_182 = arith.constant 0 : i32
    %dma_start3A_183 = arith.constant 0 : i32
    %dma_start3A_184 = tpu.memref_slice %arg3[%dma_start3A_182, %dma_start3A_183] : memref<100000x64xf32, #tpu.memory_space<hbm>> -> memref<100000x64xf32, #tpu.memory_space<hbm>>
    %dma_start3A_185 = tpu.memref_slice %arg7[%rem3A_116] : memref<4x!tpu.dma_semaphore, #tpu.memory_space<semaphore_mem>> -> memref<1x!tpu.dma_semaphore, #tpu.memory_space<semaphore_mem>>
    %dma_start3A_186 = tpu.memref_squeeze %dma_start3A_185 : memref<1x!tpu.dma_semaphore, #tpu.memory_space<semaphore_mem>> -> memref<!tpu.dma_semaphore, #tpu.memory_space<semaphore_mem>>
    tpu.enqueue_indirect_dma source(%dma_start3A_184 : memref<100000x64xf32, #tpu.memory_space<hbm>>) target(%dma_start3A_178 : memref<50x64xf32, #tpu.memory_space<vmem>>) offsets(%dma_start3A_181 : memref<50xi32, #tpu.memory_space<vmem>>) semaphore(%dma_start3A_186 : memref<!tpu.dma_semaphore, #tpu.memory_space<semaphore_mem>>)
    %dma_start3A_187 = arith.constant 13 : i32
    %dma_start3A_188 = arith.constant 5 : i32
    %dma_start3A_189 = arith.constant 0 : i32
    %dma_start3A_190 = arith.constant 0 : i32
    %dma_start3A_191 = tpu.memref_slice %arg6[%rem3A_116, %dma_start3A_188, %dma_start3A_189, %dma_start3A_190] : memref<4x8x50x64xf32, #tpu.memory_space<vmem>> -> memref<1x1x50x64xf32, #tpu.memory_space<vmem>>
    %dma_start3A_192 = tpu.memref_squeeze %dma_start3A_191 : memref<1x1x50x64xf32, #tpu.memory_space<vmem>> -> memref<50x64xf32, #tpu.memory_space<vmem>>
    %dma_start3A_193 = arith.constant 0 : i32
    %dma_start3A_194 = tpu.memref_slice %arg5[%dma_start3A_187, %dma_start3A_193] : memref<128x50xi32, #tpu.memory_space<vmem>> -> memref<1x50xi32, #tpu.memory_space<vmem>>
    %dma_start3A_195 = tpu.memref_squeeze %dma_start3A_194 : memref<1x50xi32, #tpu.memory_space<vmem>> -> memref<50xi32, #tpu.memory_space<vmem>>
    %dma_start3A_196 = arith.constant 0 : i32
    %dma_start3A_197 = arith.constant 0 : i32
    %dma_start3A_198 = tpu.memref_slice %arg3[%dma_start3A_196, %dma_start3A_197] : memref<100000x64xf32, #tpu.memory_space<hbm>> -> memref<100000x64xf32, #tpu.memory_space<hbm>>
    %dma_start3A_199 = tpu.memref_slice %arg7[%rem3A_116] : memref<4x!tpu.dma_semaphore, #tpu.memory_space<semaphore_mem>> -> memref<1x!tpu.dma_semaphore, #tpu.memory_space<semaphore_mem>>
    %dma_start3A_200 = tpu.memref_squeeze %dma_start3A_199 : memref<1x!tpu.dma_semaphore, #tpu.memory_space<semaphore_mem>> -> memref<!tpu.dma_semaphore, #tpu.memory_space<semaphore_mem>>
    tpu.enqueue_indirect_dma source(%dma_start3A_198 : memref<100000x64xf32, #tpu.memory_space<hbm>>) target(%dma_start3A_192 : memref<50x64xf32, #tpu.memory_space<vmem>>) offsets(%dma_start3A_195 : memref<50xi32, #tpu.memory_space<vmem>>) semaphore(%dma_start3A_200 : memref<!tpu.dma_semaphore, #tpu.memory_space<semaphore_mem>>)
    %dma_start3A_201 = arith.constant 14 : i32
    %dma_start3A_202 = arith.constant 6 : i32
    %dma_start3A_203 = arith.constant 0 : i32
    %dma_start3A_204 = arith.constant 0 : i32
    %dma_start3A_205 = tpu.memref_slice %arg6[%rem3A_116, %dma_start3A_202, %dma_start3A_203, %dma_start3A_204] : memref<4x8x50x64xf32, #tpu.memory_space<vmem>> -> memref<1x1x50x64xf32, #tpu.memory_space<vmem>>
    %dma_start3A_206 = tpu.memref_squeeze %dma_start3A_205 : memref<1x1x50x64xf32, #tpu.memory_space<vmem>> -> memref<50x64xf32, #tpu.memory_space<vmem>>
    %dma_start3A_207 = arith.constant 0 : i32
    %dma_start3A_208 = tpu.memref_slice %arg5[%dma_start3A_201, %dma_start3A_207] : memref<128x50xi32, #tpu.memory_space<vmem>> -> memref<1x50xi32, #tpu.memory_space<vmem>>
    %dma_start3A_209 = tpu.memref_squeeze %dma_start3A_208 : memref<1x50xi32, #tpu.memory_space<vmem>> -> memref<50xi32, #tpu.memory_space<vmem>>
    %dma_start3A_210 = arith.constant 0 : i32
    %dma_start3A_211 = arith.constant 0 : i32
    %dma_start3A_212 = tpu.memref_slice %arg3[%dma_start3A_210, %dma_start3A_211] : memref<100000x64xf32, #tpu.memory_space<hbm>> -> memref<100000x64xf32, #tpu.memory_space<hbm>>
    %dma_start3A_213 = tpu.memref_slice %arg7[%rem3A_116] : memref<4x!tpu.dma_semaphore, #tpu.memory_space<semaphore_mem>> -> memref<1x!tpu.dma_semaphore, #tpu.memory_space<semaphore_mem>>
    %dma_start3A_214 = tpu.memref_squeeze %dma_start3A_213 : memref<1x!tpu.dma_semaphore, #tpu.memory_space<semaphore_mem>> -> memref<!tpu.dma_semaphore, #tpu.memory_space<semaphore_mem>>
    tpu.enqueue_indirect_dma source(%dma_start3A_212 : memref<100000x64xf32, #tpu.memory_space<hbm>>) target(%dma_start3A_206 : memref<50x64xf32, #tpu.memory_space<vmem>>) offsets(%dma_start3A_209 : memref<50xi32, #tpu.memory_space<vmem>>) semaphore(%dma_start3A_214 : memref<!tpu.dma_semaphore, #tpu.memory_space<semaphore_mem>>)
    %dma_start3A_215 = arith.constant 15 : i32
    %dma_start3A_216 = arith.constant 7 : i32
    %dma_start3A_217 = arith.constant 0 : i32
    %dma_start3A_218 = arith.constant 0 : i32
    %dma_start3A_219 = tpu.memref_slice %arg6[%rem3A_116, %dma_start3A_216, %dma_start3A_217, %dma_start3A_218] : memref<4x8x50x64xf32, #tpu.memory_space<vmem>> -> memref<1x1x50x64xf32, #tpu.memory_space<vmem>>
    %dma_start3A_220 = tpu.memref_squeeze %dma_start3A_219 : memref<1x1x50x64xf32, #tpu.memory_space<vmem>> -> memref<50x64xf32, #tpu.memory_space<vmem>>
    %dma_start3A_221 = arith.constant 0 : i32
    %dma_start3A_222 = tpu.memref_slice %arg5[%dma_start3A_215, %dma_start3A_221] : memref<128x50xi32, #tpu.memory_space<vmem>> -> memref<1x50xi32, #tpu.memory_space<vmem>>
    %dma_start3A_223 = tpu.memref_squeeze %dma_start3A_222 : memref<1x50xi32, #tpu.memory_space<vmem>> -> memref<50xi32, #tpu.memory_space<vmem>>
    %dma_start3A_224 = arith.constant 0 : i32
    %dma_start3A_225 = arith.constant 0 : i32
    %dma_start3A_226 = tpu.memref_slice %arg3[%dma_start3A_224, %dma_start3A_225] : memref<100000x64xf32, #tpu.memory_space<hbm>> -> memref<100000x64xf32, #tpu.memory_space<hbm>>
    %dma_start3A_227 = tpu.memref_slice %arg7[%rem3A_116] : memref<4x!tpu.dma_semaphore, #tpu.memory_space<semaphore_mem>> -> memref<1x!tpu.dma_semaphore, #tpu.memory_space<semaphore_mem>>
    %dma_start3A_228 = tpu.memref_squeeze %dma_start3A_227 : memref<1x!tpu.dma_semaphore, #tpu.memory_space<semaphore_mem>> -> memref<!tpu.dma_semaphore, #tpu.memory_space<semaphore_mem>>
    tpu.enqueue_indirect_dma source(%dma_start3A_226 : memref<100000x64xf32, #tpu.memory_space<hbm>>) target(%dma_start3A_220 : memref<50x64xf32, #tpu.memory_space<vmem>>) offsets(%dma_start3A_223 : memref<50xi32, #tpu.memory_space<vmem>>) semaphore(%dma_start3A_228 : memref<!tpu.dma_semaphore, #tpu.memory_space<semaphore_mem>>)
    %rem3A_229 = arith.constant 2 : i32
    %rem3A_230 = arith.constant 4 : i32
    %rem3A_231 = arith.remsi %rem3A_229, %rem3A_230 : i32
    %dma_start3A_232 = arith.constant 16 : i32
    %dma_start3A_233 = arith.constant 0 : i32
    %dma_start3A_234 = arith.constant 0 : i32
    %dma_start3A_235 = arith.constant 0 : i32
    %dma_start3A_236 = tpu.memref_slice %arg6[%rem3A_231, %dma_start3A_233, %dma_start3A_234, %dma_start3A_235] : memref<4x8x50x64xf32, #tpu.memory_space<vmem>> -> memref<1x1x50x64xf32, #tpu.memory_space<vmem>>
    %dma_start3A_237 = tpu.memref_squeeze %dma_start3A_236 : memref<1x1x50x64xf32, #tpu.memory_space<vmem>> -> memref<50x64xf32, #tpu.memory_space<vmem>>
    %dma_start3A_238 = arith.constant 0 : i32
    %dma_start3A_239 = tpu.memref_slice %arg5[%dma_start3A_232, %dma_start3A_238] : memref<128x50xi32, #tpu.memory_space<vmem>> -> memref<1x50xi32, #tpu.memory_space<vmem>>
    %dma_start3A_240 = tpu.memref_squeeze %dma_start3A_239 : memref<1x50xi32, #tpu.memory_space<vmem>> -> memref<50xi32, #tpu.memory_space<vmem>>
    %dma_start3A_241 = arith.constant 0 : i32
    %dma_start3A_242 = arith.constant 0 : i32
    %dma_start3A_243 = tpu.memref_slice %arg3[%dma_start3A_241, %dma_start3A_242] : memref<100000x64xf32, #tpu.memory_space<hbm>> -> memref<100000x64xf32, #tpu.memory_space<hbm>>
    %dma_start3A_244 = tpu.memref_slice %arg7[%rem3A_231] : memref<4x!tpu.dma_semaphore, #tpu.memory_space<semaphore_mem>> -> memref<1x!tpu.dma_semaphore, #tpu.memory_space<semaphore_mem>>
    %dma_start3A_245 = tpu.memref_squeeze %dma_start3A_244 : memref<1x!tpu.dma_semaphore, #tpu.memory_space<semaphore_mem>> -> memref<!tpu.dma_semaphore, #tpu.memory_space<semaphore_mem>>
    tpu.enqueue_indirect_dma source(%dma_start3A_243 : memref<100000x64xf32, #tpu.memory_space<hbm>>) target(%dma_start3A_237 : memref<50x64xf32, #tpu.memory_space<vmem>>) offsets(%dma_start3A_240 : memref<50xi32, #tpu.memory_space<vmem>>) semaphore(%dma_start3A_245 : memref<!tpu.dma_semaphore, #tpu.memory_space<semaphore_mem>>)
    %dma_start3A_246 = arith.constant 17 : i32
    %dma_start3A_247 = arith.constant 1 : i32
    %dma_start3A_248 = arith.constant 0 : i32
    %dma_start3A_249 = arith.constant 0 : i32
    %dma_start3A_250 = tpu.memref_slice %arg6[%rem3A_231, %dma_start3A_247, %dma_start3A_248, %dma_start3A_249] : memref<4x8x50x64xf32, #tpu.memory_space<vmem>> -> memref<1x1x50x64xf32, #tpu.memory_space<vmem>>
    %dma_start3A_251 = tpu.memref_squeeze %dma_start3A_250 : memref<1x1x50x64xf32, #tpu.memory_space<vmem>> -> memref<50x64xf32, #tpu.memory_space<vmem>>
    %dma_start3A_252 = arith.constant 0 : i32
    %dma_start3A_253 = tpu.memref_slice %arg5[%dma_start3A_246, %dma_start3A_252] : memref<128x50xi32, #tpu.memory_space<vmem>> -> memref<1x50xi32, #tpu.memory_space<vmem>>
    %dma_start3A_254 = tpu.memref_squeeze %dma_start3A_253 : memref<1x50xi32, #tpu.memory_space<vmem>> -> memref<50xi32, #tpu.memory_space<vmem>>
    %dma_start3A_255 = arith.constant 0 : i32
    %dma_start3A_256 = arith.constant 0 : i32
    %dma_start3A_257 = tpu.memref_slice %arg3[%dma_start3A_255, %dma_start3A_256] : memref<100000x64xf32, #tpu.memory_space<hbm>> -> memref<100000x64xf32, #tpu.memory_space<hbm>>
    %dma_start3A_258 = tpu.memref_slice %arg7[%rem3A_231] : memref<4x!tpu.dma_semaphore, #tpu.memory_space<semaphore_mem>> -> memref<1x!tpu.dma_semaphore, #tpu.memory_space<semaphore_mem>>
    %dma_start3A_259 = tpu.memref_squeeze %dma_start3A_258 : memref<1x!tpu.dma_semaphore, #tpu.memory_space<semaphore_mem>> -> memref<!tpu.dma_semaphore, #tpu.memory_space<semaphore_mem>>
    tpu.enqueue_indirect_dma source(%dma_start3A_257 : memref<100000x64xf32, #tpu.memory_space<hbm>>) target(%dma_start3A_251 : memref<50x64xf32, #tpu.memory_space<vmem>>) offsets(%dma_start3A_254 : memref<50xi32, #tpu.memory_space<vmem>>) semaphore(%dma_start3A_259 : memref<!tpu.dma_semaphore, #tpu.memory_space<semaphore_mem>>)
    %dma_start3A_260 = arith.constant 18 : i32
    %dma_start3A_261 = arith.constant 2 : i32
    %dma_start3A_262 = arith.constant 0 : i32
    %dma_start3A_263 = arith.constant 0 : i32
    %dma_start3A_264 = tpu.memref_slice %arg6[%rem3A_231, %dma_start3A_261, %dma_start3A_262, %dma_start3A_263] : memref<4x8x50x64xf32, #tpu.memory_space<vmem>> -> memref<1x1x50x64xf32, #tpu.memory_space<vmem>>
    %dma_start3A_265 = tpu.memref_squeeze %dma_start3A_264 : memref<1x1x50x64xf32, #tpu.memory_space<vmem>> -> memref<50x64xf32, #tpu.memory_space<vmem>>
    %dma_start3A_266 = arith.constant 0 : i32
    %dma_start3A_267 = tpu.memref_slice %arg5[%dma_start3A_260, %dma_start3A_266] : memref<128x50xi32, #tpu.memory_space<vmem>> -> memref<1x50xi32, #tpu.memory_space<vmem>>
    %dma_start3A_268 = tpu.memref_squeeze %dma_start3A_267 : memref<1x50xi32, #tpu.memory_space<vmem>> -> memref<50xi32, #tpu.memory_space<vmem>>
    %dma_start3A_269 = arith.constant 0 : i32
    %dma_start3A_270 = arith.constant 0 : i32
    %dma_start3A_271 = tpu.memref_slice %arg3[%dma_start3A_269, %dma_start3A_270] : memref<100000x64xf32, #tpu.memory_space<hbm>> -> memref<100000x64xf32, #tpu.memory_space<hbm>>
    %dma_start3A_272 = tpu.memref_slice %arg7[%rem3A_231] : memref<4x!tpu.dma_semaphore, #tpu.memory_space<semaphore_mem>> -> memref<1x!tpu.dma_semaphore, #tpu.memory_space<semaphore_mem>>
    %dma_start3A_273 = tpu.memref_squeeze %dma_start3A_272 : memref<1x!tpu.dma_semaphore, #tpu.memory_space<semaphore_mem>> -> memref<!tpu.dma_semaphore, #tpu.memory_space<semaphore_mem>>
    tpu.enqueue_indirect_dma source(%dma_start3A_271 : memref<100000x64xf32, #tpu.memory_space<hbm>>) target(%dma_start3A_265 : memref<50x64xf32, #tpu.memory_space<vmem>>) offsets(%dma_start3A_268 : memref<50xi32, #tpu.memory_space<vmem>>) semaphore(%dma_start3A_273 : memref<!tpu.dma_semaphore, #tpu.memory_space<semaphore_mem>>)
    %dma_start3A_274 = arith.constant 19 : i32
    %dma_start3A_275 = arith.constant 3 : i32
    %dma_start3A_276 = arith.constant 0 : i32
    %dma_start3A_277 = arith.constant 0 : i32
    %dma_start3A_278 = tpu.memref_slice %arg6[%rem3A_231, %dma_start3A_275, %dma_start3A_276, %dma_start3A_277] : memref<4x8x50x64xf32, #tpu.memory_space<vmem>> -> memref<1x1x50x64xf32, #tpu.memory_space<vmem>>
    %dma_start3A_279 = tpu.memref_squeeze %dma_start3A_278 : memref<1x1x50x64xf32, #tpu.memory_space<vmem>> -> memref<50x64xf32, #tpu.memory_space<vmem>>
    %dma_start3A_280 = arith.constant 0 : i32
    %dma_start3A_281 = tpu.memref_slice %arg5[%dma_start3A_274, %dma_start3A_280] : memref<128x50xi32, #tpu.memory_space<vmem>> -> memref<1x50xi32, #tpu.memory_space<vmem>>
    %dma_start3A_282 = tpu.memref_squeeze %dma_start3A_281 : memref<1x50xi32, #tpu.memory_space<vmem>> -> memref<50xi32, #tpu.memory_space<vmem>>
    %dma_start3A_283 = arith.constant 0 : i32
    %dma_start3A_284 = arith.constant 0 : i32
    %dma_start3A_285 = tpu.memref_slice %arg3[%dma_start3A_283, %dma_start3A_284] : memref<100000x64xf32, #tpu.memory_space<hbm>> -> memref<100000x64xf32, #tpu.memory_space<hbm>>
    %dma_start3A_286 = tpu.memref_slice %arg7[%rem3A_231] : memref<4x!tpu.dma_semaphore, #tpu.memory_space<semaphore_mem>> -> memref<1x!tpu.dma_semaphore, #tpu.memory_space<semaphore_mem>>
    %dma_start3A_287 = tpu.memref_squeeze %dma_start3A_286 : memref<1x!tpu.dma_semaphore, #tpu.memory_space<semaphore_mem>> -> memref<!tpu.dma_semaphore, #tpu.memory_space<semaphore_mem>>
    tpu.enqueue_indirect_dma source(%dma_start3A_285 : memref<100000x64xf32, #tpu.memory_space<hbm>>) target(%dma_start3A_279 : memref<50x64xf32, #tpu.memory_space<vmem>>) offsets(%dma_start3A_282 : memref<50xi32, #tpu.memory_space<vmem>>) semaphore(%dma_start3A_287 : memref<!tpu.dma_semaphore, #tpu.memory_space<semaphore_mem>>)
    %dma_start3A_288 = arith.constant 20 : i32
    %dma_start3A_289 = arith.constant 4 : i32
    %dma_start3A_290 = arith.constant 0 : i32
    %dma_start3A_291 = arith.constant 0 : i32
    %dma_start3A_292 = tpu.memref_slice %arg6[%rem3A_231, %dma_start3A_289, %dma_start3A_290, %dma_start3A_291] : memref<4x8x50x64xf32, #tpu.memory_space<vmem>> -> memref<1x1x50x64xf32, #tpu.memory_space<vmem>>
    %dma_start3A_293 = tpu.memref_squeeze %dma_start3A_292 : memref<1x1x50x64xf32, #tpu.memory_space<vmem>> -> memref<50x64xf32, #tpu.memory_space<vmem>>
    %dma_start3A_294 = arith.constant 0 : i32
    %dma_start3A_295 = tpu.memref_slice %arg5[%dma_start3A_288, %dma_start3A_294] : memref<128x50xi32, #tpu.memory_space<vmem>> -> memref<1x50xi32, #tpu.memory_space<vmem>>
    %dma_start3A_296 = tpu.memref_squeeze %dma_start3A_295 : memref<1x50xi32, #tpu.memory_space<vmem>> -> memref<50xi32, #tpu.memory_space<vmem>>
    %dma_start3A_297 = arith.constant 0 : i32
    %dma_start3A_298 = arith.constant 0 : i32
    %dma_start3A_299 = tpu.memref_slice %arg3[%dma_start3A_297, %dma_start3A_298] : memref<100000x64xf32, #tpu.memory_space<hbm>> -> memref<100000x64xf32, #tpu.memory_space<hbm>>
    %dma_start3A_300 = tpu.memref_slice %arg7[%rem3A_231] : memref<4x!tpu.dma_semaphore, #tpu.memory_space<semaphore_mem>> -> memref<1x!tpu.dma_semaphore, #tpu.memory_space<semaphore_mem>>
    %dma_start3A_301 = tpu.memref_squeeze %dma_start3A_300 : memref<1x!tpu.dma_semaphore, #tpu.memory_space<semaphore_mem>> -> memref<!tpu.dma_semaphore, #tpu.memory_space<semaphore_mem>>
    tpu.enqueue_indirect_dma source(%dma_start3A_299 : memref<100000x64xf32, #tpu.memory_space<hbm>>) target(%dma_start3A_293 : memref<50x64xf32, #tpu.memory_space<vmem>>) offsets(%dma_start3A_296 : memref<50xi32, #tpu.memory_space<vmem>>) semaphore(%dma_start3A_301 : memref<!tpu.dma_semaphore, #tpu.memory_space<semaphore_mem>>)
    %dma_start3A_302 = arith.constant 21 : i32
    %dma_start3A_303 = arith.constant 5 : i32
    %dma_start3A_304 = arith.constant 0 : i32
    %dma_start3A_305 = arith.constant 0 : i32
    %dma_start3A_306 = tpu.memref_slice %arg6[%rem3A_231, %dma_start3A_303, %dma_start3A_304, %dma_start3A_305] : memref<4x8x50x64xf32, #tpu.memory_space<vmem>> -> memref<1x1x50x64xf32, #tpu.memory_space<vmem>>
    %dma_start3A_307 = tpu.memref_squeeze %dma_start3A_306 : memref<1x1x50x64xf32, #tpu.memory_space<vmem>> -> memref<50x64xf32, #tpu.memory_space<vmem>>
    %dma_start3A_308 = arith.constant 0 : i32
    %dma_start3A_309 = tpu.memref_slice %arg5[%dma_start3A_302, %dma_start3A_308] : memref<128x50xi32, #tpu.memory_space<vmem>> -> memref<1x50xi32, #tpu.memory_space<vmem>>
    %dma_start3A_310 = tpu.memref_squeeze %dma_start3A_309 : memref<1x50xi32, #tpu.memory_space<vmem>> -> memref<50xi32, #tpu.memory_space<vmem>>
    %dma_start3A_311 = arith.constant 0 : i32
    %dma_start3A_312 = arith.constant 0 : i32
    %dma_start3A_313 = tpu.memref_slice %arg3[%dma_start3A_311, %dma_start3A_312] : memref<100000x64xf32, #tpu.memory_space<hbm>> -> memref<100000x64xf32, #tpu.memory_space<hbm>>
    %dma_start3A_314 = tpu.memref_slice %arg7[%rem3A_231] : memref<4x!tpu.dma_semaphore, #tpu.memory_space<semaphore_mem>> -> memref<1x!tpu.dma_semaphore, #tpu.memory_space<semaphore_mem>>
    %dma_start3A_315 = tpu.memref_squeeze %dma_start3A_314 : memref<1x!tpu.dma_semaphore, #tpu.memory_space<semaphore_mem>> -> memref<!tpu.dma_semaphore, #tpu.memory_space<semaphore_mem>>
    tpu.enqueue_indirect_dma source(%dma_start3A_313 : memref<100000x64xf32, #tpu.memory_space<hbm>>) target(%dma_start3A_307 : memref<50x64xf32, #tpu.memory_space<vmem>>) offsets(%dma_start3A_310 : memref<50xi32, #tpu.memory_space<vmem>>) semaphore(%dma_start3A_315 : memref<!tpu.dma_semaphore, #tpu.memory_space<semaphore_mem>>)
    %dma_start3A_316 = arith.constant 22 : i32
    %dma_start3A_317 = arith.constant 6 : i32
    %dma_start3A_318 = arith.constant 0 : i32
    %dma_start3A_319 = arith.constant 0 : i32
    %dma_start3A_320 = tpu.memref_slice %arg6[%rem3A_231, %dma_start3A_317, %dma_start3A_318, %dma_start3A_319] : memref<4x8x50x64xf32, #tpu.memory_space<vmem>> -> memref<1x1x50x64xf32, #tpu.memory_space<vmem>>
    %dma_start3A_321 = tpu.memref_squeeze %dma_start3A_320 : memref<1x1x50x64xf32, #tpu.memory_space<vmem>> -> memref<50x64xf32, #tpu.memory_space<vmem>>
    %dma_start3A_322 = arith.constant 0 : i32
    %dma_start3A_323 = tpu.memref_slice %arg5[%dma_start3A_316, %dma_start3A_322] : memref<128x50xi32, #tpu.memory_space<vmem>> -> memref<1x50xi32, #tpu.memory_space<vmem>>
    %dma_start3A_324 = tpu.memref_squeeze %dma_start3A_323 : memref<1x50xi32, #tpu.memory_space<vmem>> -> memref<50xi32, #tpu.memory_space<vmem>>
    %dma_start3A_325 = arith.constant 0 : i32
    %dma_start3A_326 = arith.constant 0 : i32
    %dma_start3A_327 = tpu.memref_slice %arg3[%dma_start3A_325, %dma_start3A_326] : memref<100000x64xf32, #tpu.memory_space<hbm>> -> memref<100000x64xf32, #tpu.memory_space<hbm>>
    %dma_start3A_328 = tpu.memref_slice %arg7[%rem3A_231] : memref<4x!tpu.dma_semaphore, #tpu.memory_space<semaphore_mem>> -> memref<1x!tpu.dma_semaphore, #tpu.memory_space<semaphore_mem>>
    %dma_start3A_329 = tpu.memref_squeeze %dma_start3A_328 : memref<1x!tpu.dma_semaphore, #tpu.memory_space<semaphore_mem>> -> memref<!tpu.dma_semaphore, #tpu.memory_space<semaphore_mem>>
    tpu.enqueue_indirect_dma source(%dma_start3A_327 : memref<100000x64xf32, #tpu.memory_space<hbm>>) target(%dma_start3A_321 : memref<50x64xf32, #tpu.memory_space<vmem>>) offsets(%dma_start3A_324 : memref<50xi32, #tpu.memory_space<vmem>>) semaphore(%dma_start3A_329 : memref<!tpu.dma_semaphore, #tpu.memory_space<semaphore_mem>>)
    %dma_start3A_330 = arith.constant 23 : i32
    %dma_start3A_331 = arith.constant 7 : i32
    %dma_start3A_332 = arith.constant 0 : i32
    %dma_start3A_333 = arith.constant 0 : i32
    %dma_start3A_334 = tpu.memref_slice %arg6[%rem3A_231, %dma_start3A_331, %dma_start3A_332, %dma_start3A_333] : memref<4x8x50x64xf32, #tpu.memory_space<vmem>> -> memref<1x1x50x64xf32, #tpu.memory_space<vmem>>
    %dma_start3A_335 = tpu.memref_squeeze %dma_start3A_334 : memref<1x1x50x64xf32, #tpu.memory_space<vmem>> -> memref<50x64xf32, #tpu.memory_space<vmem>>
    %dma_start3A_336 = arith.constant 0 : i32
    %dma_start3A_337 = tpu.memref_slice %arg5[%dma_start3A_330, %dma_start3A_336] : memref<128x50xi32, #tpu.memory_space<vmem>> -> memref<1x50xi32, #tpu.memory_space<vmem>>
    %dma_start3A_338 = tpu.memref_squeeze %dma_start3A_337 : memref<1x50xi32, #tpu.memory_space<vmem>> -> memref<50xi32, #tpu.memory_space<vmem>>
    %dma_start3A_339 = arith.constant 0 : i32
    %dma_start3A_340 = arith.constant 0 : i32
    %dma_start3A_341 = tpu.memref_slice %arg3[%dma_start3A_339, %dma_start3A_340] : memref<100000x64xf32, #tpu.memory_space<hbm>> -> memref<100000x64xf32, #tpu.memory_space<hbm>>
    %dma_start3A_342 = tpu.memref_slice %arg7[%rem3A_231] : memref<4x!tpu.dma_semaphore, #tpu.memory_space<semaphore_mem>> -> memref<1x!tpu.dma_semaphore, #tpu.memory_space<semaphore_mem>>
    %dma_start3A_343 = tpu.memref_squeeze %dma_start3A_342 : memref<1x!tpu.dma_semaphore, #tpu.memory_space<semaphore_mem>> -> memref<!tpu.dma_semaphore, #tpu.memory_space<semaphore_mem>>
    tpu.enqueue_indirect_dma source(%dma_start3A_341 : memref<100000x64xf32, #tpu.memory_space<hbm>>) target(%dma_start3A_335 : memref<50x64xf32, #tpu.memory_space<vmem>>) offsets(%dma_start3A_338 : memref<50xi32, #tpu.memory_space<vmem>>) semaphore(%dma_start3A_343 : memref<!tpu.dma_semaphore, #tpu.memory_space<semaphore_mem>>)
    %rem3A_344 = arith.constant 0 : i32
    %rem3A_345 = arith.constant 4 : i32
    %rem3A_346 = arith.remsi %rem3A_344, %rem3A_345 : i32
    %dma_wait3A = arith.constant 0 : i32
    %dma_wait3A_347 = arith.constant 0 : i32
    %dma_wait3A_348 = arith.constant 0 : i32
    %dma_wait3A_349 = arith.constant 0 : i32
    %dma_wait3A_350 = arith.constant 0 : i32
    %dma_wait3A_351 = arith.constant 0 : i32
    %dma_wait3A_352 = tpu.memref_slice %arg6[%dma_wait3A_348, %dma_wait3A_349, %dma_wait3A_350, %dma_wait3A_351] : memref<4x8x50x64xf32, #tpu.memory_space<vmem>> -> memref<1x1x50x64xf32, #tpu.memory_space<vmem>>
    %dma_wait3A_353 = tpu.memref_squeeze %dma_wait3A_352 : memref<1x1x50x64xf32, #tpu.memory_space<vmem>> -> memref<50x64xf32, #tpu.memory_space<vmem>>
    %dma_wait3A_354 = arith.constant 0 : i32
    %dma_wait3A_355 = arith.constant 0 : i32
    %dma_wait3A_356 = tpu.memref_slice %arg4[%add3A, %dma_wait3A, %dma_wait3A_347, %dma_wait3A_354, %dma_wait3A_355] : memref<32x16x8x56x128xf32, #tpu.memory_space<hbm>> -> memref<1x1x1x50x64xf32, #tpu.memory_space<hbm>>
    %dma_wait3A_357 = tpu.memref_squeeze %dma_wait3A_356 : memref<1x1x1x50x64xf32, #tpu.memory_space<hbm>> -> memref<50x64xf32, #tpu.memory_space<hbm>>
    %dma_wait3A_358 = tpu.memref_slice %arg7[%rem3A_346] : memref<4x!tpu.dma_semaphore, #tpu.memory_space<semaphore_mem>> -> memref<1x!tpu.dma_semaphore, #tpu.memory_space<semaphore_mem>>
    %dma_wait3A_359 = tpu.memref_squeeze %dma_wait3A_358 : memref<1x!tpu.dma_semaphore, #tpu.memory_space<semaphore_mem>> -> memref<!tpu.dma_semaphore, #tpu.memory_space<semaphore_mem>>
    %dma_wait3A_360 = arith.constant 0 : i32
    %dma_wait3A_361 = arith.constant 0 : i32
    %dma_wait3A_362 = tpu.memref_slice %arg6[%dma_wait3A_348, %dma_wait3A_349, %dma_wait3A_360, %dma_wait3A_361] : memref<4x8x50x64xf32, #tpu.memory_space<vmem>> -> memref<1x1x50x64xf32, #tpu.memory_space<vmem>>
    %dma_wait3A_363 = tpu.memref_squeeze %dma_wait3A_362 : memref<1x1x50x64xf32, #tpu.memory_space<vmem>> -> memref<50x64xf32, #tpu.memory_space<vmem>>
    %dma_wait3A_364 = arith.constant 0 : i32
    %dma_wait3A_365 = arith.constant 0 : i32
    %dma_wait3A_366 = tpu.memref_slice %arg4[%add3A, %dma_wait3A, %dma_wait3A_347, %dma_wait3A_364, %dma_wait3A_365] : memref<32x16x8x56x128xf32, #tpu.memory_space<hbm>> -> memref<1x1x1x50x64xf32, #tpu.memory_space<hbm>>
    %dma_wait3A_367 = tpu.memref_squeeze %dma_wait3A_366 : memref<1x1x1x50x64xf32, #tpu.memory_space<hbm>> -> memref<50x64xf32, #tpu.memory_space<hbm>>
    tpu.wait_dma2 semaphore(%dma_wait3A_359 : memref<!tpu.dma_semaphore, #tpu.memory_space<semaphore_mem>>) src(%dma_wait3A_367 : memref<50x64xf32, #tpu.memory_space<hbm>>) dst(%dma_wait3A_363 : memref<50x64xf32, #tpu.memory_space<vmem>>)
    %dma_wait3A_368 = arith.constant 0 : i32
    %dma_wait3A_369 = arith.constant 0 : i32
    %dma_wait3A_370 = arith.constant 0 : i32
    %dma_wait3A_371 = arith.constant 0 : i32
    %dma_wait3A_372 = arith.constant 0 : i32
    %dma_wait3A_373 = arith.constant 0 : i32
    %dma_wait3A_374 = tpu.memref_slice %arg6[%dma_wait3A_370, %dma_wait3A_371, %dma_wait3A_372, %dma_wait3A_373] : memref<4x8x50x64xf32, #tpu.memory_space<vmem>> -> memref<1x1x50x64xf32, #tpu.memory_space<vmem>>
    %dma_wait3A_375 = tpu.memref_squeeze %dma_wait3A_374 : memref<1x1x50x64xf32, #tpu.memory_space<vmem>> -> memref<50x64xf32, #tpu.memory_space<vmem>>
    %dma_wait3A_376 = arith.constant 0 : i32
    %dma_wait3A_377 = arith.constant 0 : i32
    %dma_wait3A_378 = tpu.memref_slice %arg4[%add3A, %dma_wait3A_368, %dma_wait3A_369, %dma_wait3A_376, %dma_wait3A_377] : memref<32x16x8x56x128xf32, #tpu.memory_space<hbm>> -> memref<1x1x1x50x64xf32, #tpu.memory_space<hbm>>
    %dma_wait3A_379 = tpu.memref_squeeze %dma_wait3A_378 : memref<1x1x1x50x64xf32, #tpu.memory_space<hbm>> -> memref<50x64xf32, #tpu.memory_space<hbm>>
    %dma_wait3A_380 = tpu.memref_slice %arg7[%rem3A_346] : memref<4x!tpu.dma_semaphore, #tpu.memory_space<semaphore_mem>> -> memref<1x!tpu.dma_semaphore, #tpu.memory_space<semaphore_mem>>
    %dma_wait3A_381 = tpu.memref_squeeze %dma_wait3A_380 : memref<1x!tpu.dma_semaphore, #tpu.memory_space<semaphore_mem>> -> memref<!tpu.dma_semaphore, #tpu.memory_space<semaphore_mem>>
    %dma_wait3A_382 = arith.constant 0 : i32
    %dma_wait3A_383 = arith.constant 0 : i32
    %dma_wait3A_384 = tpu.memref_slice %arg6[%dma_wait3A_370, %dma_wait3A_371, %dma_wait3A_382, %dma_wait3A_383] : memref<4x8x50x64xf32, #tpu.memory_space<vmem>> -> memref<1x1x50x64xf32, #tpu.memory_space<vmem>>
    %dma_wait3A_385 = tpu.memref_squeeze %dma_wait3A_384 : memref<1x1x50x64xf32, #tpu.memory_space<vmem>> -> memref<50x64xf32, #tpu.memory_space<vmem>>
    %dma_wait3A_386 = arith.constant 0 : i32
    %dma_wait3A_387 = arith.constant 0 : i32
    %dma_wait3A_388 = tpu.memref_slice %arg4[%add3A, %dma_wait3A_368, %dma_wait3A_369, %dma_wait3A_386, %dma_wait3A_387] : memref<32x16x8x56x128xf32, #tpu.memory_space<hbm>> -> memref<1x1x1x50x64xf32, #tpu.memory_space<hbm>>
    %dma_wait3A_389 = tpu.memref_squeeze %dma_wait3A_388 : memref<1x1x1x50x64xf32, #tpu.memory_space<hbm>> -> memref<50x64xf32, #tpu.memory_space<hbm>>
    tpu.wait_dma2 semaphore(%dma_wait3A_381 : memref<!tpu.dma_semaphore, #tpu.memory_space<semaphore_mem>>) src(%dma_wait3A_389 : memref<50x64xf32, #tpu.memory_space<hbm>>) dst(%dma_wait3A_385 : memref<50x64xf32, #tpu.memory_space<vmem>>)
    %dma_wait3A_390 = arith.constant 0 : i32
    %dma_wait3A_391 = arith.constant 0 : i32
    %dma_wait3A_392 = arith.constant 0 : i32
    %dma_wait3A_393 = arith.constant 0 : i32
    %dma_wait3A_394 = arith.constant 0 : i32
    %dma_wait3A_395 = arith.constant 0 : i32
    %dma_wait3A_396 = tpu.memref_slice %arg6[%dma_wait3A_392, %dma_wait3A_393, %dma_wait3A_394, %dma_wait3A_395] : memref<4x8x50x64xf32, #tpu.memory_space<vmem>> -> memref<1x1x50x64xf32, #tpu.memory_space<vmem>>
    %dma_wait3A_397 = tpu.memref_squeeze %dma_wait3A_396 : memref<1x1x50x64xf32, #tpu.memory_space<vmem>> -> memref<50x64xf32, #tpu.memory_space<vmem>>
    %dma_wait3A_398 = arith.constant 0 : i32
    %dma_wait3A_399 = arith.constant 0 : i32
    %dma_wait3A_400 = tpu.memref_slice %arg4[%add3A, %dma_wait3A_390, %dma_wait3A_391, %dma_wait3A_398, %dma_wait3A_399] : memref<32x16x8x56x128xf32, #tpu.memory_space<hbm>> -> memref<1x1x1x50x64xf32, #tpu.memory_space<hbm>>
    %dma_wait3A_401 = tpu.memref_squeeze %dma_wait3A_400 : memref<1x1x1x50x64xf32, #tpu.memory_space<hbm>> -> memref<50x64xf32, #tpu.memory_space<hbm>>
    %dma_wait3A_402 = tpu.memref_slice %arg7[%rem3A_346] : memref<4x!tpu.dma_semaphore, #tpu.memory_space<semaphore_mem>> -> memref<1x!tpu.dma_semaphore, #tpu.memory_space<semaphore_mem>>
    %dma_wait3A_403 = tpu.memref_squeeze %dma_wait3A_402 : memref<1x!tpu.dma_semaphore, #tpu.memory_space<semaphore_mem>> -> memref<!tpu.dma_semaphore, #tpu.memory_space<semaphore_mem>>
    %dma_wait3A_404 = arith.constant 0 : i32
    %dma_wait3A_405 = arith.constant 0 : i32
    %dma_wait3A_406 = tpu.memref_slice %arg6[%dma_wait3A_392, %dma_wait3A_393, %dma_wait3A_404, %dma_wait3A_405] : memref<4x8x50x64xf32, #tpu.memory_space<vmem>> -> memref<1x1x50x64xf32, #tpu.memory_space<vmem>>
    %dma_wait3A_407 = tpu.memref_squeeze %dma_wait3A_406 : memref<1x1x50x64xf32, #tpu.memory_space<vmem>> -> memref<50x64xf32, #tpu.memory_space<vmem>>
    %dma_wait3A_408 = arith.constant 0 : i32
    %dma_wait3A_409 = arith.constant 0 : i32
    %dma_wait3A_410 = tpu.memref_slice %arg4[%add3A, %dma_wait3A_390, %dma_wait3A_391, %dma_wait3A_408, %dma_wait3A_409] : memref<32x16x8x56x128xf32, #tpu.memory_space<hbm>> -> memref<1x1x1x50x64xf32, #tpu.memory_space<hbm>>
    %dma_wait3A_411 = tpu.memref_squeeze %dma_wait3A_410 : memref<1x1x1x50x64xf32, #tpu.memory_space<hbm>> -> memref<50x64xf32, #tpu.memory_space<hbm>>
    tpu.wait_dma2 semaphore(%dma_wait3A_403 : memref<!tpu.dma_semaphore, #tpu.memory_space<semaphore_mem>>) src(%dma_wait3A_411 : memref<50x64xf32, #tpu.memory_space<hbm>>) dst(%dma_wait3A_407 : memref<50x64xf32, #tpu.memory_space<vmem>>)
    %dma_wait3A_412 = arith.constant 0 : i32
    %dma_wait3A_413 = arith.constant 0 : i32
    %dma_wait3A_414 = arith.constant 0 : i32
    %dma_wait3A_415 = arith.constant 0 : i32
    %dma_wait3A_416 = arith.constant 0 : i32
    %dma_wait3A_417 = arith.constant 0 : i32
    %dma_wait3A_418 = tpu.memref_slice %arg6[%dma_wait3A_414, %dma_wait3A_415, %dma_wait3A_416, %dma_wait3A_417] : memref<4x8x50x64xf32, #tpu.memory_space<vmem>> -> memref<1x1x50x64xf32, #tpu.memory_space<vmem>>
    %dma_wait3A_419 = tpu.memref_squeeze %dma_wait3A_418 : memref<1x1x50x64xf32, #tpu.memory_space<vmem>> -> memref<50x64xf32, #tpu.memory_space<vmem>>
    %dma_wait3A_420 = arith.constant 0 : i32
    %dma_wait3A_421 = arith.constant 0 : i32
    %dma_wait3A_422 = tpu.memref_slice %arg4[%add3A, %dma_wait3A_412, %dma_wait3A_413, %dma_wait3A_420, %dma_wait3A_421] : memref<32x16x8x56x128xf32, #tpu.memory_space<hbm>> -> memref<1x1x1x50x64xf32, #tpu.memory_space<hbm>>
    %dma_wait3A_423 = tpu.memref_squeeze %dma_wait3A_422 : memref<1x1x1x50x64xf32, #tpu.memory_space<hbm>> -> memref<50x64xf32, #tpu.memory_space<hbm>>
    %dma_wait3A_424 = tpu.memref_slice %arg7[%rem3A_346] : memref<4x!tpu.dma_semaphore, #tpu.memory_space<semaphore_mem>> -> memref<1x!tpu.dma_semaphore, #tpu.memory_space<semaphore_mem>>
    %dma_wait3A_425 = tpu.memref_squeeze %dma_wait3A_424 : memref<1x!tpu.dma_semaphore, #tpu.memory_space<semaphore_mem>> -> memref<!tpu.dma_semaphore, #tpu.memory_space<semaphore_mem>>
    %dma_wait3A_426 = arith.constant 0 : i32
    %dma_wait3A_427 = arith.constant 0 : i32
    %dma_wait3A_428 = tpu.memref_slice %arg6[%dma_wait3A_414, %dma_wait3A_415, %dma_wait3A_426, %dma_wait3A_427] : memref<4x8x50x64xf32, #tpu.memory_space<vmem>> -> memref<1x1x50x64xf32, #tpu.memory_space<vmem>>
    %dma_wait3A_429 = tpu.memref_squeeze %dma_wait3A_428 : memref<1x1x50x64xf32, #tpu.memory_space<vmem>> -> memref<50x64xf32, #tpu.memory_space<vmem>>
    %dma_wait3A_430 = arith.constant 0 : i32
    %dma_wait3A_431 = arith.constant 0 : i32
    %dma_wait3A_432 = tpu.memref_slice %arg4[%add3A, %dma_wait3A_412, %dma_wait3A_413, %dma_wait3A_430, %dma_wait3A_431] : memref<32x16x8x56x128xf32, #tpu.memory_space<hbm>> -> memref<1x1x1x50x64xf32, #tpu.memory_space<hbm>>
    %dma_wait3A_433 = tpu.memref_squeeze %dma_wait3A_432 : memref<1x1x1x50x64xf32, #tpu.memory_space<hbm>> -> memref<50x64xf32, #tpu.memory_space<hbm>>
    tpu.wait_dma2 semaphore(%dma_wait3A_425 : memref<!tpu.dma_semaphore, #tpu.memory_space<semaphore_mem>>) src(%dma_wait3A_433 : memref<50x64xf32, #tpu.memory_space<hbm>>) dst(%dma_wait3A_429 : memref<50x64xf32, #tpu.memory_space<vmem>>)
    %dma_wait3A_434 = arith.constant 0 : i32
    %dma_wait3A_435 = arith.constant 0 : i32
    %dma_wait3A_436 = arith.constant 0 : i32
    %dma_wait3A_437 = arith.constant 0 : i32
    %dma_wait3A_438 = arith.constant 0 : i32
    %dma_wait3A_439 = arith.constant 0 : i32
    %dma_wait3A_440 = tpu.memref_slice %arg6[%dma_wait3A_436, %dma_wait3A_437, %dma_wait3A_438, %dma_wait3A_439] : memref<4x8x50x64xf32, #tpu.memory_space<vmem>> -> memref<1x1x50x64xf32, #tpu.memory_space<vmem>>
    %dma_wait3A_441 = tpu.memref_squeeze %dma_wait3A_440 : memref<1x1x50x64xf32, #tpu.memory_space<vmem>> -> memref<50x64xf32, #tpu.memory_space<vmem>>
    %dma_wait3A_442 = arith.constant 0 : i32
    %dma_wait3A_443 = arith.constant 0 : i32
    %dma_wait3A_444 = tpu.memref_slice %arg4[%add3A, %dma_wait3A_434, %dma_wait3A_435, %dma_wait3A_442, %dma_wait3A_443] : memref<32x16x8x56x128xf32, #tpu.memory_space<hbm>> -> memref<1x1x1x50x64xf32, #tpu.memory_space<hbm>>
    %dma_wait3A_445 = tpu.memref_squeeze %dma_wait3A_444 : memref<1x1x1x50x64xf32, #tpu.memory_space<hbm>> -> memref<50x64xf32, #tpu.memory_space<hbm>>
    %dma_wait3A_446 = tpu.memref_slice %arg7[%rem3A_346] : memref<4x!tpu.dma_semaphore, #tpu.memory_space<semaphore_mem>> -> memref<1x!tpu.dma_semaphore, #tpu.memory_space<semaphore_mem>>
    %dma_wait3A_447 = tpu.memref_squeeze %dma_wait3A_446 : memref<1x!tpu.dma_semaphore, #tpu.memory_space<semaphore_mem>> -> memref<!tpu.dma_semaphore, #tpu.memory_space<semaphore_mem>>
    %dma_wait3A_448 = arith.constant 0 : i32
    %dma_wait3A_449 = arith.constant 0 : i32
    %dma_wait3A_450 = tpu.memref_slice %arg6[%dma_wait3A_436, %dma_wait3A_437, %dma_wait3A_448, %dma_wait3A_449] : memref<4x8x50x64xf32, #tpu.memory_space<vmem>> -> memref<1x1x50x64xf32, #tpu.memory_space<vmem>>
    %dma_wait3A_451 = tpu.memref_squeeze %dma_wait3A_450 : memref<1x1x50x64xf32, #tpu.memory_space<vmem>> -> memref<50x64xf32, #tpu.memory_space<vmem>>
    %dma_wait3A_452 = arith.constant 0 : i32
    %dma_wait3A_453 = arith.constant 0 : i32
    %dma_wait3A_454 = tpu.memref_slice %arg4[%add3A, %dma_wait3A_434, %dma_wait3A_435, %dma_wait3A_452, %dma_wait3A_453] : memref<32x16x8x56x128xf32, #tpu.memory_space<hbm>> -> memref<1x1x1x50x64xf32, #tpu.memory_space<hbm>>
    %dma_wait3A_455 = tpu.memref_squeeze %dma_wait3A_454 : memref<1x1x1x50x64xf32, #tpu.memory_space<hbm>> -> memref<50x64xf32, #tpu.memory_space<hbm>>
    tpu.wait_dma2 semaphore(%dma_wait3A_447 : memref<!tpu.dma_semaphore, #tpu.memory_space<semaphore_mem>>) src(%dma_wait3A_455 : memref<50x64xf32, #tpu.memory_space<hbm>>) dst(%dma_wait3A_451 : memref<50x64xf32, #tpu.memory_space<vmem>>)
    %dma_wait3A_456 = arith.constant 0 : i32
    %dma_wait3A_457 = arith.constant 0 : i32
    %dma_wait3A_458 = arith.constant 0 : i32
    %dma_wait3A_459 = arith.constant 0 : i32
    %dma_wait3A_460 = arith.constant 0 : i32
    %dma_wait3A_461 = arith.constant 0 : i32
    %dma_wait3A_462 = tpu.memref_slice %arg6[%dma_wait3A_458, %dma_wait3A_459, %dma_wait3A_460, %dma_wait3A_461] : memref<4x8x50x64xf32, #tpu.memory_space<vmem>> -> memref<1x1x50x64xf32, #tpu.memory_space<vmem>>
    %dma_wait3A_463 = tpu.memref_squeeze %dma_wait3A_462 : memref<1x1x50x64xf32, #tpu.memory_space<vmem>> -> memref<50x64xf32, #tpu.memory_space<vmem>>
    %dma_wait3A_464 = arith.constant 0 : i32
    %dma_wait3A_465 = arith.constant 0 : i32
    %dma_wait3A_466 = tpu.memref_slice %arg4[%add3A, %dma_wait3A_456, %dma_wait3A_457, %dma_wait3A_464, %dma_wait3A_465] : memref<32x16x8x56x128xf32, #tpu.memory_space<hbm>> -> memref<1x1x1x50x64xf32, #tpu.memory_space<hbm>>
    %dma_wait3A_467 = tpu.memref_squeeze %dma_wait3A_466 : memref<1x1x1x50x64xf32, #tpu.memory_space<hbm>> -> memref<50x64xf32, #tpu.memory_space<hbm>>
    %dma_wait3A_468 = tpu.memref_slice %arg7[%rem3A_346] : memref<4x!tpu.dma_semaphore, #tpu.memory_space<semaphore_mem>> -> memref<1x!tpu.dma_semaphore, #tpu.memory_space<semaphore_mem>>
    %dma_wait3A_469 = tpu.memref_squeeze %dma_wait3A_468 : memref<1x!tpu.dma_semaphore, #tpu.memory_space<semaphore_mem>> -> memref<!tpu.dma_semaphore, #tpu.memory_space<semaphore_mem>>
    %dma_wait3A_470 = arith.constant 0 : i32
    %dma_wait3A_471 = arith.constant 0 : i32
    %dma_wait3A_472 = tpu.memref_slice %arg6[%dma_wait3A_458, %dma_wait3A_459, %dma_wait3A_470, %dma_wait3A_471] : memref<4x8x50x64xf32, #tpu.memory_space<vmem>> -> memref<1x1x50x64xf32, #tpu.memory_space<vmem>>
    %dma_wait3A_473 = tpu.memref_squeeze %dma_wait3A_472 : memref<1x1x50x64xf32, #tpu.memory_space<vmem>> -> memref<50x64xf32, #tpu.memory_space<vmem>>
    %dma_wait3A_474 = arith.constant 0 : i32
    %dma_wait3A_475 = arith.constant 0 : i32
    %dma_wait3A_476 = tpu.memref_slice %arg4[%add3A, %dma_wait3A_456, %dma_wait3A_457, %dma_wait3A_474, %dma_wait3A_475] : memref<32x16x8x56x128xf32, #tpu.memory_space<hbm>> -> memref<1x1x1x50x64xf32, #tpu.memory_space<hbm>>
    %dma_wait3A_477 = tpu.memref_squeeze %dma_wait3A_476 : memref<1x1x1x50x64xf32, #tpu.memory_space<hbm>> -> memref<50x64xf32, #tpu.memory_space<hbm>>
    tpu.wait_dma2 semaphore(%dma_wait3A_469 : memref<!tpu.dma_semaphore, #tpu.memory_space<semaphore_mem>>) src(%dma_wait3A_477 : memref<50x64xf32, #tpu.memory_space<hbm>>) dst(%dma_wait3A_473 : memref<50x64xf32, #tpu.memory_space<vmem>>)
    %dma_wait3A_478 = arith.constant 0 : i32
    %dma_wait3A_479 = arith.constant 0 : i32
    %dma_wait3A_480 = arith.constant 0 : i32
    %dma_wait3A_481 = arith.constant 0 : i32
    %dma_wait3A_482 = arith.constant 0 : i32
    %dma_wait3A_483 = arith.constant 0 : i32
    %dma_wait3A_484 = tpu.memref_slice %arg6[%dma_wait3A_480, %dma_wait3A_481, %dma_wait3A_482, %dma_wait3A_483] : memref<4x8x50x64xf32, #tpu.memory_space<vmem>> -> memref<1x1x50x64xf32, #tpu.memory_space<vmem>>
    %dma_wait3A_485 = tpu.memref_squeeze %dma_wait3A_484 : memref<1x1x50x64xf32, #tpu.memory_space<vmem>> -> memref<50x64xf32, #tpu.memory_space<vmem>>
    %dma_wait3A_486 = arith.constant 0 : i32
    %dma_wait3A_487 = arith.constant 0 : i32
    %dma_wait3A_488 = tpu.memref_slice %arg4[%add3A, %dma_wait3A_478, %dma_wait3A_479, %dma_wait3A_486, %dma_wait3A_487] : memref<32x16x8x56x128xf32, #tpu.memory_space<hbm>> -> memref<1x1x1x50x64xf32, #tpu.memory_space<hbm>>
    %dma_wait3A_489 = tpu.memref_squeeze %dma_wait3A_488 : memref<1x1x1x50x64xf32, #tpu.memory_space<hbm>> -> memref<50x64xf32, #tpu.memory_space<hbm>>
    %dma_wait3A_490 = tpu.memref_slice %arg7[%rem3A_346] : memref<4x!tpu.dma_semaphore, #tpu.memory_space<semaphore_mem>> -> memref<1x!tpu.dma_semaphore, #tpu.memory_space<semaphore_mem>>
    %dma_wait3A_491 = tpu.memref_squeeze %dma_wait3A_490 : memref<1x!tpu.dma_semaphore, #tpu.memory_space<semaphore_mem>> -> memref<!tpu.dma_semaphore, #tpu.memory_space<semaphore_mem>>
    %dma_wait3A_492 = arith.constant 0 : i32
    %dma_wait3A_493 = arith.constant 0 : i32
    %dma_wait3A_494 = tpu.memref_slice %arg6[%dma_wait3A_480, %dma_wait3A_481, %dma_wait3A_492, %dma_wait3A_493] : memref<4x8x50x64xf32, #tpu.memory_space<vmem>> -> memref<1x1x50x64xf32, #tpu.memory_space<vmem>>
    %dma_wait3A_495 = tpu.memref_squeeze %dma_wait3A_494 : memref<1x1x50x64xf32, #tpu.memory_space<vmem>> -> memref<50x64xf32, #tpu.memory_space<vmem>>
    %dma_wait3A_496 = arith.constant 0 : i32
    %dma_wait3A_497 = arith.constant 0 : i32
    %dma_wait3A_498 = tpu.memref_slice %arg4[%add3A, %dma_wait3A_478, %dma_wait3A_479, %dma_wait3A_496, %dma_wait3A_497] : memref<32x16x8x56x128xf32, #tpu.memory_space<hbm>> -> memref<1x1x1x50x64xf32, #tpu.memory_space<hbm>>
    %dma_wait3A_499 = tpu.memref_squeeze %dma_wait3A_498 : memref<1x1x1x50x64xf32, #tpu.memory_space<hbm>> -> memref<50x64xf32, #tpu.memory_space<hbm>>
    tpu.wait_dma2 semaphore(%dma_wait3A_491 : memref<!tpu.dma_semaphore, #tpu.memory_space<semaphore_mem>>) src(%dma_wait3A_499 : memref<50x64xf32, #tpu.memory_space<hbm>>) dst(%dma_wait3A_495 : memref<50x64xf32, #tpu.memory_space<vmem>>)
    %dma_wait3A_500 = arith.constant 0 : i32
    %dma_wait3A_501 = arith.constant 0 : i32
    %dma_wait3A_502 = arith.constant 0 : i32
    %dma_wait3A_503 = arith.constant 0 : i32
    %dma_wait3A_504 = arith.constant 0 : i32
    %dma_wait3A_505 = arith.constant 0 : i32
    %dma_wait3A_506 = tpu.memref_slice %arg6[%dma_wait3A_502, %dma_wait3A_503, %dma_wait3A_504, %dma_wait3A_505] : memref<4x8x50x64xf32, #tpu.memory_space<vmem>> -> memref<1x1x50x64xf32, #tpu.memory_space<vmem>>
    %dma_wait3A_507 = tpu.memref_squeeze %dma_wait3A_506 : memref<1x1x50x64xf32, #tpu.memory_space<vmem>> -> memref<50x64xf32, #tpu.memory_space<vmem>>
    %dma_wait3A_508 = arith.constant 0 : i32
    %dma_wait3A_509 = arith.constant 0 : i32
    %dma_wait3A_510 = tpu.memref_slice %arg4[%add3A, %dma_wait3A_500, %dma_wait3A_501, %dma_wait3A_508, %dma_wait3A_509] : memref<32x16x8x56x128xf32, #tpu.memory_space<hbm>> -> memref<1x1x1x50x64xf32, #tpu.memory_space<hbm>>
    %dma_wait3A_511 = tpu.memref_squeeze %dma_wait3A_510 : memref<1x1x1x50x64xf32, #tpu.memory_space<hbm>> -> memref<50x64xf32, #tpu.memory_space<hbm>>
    %dma_wait3A_512 = tpu.memref_slice %arg7[%rem3A_346] : memref<4x!tpu.dma_semaphore, #tpu.memory_space<semaphore_mem>> -> memref<1x!tpu.dma_semaphore, #tpu.memory_space<semaphore_mem>>
    %dma_wait3A_513 = tpu.memref_squeeze %dma_wait3A_512 : memref<1x!tpu.dma_semaphore, #tpu.memory_space<semaphore_mem>> -> memref<!tpu.dma_semaphore, #tpu.memory_space<semaphore_mem>>
    %dma_wait3A_514 = arith.constant 0 : i32
    %dma_wait3A_515 = arith.constant 0 : i32
    %dma_wait3A_516 = tpu.memref_slice %arg6[%dma_wait3A_502, %dma_wait3A_503, %dma_wait3A_514, %dma_wait3A_515] : memref<4x8x50x64xf32, #tpu.memory_space<vmem>> -> memref<1x1x50x64xf32, #tpu.memory_space<vmem>>
    %dma_wait3A_517 = tpu.memref_squeeze %dma_wait3A_516 : memref<1x1x50x64xf32, #tpu.memory_space<vmem>> -> memref<50x64xf32, #tpu.memory_space<vmem>>
    %dma_wait3A_518 = arith.constant 0 : i32
    %dma_wait3A_519 = arith.constant 0 : i32
    %dma_wait3A_520 = tpu.memref_slice %arg4[%add3A, %dma_wait3A_500, %dma_wait3A_501, %dma_wait3A_518, %dma_wait3A_519] : memref<32x16x8x56x128xf32, #tpu.memory_space<hbm>> -> memref<1x1x1x50x64xf32, #tpu.memory_space<hbm>>
    %dma_wait3A_521 = tpu.memref_squeeze %dma_wait3A_520 : memref<1x1x1x50x64xf32, #tpu.memory_space<hbm>> -> memref<50x64xf32, #tpu.memory_space<hbm>>
    tpu.wait_dma2 semaphore(%dma_wait3A_513 : memref<!tpu.dma_semaphore, #tpu.memory_space<semaphore_mem>>) src(%dma_wait3A_521 : memref<50x64xf32, #tpu.memory_space<hbm>>) dst(%dma_wait3A_517 : memref<50x64xf32, #tpu.memory_space<vmem>>)
    %rem3A_522 = arith.constant 0 : i32
    %rem3A_523 = arith.constant 4 : i32
    %rem3A_524 = arith.remsi %rem3A_522, %rem3A_523 : i32
    %dma_start3A_525 = arith.constant 0 : i32
    %dma_start3A_526 = arith.constant 0 : i32
    %dma_start3A_527 = arith.constant 0 : i32
    %dma_start3A_528 = arith.constant 0 : i32
    %dma_start3A_529 = tpu.memref_slice %arg6[%rem3A_524, %dma_start3A_526, %dma_start3A_527, %dma_start3A_528] : memref<4x8x50x64xf32, #tpu.memory_space<vmem>> -> memref<1x8x50x64xf32, #tpu.memory_space<vmem>>
    %dma_start3A_530 = tpu.memref_squeeze %dma_start3A_529 : memref<1x8x50x64xf32, #tpu.memory_space<vmem>> -> memref<8x50x64xf32, #tpu.memory_space<vmem>>
    %dma_start3A_531 = arith.constant 0 : i32
    %dma_start3A_532 = arith.constant 0 : i32
    %dma_start3A_533 = arith.constant 0 : i32
    %dma_start3A_534 = tpu.memref_slice %arg4[%add3A, %dma_start3A_525, %dma_start3A_531, %dma_start3A_532, %dma_start3A_533] : memref<32x16x8x56x128xf32, #tpu.memory_space<hbm>> -> memref<1x1x8x50x64xf32, #tpu.memory_space<hbm>>
    %dma_start3A_535 = tpu.memref_squeeze %dma_start3A_534 : memref<1x1x8x50x64xf32, #tpu.memory_space<hbm>> -> memref<8x50x64xf32, #tpu.memory_space<hbm>>
    %dma_start3A_536 = arith.constant 0 : i32
    %dma_start3A_537 = arith.constant 0 : i32
    %dma_start3A_538 = arith.constant 0 : i32
    %dma_start3A_539 = tpu.memref_slice %arg4[%add3A, %dma_start3A_525, %dma_start3A_536, %dma_start3A_537, %dma_start3A_538] : memref<32x16x8x56x128xf32, #tpu.memory_space<hbm>> -> memref<1x1x8x50x64xf32, #tpu.memory_space<hbm>>
    %dma_start3A_540 = tpu.memref_squeeze %dma_start3A_539 : memref<1x1x8x50x64xf32, #tpu.memory_space<hbm>> -> memref<8x50x64xf32, #tpu.memory_space<hbm>>
    %dma_start3A_541 = arith.constant 0 : i32
    %dma_start3A_542 = arith.constant 0 : i32
    %dma_start3A_543 = arith.constant 0 : i32
    %dma_start3A_544 = tpu.memref_slice %arg6[%rem3A_524, %dma_start3A_541, %dma_start3A_542, %dma_start3A_543] : memref<4x8x50x64xf32, #tpu.memory_space<vmem>> -> memref<1x8x50x64xf32, #tpu.memory_space<vmem>>
    %dma_start3A_545 = tpu.memref_squeeze %dma_start3A_544 : memref<1x8x50x64xf32, #tpu.memory_space<vmem>> -> memref<8x50x64xf32, #tpu.memory_space<vmem>>
    tpu.enqueue_dma source(%dma_start3A_545 : memref<8x50x64xf32, #tpu.memory_space<vmem>>) target(%dma_start3A_540 : memref<8x50x64xf32, #tpu.memory_space<hbm>>) target_semaphore(%arg8 : memref<!tpu.dma_semaphore, #tpu.memory_space<semaphore_mem>>)
    %rem3A_546 = arith.constant 3 : i32
    %rem3A_547 = arith.constant 4 : i32
    %rem3A_548 = arith.remsi %rem3A_546, %rem3A_547 : i32
    %dma_start3A_549 = arith.constant 24 : i32
    %dma_start3A_550 = arith.constant 0 : i32
    %dma_start3A_551 = arith.constant 0 : i32
    %dma_start3A_552 = arith.constant 0 : i32
    %dma_start3A_553 = tpu.memref_slice %arg6[%rem3A_548, %dma_start3A_550, %dma_start3A_551, %dma_start3A_552] : memref<4x8x50x64xf32, #tpu.memory_space<vmem>> -> memref<1x1x50x64xf32, #tpu.memory_space<vmem>>
    %dma_start3A_554 = tpu.memref_squeeze %dma_start3A_553 : memref<1x1x50x64xf32, #tpu.memory_space<vmem>> -> memref<50x64xf32, #tpu.memory_space<vmem>>
    %dma_start3A_555 = arith.constant 0 : i32
    %dma_start3A_556 = tpu.memref_slice %arg5[%dma_start3A_549, %dma_start3A_555] : memref<128x50xi32, #tpu.memory_space<vmem>> -> memref<1x50xi32, #tpu.memory_space<vmem>>
    %dma_start3A_557 = tpu.memref_squeeze %dma_start3A_556 : memref<1x50xi32, #tpu.memory_space<vmem>> -> memref<50xi32, #tpu.memory_space<vmem>>
    %dma_start3A_558 = arith.constant 0 : i32
    %dma_start3A_559 = arith.constant 0 : i32
    %dma_start3A_560 = tpu.memref_slice %arg3[%dma_start3A_558, %dma_start3A_559] : memref<100000x64xf32, #tpu.memory_space<hbm>> -> memref<100000x64xf32, #tpu.memory_space<hbm>>
    %dma_start3A_561 = tpu.memref_slice %arg7[%rem3A_548] : memref<4x!tpu.dma_semaphore, #tpu.memory_space<semaphore_mem>> -> memref<1x!tpu.dma_semaphore, #tpu.memory_space<semaphore_mem>>
    %dma_start3A_562 = tpu.memref_squeeze %dma_start3A_561 : memref<1x!tpu.dma_semaphore, #tpu.memory_space<semaphore_mem>> -> memref<!tpu.dma_semaphore, #tpu.memory_space<semaphore_mem>>
    tpu.enqueue_indirect_dma source(%dma_start3A_560 : memref<100000x64xf32, #tpu.memory_space<hbm>>) target(%dma_start3A_554 : memref<50x64xf32, #tpu.memory_space<vmem>>) offsets(%dma_start3A_557 : memref<50xi32, #tpu.memory_space<vmem>>) semaphore(%dma_start3A_562 : memref<!tpu.dma_semaphore, #tpu.memory_space<semaphore_mem>>)
    %dma_start3A_563 = arith.constant 25 : i32
    %dma_start3A_564 = arith.constant 1 : i32
    %dma_start3A_565 = arith.constant 0 : i32
    %dma_start3A_566 = arith.constant 0 : i32
    %dma_start3A_567 = tpu.memref_slice %arg6[%rem3A_548, %dma_start3A_564, %dma_start3A_565, %dma_start3A_566] : memref<4x8x50x64xf32, #tpu.memory_space<vmem>> -> memref<1x1x50x64xf32, #tpu.memory_space<vmem>>
    %dma_start3A_568 = tpu.memref_squeeze %dma_start3A_567 : memref<1x1x50x64xf32, #tpu.memory_space<vmem>> -> memref<50x64xf32, #tpu.memory_space<vmem>>
    %dma_start3A_569 = arith.constant 0 : i32
    %dma_start3A_570 = tpu.memref_slice %arg5[%dma_start3A_563, %dma_start3A_569] : memref<128x50xi32, #tpu.memory_space<vmem>> -> memref<1x50xi32, #tpu.memory_space<vmem>>
    %dma_start3A_571 = tpu.memref_squeeze %dma_start3A_570 : memref<1x50xi32, #tpu.memory_space<vmem>> -> memref<50xi32, #tpu.memory_space<vmem>>
    %dma_start3A_572 = arith.constant 0 : i32
    %dma_start3A_573 = arith.constant 0 : i32
    %dma_start3A_574 = tpu.memref_slice %arg3[%dma_start3A_572, %dma_start3A_573] : memref<100000x64xf32, #tpu.memory_space<hbm>> -> memref<100000x64xf32, #tpu.memory_space<hbm>>
    %dma_start3A_575 = tpu.memref_slice %arg7[%rem3A_548] : memref<4x!tpu.dma_semaphore, #tpu.memory_space<semaphore_mem>> -> memref<1x!tpu.dma_semaphore, #tpu.memory_space<semaphore_mem>>
    %dma_start3A_576 = tpu.memref_squeeze %dma_start3A_575 : memref<1x!tpu.dma_semaphore, #tpu.memory_space<semaphore_mem>> -> memref<!tpu.dma_semaphore, #tpu.memory_space<semaphore_mem>>
    tpu.enqueue_indirect_dma source(%dma_start3A_574 : memref<100000x64xf32, #tpu.memory_space<hbm>>) target(%dma_start3A_568 : memref<50x64xf32, #tpu.memory_space<vmem>>) offsets(%dma_start3A_571 : memref<50xi32, #tpu.memory_space<vmem>>) semaphore(%dma_start3A_576 : memref<!tpu.dma_semaphore, #tpu.memory_space<semaphore_mem>>)
    %dma_start3A_577 = arith.constant 26 : i32
    %dma_start3A_578 = arith.constant 2 : i32
    %dma_start3A_579 = arith.constant 0 : i32
    %dma_start3A_580 = arith.constant 0 : i32
    %dma_start3A_581 = tpu.memref_slice %arg6[%rem3A_548, %dma_start3A_578, %dma_start3A_579, %dma_start3A_580] : memref<4x8x50x64xf32, #tpu.memory_space<vmem>> -> memref<1x1x50x64xf32, #tpu.memory_space<vmem>>
    %dma_start3A_582 = tpu.memref_squeeze %dma_start3A_581 : memref<1x1x50x64xf32, #tpu.memory_space<vmem>> -> memref<50x64xf32, #tpu.memory_space<vmem>>
    %dma_start3A_583 = arith.constant 0 : i32
    %dma_start3A_584 = tpu.memref_slice %arg5[%dma_start3A_577, %dma_start3A_583] : memref<128x50xi32, #tpu.memory_space<vmem>> -> memref<1x50xi32, #tpu.memory_space<vmem>>
    %dma_start3A_585 = tpu.memref_squeeze %dma_start3A_584 : memref<1x50xi32, #tpu.memory_space<vmem>> -> memref<50xi32, #tpu.memory_space<vmem>>
    %dma_start3A_586 = arith.constant 0 : i32
    %dma_start3A_587 = arith.constant 0 : i32
    %dma_start3A_588 = tpu.memref_slice %arg3[%dma_start3A_586, %dma_start3A_587] : memref<100000x64xf32, #tpu.memory_space<hbm>> -> memref<100000x64xf32, #tpu.memory_space<hbm>>
    %dma_start3A_589 = tpu.memref_slice %arg7[%rem3A_548] : memref<4x!tpu.dma_semaphore, #tpu.memory_space<semaphore_mem>> -> memref<1x!tpu.dma_semaphore, #tpu.memory_space<semaphore_mem>>
    %dma_start3A_590 = tpu.memref_squeeze %dma_start3A_589 : memref<1x!tpu.dma_semaphore, #tpu.memory_space<semaphore_mem>> -> memref<!tpu.dma_semaphore, #tpu.memory_space<semaphore_mem>>
    tpu.enqueue_indirect_dma source(%dma_start3A_588 : memref<100000x64xf32, #tpu.memory_space<hbm>>) target(%dma_start3A_582 : memref<50x64xf32, #tpu.memory_space<vmem>>) offsets(%dma_start3A_585 : memref<50xi32, #tpu.memory_space<vmem>>) semaphore(%dma_start3A_590 : memref<!tpu.dma_semaphore, #tpu.memory_space<semaphore_mem>>)
    %dma_start3A_591 = arith.constant 27 : i32
    %dma_start3A_592 = arith.constant 3 : i32
    %dma_start3A_593 = arith.constant 0 : i32
    %dma_start3A_594 = arith.constant 0 : i32
    %dma_start3A_595 = tpu.memref_slice %arg6[%rem3A_548, %dma_start3A_592, %dma_start3A_593, %dma_start3A_594] : memref<4x8x50x64xf32, #tpu.memory_space<vmem>> -> memref<1x1x50x64xf32, #tpu.memory_space<vmem>>
    %dma_start3A_596 = tpu.memref_squeeze %dma_start3A_595 : memref<1x1x50x64xf32, #tpu.memory_space<vmem>> -> memref<50x64xf32, #tpu.memory_space<vmem>>
    %dma_start3A_597 = arith.constant 0 : i32
    %dma_start3A_598 = tpu.memref_slice %arg5[%dma_start3A_591, %dma_start3A_597] : memref<128x50xi32, #tpu.memory_space<vmem>> -> memref<1x50xi32, #tpu.memory_space<vmem>>
    %dma_start3A_599 = tpu.memref_squeeze %dma_start3A_598 : memref<1x50xi32, #tpu.memory_space<vmem>> -> memref<50xi32, #tpu.memory_space<vmem>>
    %dma_start3A_600 = arith.constant 0 : i32
    %dma_start3A_601 = arith.constant 0 : i32
    %dma_start3A_602 = tpu.memref_slice %arg3[%dma_start3A_600, %dma_start3A_601] : memref<100000x64xf32, #tpu.memory_space<hbm>> -> memref<100000x64xf32, #tpu.memory_space<hbm>>
    %dma_start3A_603 = tpu.memref_slice %arg7[%rem3A_548] : memref<4x!tpu.dma_semaphore, #tpu.memory_space<semaphore_mem>> -> memref<1x!tpu.dma_semaphore, #tpu.memory_space<semaphore_mem>>
    %dma_start3A_604 = tpu.memref_squeeze %dma_start3A_603 : memref<1x!tpu.dma_semaphore, #tpu.memory_space<semaphore_mem>> -> memref<!tpu.dma_semaphore, #tpu.memory_space<semaphore_mem>>
    tpu.enqueue_indirect_dma source(%dma_start3A_602 : memref<100000x64xf32, #tpu.memory_space<hbm>>) target(%dma_start3A_596 : memref<50x64xf32, #tpu.memory_space<vmem>>) offsets(%dma_start3A_599 : memref<50xi32, #tpu.memory_space<vmem>>) semaphore(%dma_start3A_604 : memref<!tpu.dma_semaphore, #tpu.memory_space<semaphore_mem>>)
    %dma_start3A_605 = arith.constant 28 : i32
    %dma_start3A_606 = arith.constant 4 : i32
    %dma_start3A_607 = arith.constant 0 : i32
    %dma_start3A_608 = arith.constant 0 : i32
    %dma_start3A_609 = tpu.memref_slice %arg6[%rem3A_548, %dma_start3A_606, %dma_start3A_607, %dma_start3A_608] : memref<4x8x50x64xf32, #tpu.memory_space<vmem>> -> memref<1x1x50x64xf32, #tpu.memory_space<vmem>>
    %dma_start3A_610 = tpu.memref_squeeze %dma_start3A_609 : memref<1x1x50x64xf32, #tpu.memory_space<vmem>> -> memref<50x64xf32, #tpu.memory_space<vmem>>
    %dma_start3A_611 = arith.constant 0 : i32
    %dma_start3A_612 = tpu.memref_slice %arg5[%dma_start3A_605, %dma_start3A_611] : memref<128x50xi32, #tpu.memory_space<vmem>> -> memref<1x50xi32, #tpu.memory_space<vmem>>
    %dma_start3A_613 = tpu.memref_squeeze %dma_start3A_612 : memref<1x50xi32, #tpu.memory_space<vmem>> -> memref<50xi32, #tpu.memory_space<vmem>>
    %dma_start3A_614 = arith.constant 0 : i32
    %dma_start3A_615 = arith.constant 0 : i32
    %dma_start3A_616 = tpu.memref_slice %arg3[%dma_start3A_614, %dma_start3A_615] : memref<100000x64xf32, #tpu.memory_space<hbm>> -> memref<100000x64xf32, #tpu.memory_space<hbm>>
    %dma_start3A_617 = tpu.memref_slice %arg7[%rem3A_548] : memref<4x!tpu.dma_semaphore, #tpu.memory_space<semaphore_mem>> -> memref<1x!tpu.dma_semaphore, #tpu.memory_space<semaphore_mem>>
    %dma_start3A_618 = tpu.memref_squeeze %dma_start3A_617 : memref<1x!tpu.dma_semaphore, #tpu.memory_space<semaphore_mem>> -> memref<!tpu.dma_semaphore, #tpu.memory_space<semaphore_mem>>
    tpu.enqueue_indirect_dma source(%dma_start3A_616 : memref<100000x64xf32, #tpu.memory_space<hbm>>) target(%dma_start3A_610 : memref<50x64xf32, #tpu.memory_space<vmem>>) offsets(%dma_start3A_613 : memref<50xi32, #tpu.memory_space<vmem>>) semaphore(%dma_start3A_618 : memref<!tpu.dma_semaphore, #tpu.memory_space<semaphore_mem>>)
    %dma_start3A_619 = arith.constant 29 : i32
    %dma_start3A_620 = arith.constant 5 : i32
    %dma_start3A_621 = arith.constant 0 : i32
    %dma_start3A_622 = arith.constant 0 : i32
    %dma_start3A_623 = tpu.memref_slice %arg6[%rem3A_548, %dma_start3A_620, %dma_start3A_621, %dma_start3A_622] : memref<4x8x50x64xf32, #tpu.memory_space<vmem>> -> memref<1x1x50x64xf32, #tpu.memory_space<vmem>>
    %dma_start3A_624 = tpu.memref_squeeze %dma_start3A_623 : memref<1x1x50x64xf32, #tpu.memory_space<vmem>> -> memref<50x64xf32, #tpu.memory_space<vmem>>
    %dma_start3A_625 = arith.constant 0 : i32
    %dma_start3A_626 = tpu.memref_slice %arg5[%dma_start3A_619, %dma_start3A_625] : memref<128x50xi32, #tpu.memory_space<vmem>> -> memref<1x50xi32, #tpu.memory_space<vmem>>
    %dma_start3A_627 = tpu.memref_squeeze %dma_start3A_626 : memref<1x50xi32, #tpu.memory_space<vmem>> -> memref<50xi32, #tpu.memory_space<vmem>>
    %dma_start3A_628 = arith.constant 0 : i32
    %dma_start3A_629 = arith.constant 0 : i32
    %dma_start3A_630 = tpu.memref_slice %arg3[%dma_start3A_628, %dma_start3A_629] : memref<100000x64xf32, #tpu.memory_space<hbm>> -> memref<100000x64xf32, #tpu.memory_space<hbm>>
    %dma_start3A_631 = tpu.memref_slice %arg7[%rem3A_548] : memref<4x!tpu.dma_semaphore, #tpu.memory_space<semaphore_mem>> -> memref<1x!tpu.dma_semaphore, #tpu.memory_space<semaphore_mem>>
    %dma_start3A_632 = tpu.memref_squeeze %dma_start3A_631 : memref<1x!tpu.dma_semaphore, #tpu.memory_space<semaphore_mem>> -> memref<!tpu.dma_semaphore, #tpu.memory_space<semaphore_mem>>
    tpu.enqueue_indirect_dma source(%dma_start3A_630 : memref<100000x64xf32, #tpu.memory_space<hbm>>) target(%dma_start3A_624 : memref<50x64xf32, #tpu.memory_space<vmem>>) offsets(%dma_start3A_627 : memref<50xi32, #tpu.memory_space<vmem>>) semaphore(%dma_start3A_632 : memref<!tpu.dma_semaphore, #tpu.memory_space<semaphore_mem>>)
    %dma_start3A_633 = arith.constant 30 : i32
    %dma_start3A_634 = arith.constant 6 : i32
    %dma_start3A_635 = arith.constant 0 : i32
    %dma_start3A_636 = arith.constant 0 : i32
    %dma_start3A_637 = tpu.memref_slice %arg6[%rem3A_548, %dma_start3A_634, %dma_start3A_635, %dma_start3A_636] : memref<4x8x50x64xf32, #tpu.memory_space<vmem>> -> memref<1x1x50x64xf32, #tpu.memory_space<vmem>>
    %dma_start3A_638 = tpu.memref_squeeze %dma_start3A_637 : memref<1x1x50x64xf32, #tpu.memory_space<vmem>> -> memref<50x64xf32, #tpu.memory_space<vmem>>
    %dma_start3A_639 = arith.constant 0 : i32
    %dma_start3A_640 = tpu.memref_slice %arg5[%dma_start3A_633, %dma_start3A_639] : memref<128x50xi32, #tpu.memory_space<vmem>> -> memref<1x50xi32, #tpu.memory_space<vmem>>
    %dma_start3A_641 = tpu.memref_squeeze %dma_start3A_640 : memref<1x50xi32, #tpu.memory_space<vmem>> -> memref<50xi32, #tpu.memory_space<vmem>>
    %dma_start3A_642 = arith.constant 0 : i32
    %dma_start3A_643 = arith.constant 0 : i32
    %dma_start3A_644 = tpu.memref_slice %arg3[%dma_start3A_642, %dma_start3A_643] : memref<100000x64xf32, #tpu.memory_space<hbm>> -> memref<100000x64xf32, #tpu.memory_space<hbm>>
    %dma_start3A_645 = tpu.memref_slice %arg7[%rem3A_548] : memref<4x!tpu.dma_semaphore, #tpu.memory_space<semaphore_mem>> -> memref<1x!tpu.dma_semaphore, #tpu.memory_space<semaphore_mem>>
    %dma_start3A_646 = tpu.memref_squeeze %dma_start3A_645 : memref<1x!tpu.dma_semaphore, #tpu.memory_space<semaphore_mem>> -> memref<!tpu.dma_semaphore, #tpu.memory_space<semaphore_mem>>
    tpu.enqueue_indirect_dma source(%dma_start3A_644 : memref<100000x64xf32, #tpu.memory_space<hbm>>) target(%dma_start3A_638 : memref<50x64xf32, #tpu.memory_space<vmem>>) offsets(%dma_start3A_641 : memref<50xi32, #tpu.memory_space<vmem>>) semaphore(%dma_start3A_646 : memref<!tpu.dma_semaphore, #tpu.memory_space<semaphore_mem>>)
    %dma_start3A_647 = arith.constant 31 : i32
    %dma_start3A_648 = arith.constant 7 : i32
    %dma_start3A_649 = arith.constant 0 : i32
    %dma_start3A_650 = arith.constant 0 : i32
    %dma_start3A_651 = tpu.memref_slice %arg6[%rem3A_548, %dma_start3A_648, %dma_start3A_649, %dma_start3A_650] : memref<4x8x50x64xf32, #tpu.memory_space<vmem>> -> memref<1x1x50x64xf32, #tpu.memory_space<vmem>>
    %dma_start3A_652 = tpu.memref_squeeze %dma_start3A_651 : memref<1x1x50x64xf32, #tpu.memory_space<vmem>> -> memref<50x64xf32, #tpu.memory_space<vmem>>
    %dma_start3A_653 = arith.constant 0 : i32
    %dma_start3A_654 = tpu.memref_slice %arg5[%dma_start3A_647, %dma_start3A_653] : memref<128x50xi32, #tpu.memory_space<vmem>> -> memref<1x50xi32, #tpu.memory_space<vmem>>
    %dma_start3A_655 = tpu.memref_squeeze %dma_start3A_654 : memref<1x50xi32, #tpu.memory_space<vmem>> -> memref<50xi32, #tpu.memory_space<vmem>>
    %dma_start3A_656 = arith.constant 0 : i32
    %dma_start3A_657 = arith.constant 0 : i32
    %dma_start3A_658 = tpu.memref_slice %arg3[%dma_start3A_656, %dma_start3A_657] : memref<100000x64xf32, #tpu.memory_space<hbm>> -> memref<100000x64xf32, #tpu.memory_space<hbm>>
    %dma_start3A_659 = tpu.memref_slice %arg7[%rem3A_548] : memref<4x!tpu.dma_semaphore, #tpu.memory_space<semaphore_mem>> -> memref<1x!tpu.dma_semaphore, #tpu.memory_space<semaphore_mem>>
    %dma_start3A_660 = tpu.memref_squeeze %dma_start3A_659 : memref<1x!tpu.dma_semaphore, #tpu.memory_space<semaphore_mem>> -> memref<!tpu.dma_semaphore, #tpu.memory_space<semaphore_mem>>
    tpu.enqueue_indirect_dma source(%dma_start3A_658 : memref<100000x64xf32, #tpu.memory_space<hbm>>) target(%dma_start3A_652 : memref<50x64xf32, #tpu.memory_space<vmem>>) offsets(%dma_start3A_655 : memref<50xi32, #tpu.memory_space<vmem>>) semaphore(%dma_start3A_660 : memref<!tpu.dma_semaphore, #tpu.memory_space<semaphore_mem>>)
    %scan3A = arith.constant 0 : i32
    %scan3A_661 = arith.constant 12 : i32
    %scan3A_662 = arith.addi %scan3A, %scan3A_661 : i32
    %scan3A_663 = arith.constant 1 : i32
    scf.for %scan3A_758 = %scan3A to %scan3A_662 step %scan3A_663  : i32 {
      %mul3A_759 = arith.constant 1 : i32
      %mul3A_760 = arith.muli %scan3A_758, %mul3A_759 : i32
      %add3A_761 = arith.constant 1 : i32
      %add3A_762 = arith.addi %add3A_761, %mul3A_760 : i32
      %rem3A_763 = arith.constant 4 : i32
      %rem3A_764 = arith.remsi %add3A_762, %rem3A_763 : i32
      %dma_wait3A_765 = arith.constant 0 : i32
      %dma_wait3A_766 = arith.constant 0 : i32
      %dma_wait3A_767 = arith.constant 0 : i32
      %dma_wait3A_768 = arith.constant 0 : i32
      %dma_wait3A_769 = arith.constant 0 : i32
      %dma_wait3A_770 = arith.constant 0 : i32
      %dma_wait3A_771 = tpu.memref_slice %arg6[%dma_wait3A_767, %dma_wait3A_768, %dma_wait3A_769, %dma_wait3A_770] : memref<4x8x50x64xf32, #tpu.memory_space<vmem>> -> memref<1x1x50x64xf32, #tpu.memory_space<vmem>>
      %dma_wait3A_772 = tpu.memref_squeeze %dma_wait3A_771 : memref<1x1x50x64xf32, #tpu.memory_space<vmem>> -> memref<50x64xf32, #tpu.memory_space<vmem>>
      %dma_wait3A_773 = arith.constant 0 : i32
      %dma_wait3A_774 = arith.constant 0 : i32
      %dma_wait3A_775 = tpu.memref_slice %arg4[%add3A, %dma_wait3A_765, %dma_wait3A_766, %dma_wait3A_773, %dma_wait3A_774] : memref<32x16x8x56x128xf32, #tpu.memory_space<hbm>> -> memref<1x1x1x50x64xf32, #tpu.memory_space<hbm>>
      %dma_wait3A_776 = tpu.memref_squeeze %dma_wait3A_775 : memref<1x1x1x50x64xf32, #tpu.memory_space<hbm>> -> memref<50x64xf32, #tpu.memory_space<hbm>>
      %dma_wait3A_777 = tpu.memref_slice %arg7[%rem3A_764] : memref<4x!tpu.dma_semaphore, #tpu.memory_space<semaphore_mem>> -> memref<1x!tpu.dma_semaphore, #tpu.memory_space<semaphore_mem>>
      %dma_wait3A_778 = tpu.memref_squeeze %dma_wait3A_777 : memref<1x!tpu.dma_semaphore, #tpu.memory_space<semaphore_mem>> -> memref<!tpu.dma_semaphore, #tpu.memory_space<semaphore_mem>>
      %dma_wait3A_779 = arith.constant 0 : i32
      %dma_wait3A_780 = arith.constant 0 : i32
      %dma_wait3A_781 = tpu.memref_slice %arg6[%dma_wait3A_767, %dma_wait3A_768, %dma_wait3A_779, %dma_wait3A_780] : memref<4x8x50x64xf32, #tpu.memory_space<vmem>> -> memref<1x1x50x64xf32, #tpu.memory_space<vmem>>
      %dma_wait3A_782 = tpu.memref_squeeze %dma_wait3A_781 : memref<1x1x50x64xf32, #tpu.memory_space<vmem>> -> memref<50x64xf32, #tpu.memory_space<vmem>>
      %dma_wait3A_783 = arith.constant 0 : i32
      %dma_wait3A_784 = arith.constant 0 : i32
      %dma_wait3A_785 = tpu.memref_slice %arg4[%add3A, %dma_wait3A_765, %dma_wait3A_766, %dma_wait3A_783, %dma_wait3A_784] : memref<32x16x8x56x128xf32, #tpu.memory_space<hbm>> -> memref<1x1x1x50x64xf32, #tpu.memory_space<hbm>>
      %dma_wait3A_786 = tpu.memref_squeeze %dma_wait3A_785 : memref<1x1x1x50x64xf32, #tpu.memory_space<hbm>> -> memref<50x64xf32, #tpu.memory_space<hbm>>
      tpu.wait_dma2 semaphore(%dma_wait3A_778 : memref<!tpu.dma_semaphore, #tpu.memory_space<semaphore_mem>>) src(%dma_wait3A_786 : memref<50x64xf32, #tpu.memory_space<hbm>>) dst(%dma_wait3A_782 : memref<50x64xf32, #tpu.memory_space<vmem>>)
      %dma_wait3A_787 = arith.constant 0 : i32
      %dma_wait3A_788 = arith.constant 0 : i32
      %dma_wait3A_789 = arith.constant 0 : i32
      %dma_wait3A_790 = arith.constant 0 : i32
      %dma_wait3A_791 = arith.constant 0 : i32
      %dma_wait3A_792 = arith.constant 0 : i32
      %dma_wait3A_793 = tpu.memref_slice %arg6[%dma_wait3A_789, %dma_wait3A_790, %dma_wait3A_791, %dma_wait3A_792] : memref<4x8x50x64xf32, #tpu.memory_space<vmem>> -> memref<1x1x50x64xf32, #tpu.memory_space<vmem>>
      %dma_wait3A_794 = tpu.memref_squeeze %dma_wait3A_793 : memref<1x1x50x64xf32, #tpu.memory_space<vmem>> -> memref<50x64xf32, #tpu.memory_space<vmem>>
      %dma_wait3A_795 = arith.constant 0 : i32
      %dma_wait3A_796 = arith.constant 0 : i32
      %dma_wait3A_797 = tpu.memref_slice %arg4[%add3A, %dma_wait3A_787, %dma_wait3A_788, %dma_wait3A_795, %dma_wait3A_796] : memref<32x16x8x56x128xf32, #tpu.memory_space<hbm>> -> memref<1x1x1x50x64xf32, #tpu.memory_space<hbm>>
      %dma_wait3A_798 = tpu.memref_squeeze %dma_wait3A_797 : memref<1x1x1x50x64xf32, #tpu.memory_space<hbm>> -> memref<50x64xf32, #tpu.memory_space<hbm>>
      %dma_wait3A_799 = tpu.memref_slice %arg7[%rem3A_764] : memref<4x!tpu.dma_semaphore, #tpu.memory_space<semaphore_mem>> -> memref<1x!tpu.dma_semaphore, #tpu.memory_space<semaphore_mem>>
      %dma_wait3A_800 = tpu.memref_squeeze %dma_wait3A_799 : memref<1x!tpu.dma_semaphore, #tpu.memory_space<semaphore_mem>> -> memref<!tpu.dma_semaphore, #tpu.memory_space<semaphore_mem>>
      %dma_wait3A_801 = arith.constant 0 : i32
      %dma_wait3A_802 = arith.constant 0 : i32
      %dma_wait3A_803 = tpu.memref_slice %arg6[%dma_wait3A_789, %dma_wait3A_790, %dma_wait3A_801, %dma_wait3A_802] : memref<4x8x50x64xf32, #tpu.memory_space<vmem>> -> memref<1x1x50x64xf32, #tpu.memory_space<vmem>>
      %dma_wait3A_804 = tpu.memref_squeeze %dma_wait3A_803 : memref<1x1x50x64xf32, #tpu.memory_space<vmem>> -> memref<50x64xf32, #tpu.memory_space<vmem>>
      %dma_wait3A_805 = arith.constant 0 : i32
      %dma_wait3A_806 = arith.constant 0 : i32
      %dma_wait3A_807 = tpu.memref_slice %arg4[%add3A, %dma_wait3A_787, %dma_wait3A_788, %dma_wait3A_805, %dma_wait3A_806] : memref<32x16x8x56x128xf32, #tpu.memory_space<hbm>> -> memref<1x1x1x50x64xf32, #tpu.memory_space<hbm>>
      %dma_wait3A_808 = tpu.memref_squeeze %dma_wait3A_807 : memref<1x1x1x50x64xf32, #tpu.memory_space<hbm>> -> memref<50x64xf32, #tpu.memory_space<hbm>>
      tpu.wait_dma2 semaphore(%dma_wait3A_800 : memref<!tpu.dma_semaphore, #tpu.memory_space<semaphore_mem>>) src(%dma_wait3A_808 : memref<50x64xf32, #tpu.memory_space<hbm>>) dst(%dma_wait3A_804 : memref<50x64xf32, #tpu.memory_space<vmem>>)
      %dma_wait3A_809 = arith.constant 0 : i32
      %dma_wait3A_810 = arith.constant 0 : i32
      %dma_wait3A_811 = arith.constant 0 : i32
      %dma_wait3A_812 = arith.constant 0 : i32
      %dma_wait3A_813 = arith.constant 0 : i32
      %dma_wait3A_814 = arith.constant 0 : i32
      %dma_wait3A_815 = tpu.memref_slice %arg6[%dma_wait3A_811, %dma_wait3A_812, %dma_wait3A_813, %dma_wait3A_814] : memref<4x8x50x64xf32, #tpu.memory_space<vmem>> -> memref<1x1x50x64xf32, #tpu.memory_space<vmem>>
      %dma_wait3A_816 = tpu.memref_squeeze %dma_wait3A_815 : memref<1x1x50x64xf32, #tpu.memory_space<vmem>> -> memref<50x64xf32, #tpu.memory_space<vmem>>
      %dma_wait3A_817 = arith.constant 0 : i32
      %dma_wait3A_818 = arith.constant 0 : i32
      %dma_wait3A_819 = tpu.memref_slice %arg4[%add3A, %dma_wait3A_809, %dma_wait3A_810, %dma_wait3A_817, %dma_wait3A_818] : memref<32x16x8x56x128xf32, #tpu.memory_space<hbm>> -> memref<1x1x1x50x64xf32, #tpu.memory_space<hbm>>
      %dma_wait3A_820 = tpu.memref_squeeze %dma_wait3A_819 : memref<1x1x1x50x64xf32, #tpu.memory_space<hbm>> -> memref<50x64xf32, #tpu.memory_space<hbm>>
      %dma_wait3A_821 = tpu.memref_slice %arg7[%rem3A_764] : memref<4x!tpu.dma_semaphore, #tpu.memory_space<semaphore_mem>> -> memref<1x!tpu.dma_semaphore, #tpu.memory_space<semaphore_mem>>
      %dma_wait3A_822 = tpu.memref_squeeze %dma_wait3A_821 : memref<1x!tpu.dma_semaphore, #tpu.memory_space<semaphore_mem>> -> memref<!tpu.dma_semaphore, #tpu.memory_space<semaphore_mem>>
      %dma_wait3A_823 = arith.constant 0 : i32
      %dma_wait3A_824 = arith.constant 0 : i32
      %dma_wait3A_825 = tpu.memref_slice %arg6[%dma_wait3A_811, %dma_wait3A_812, %dma_wait3A_823, %dma_wait3A_824] : memref<4x8x50x64xf32, #tpu.memory_space<vmem>> -> memref<1x1x50x64xf32, #tpu.memory_space<vmem>>
      %dma_wait3A_826 = tpu.memref_squeeze %dma_wait3A_825 : memref<1x1x50x64xf32, #tpu.memory_space<vmem>> -> memref<50x64xf32, #tpu.memory_space<vmem>>
      %dma_wait3A_827 = arith.constant 0 : i32
      %dma_wait3A_828 = arith.constant 0 : i32
      %dma_wait3A_829 = tpu.memref_slice %arg4[%add3A, %dma_wait3A_809, %dma_wait3A_810, %dma_wait3A_827, %dma_wait3A_828] : memref<32x16x8x56x128xf32, #tpu.memory_space<hbm>> -> memref<1x1x1x50x64xf32, #tpu.memory_space<hbm>>
      %dma_wait3A_830 = tpu.memref_squeeze %dma_wait3A_829 : memref<1x1x1x50x64xf32, #tpu.memory_space<hbm>> -> memref<50x64xf32, #tpu.memory_space<hbm>>
      tpu.wait_dma2 semaphore(%dma_wait3A_822 : memref<!tpu.dma_semaphore, #tpu.memory_space<semaphore_mem>>) src(%dma_wait3A_830 : memref<50x64xf32, #tpu.memory_space<hbm>>) dst(%dma_wait3A_826 : memref<50x64xf32, #tpu.memory_space<vmem>>)
      %dma_wait3A_831 = arith.constant 0 : i32
      %dma_wait3A_832 = arith.constant 0 : i32
      %dma_wait3A_833 = arith.constant 0 : i32
      %dma_wait3A_834 = arith.constant 0 : i32
      %dma_wait3A_835 = arith.constant 0 : i32
      %dma_wait3A_836 = arith.constant 0 : i32
      %dma_wait3A_837 = tpu.memref_slice %arg6[%dma_wait3A_833, %dma_wait3A_834, %dma_wait3A_835, %dma_wait3A_836] : memref<4x8x50x64xf32, #tpu.memory_space<vmem>> -> memref<1x1x50x64xf32, #tpu.memory_space<vmem>>
      %dma_wait3A_838 = tpu.memref_squeeze %dma_wait3A_837 : memref<1x1x50x64xf32, #tpu.memory_space<vmem>> -> memref<50x64xf32, #tpu.memory_space<vmem>>
      %dma_wait3A_839 = arith.constant 0 : i32
      %dma_wait3A_840 = arith.constant 0 : i32
      %dma_wait3A_841 = tpu.memref_slice %arg4[%add3A, %dma_wait3A_831, %dma_wait3A_832, %dma_wait3A_839, %dma_wait3A_840] : memref<32x16x8x56x128xf32, #tpu.memory_space<hbm>> -> memref<1x1x1x50x64xf32, #tpu.memory_space<hbm>>
      %dma_wait3A_842 = tpu.memref_squeeze %dma_wait3A_841 : memref<1x1x1x50x64xf32, #tpu.memory_space<hbm>> -> memref<50x64xf32, #tpu.memory_space<hbm>>
      %dma_wait3A_843 = tpu.memref_slice %arg7[%rem3A_764] : memref<4x!tpu.dma_semaphore, #tpu.memory_space<semaphore_mem>> -> memref<1x!tpu.dma_semaphore, #tpu.memory_space<semaphore_mem>>
      %dma_wait3A_844 = tpu.memref_squeeze %dma_wait3A_843 : memref<1x!tpu.dma_semaphore, #tpu.memory_space<semaphore_mem>> -> memref<!tpu.dma_semaphore, #tpu.memory_space<semaphore_mem>>
      %dma_wait3A_845 = arith.constant 0 : i32
      %dma_wait3A_846 = arith.constant 0 : i32
      %dma_wait3A_847 = tpu.memref_slice %arg6[%dma_wait3A_833, %dma_wait3A_834, %dma_wait3A_845, %dma_wait3A_846] : memref<4x8x50x64xf32, #tpu.memory_space<vmem>> -> memref<1x1x50x64xf32, #tpu.memory_space<vmem>>
      %dma_wait3A_848 = tpu.memref_squeeze %dma_wait3A_847 : memref<1x1x50x64xf32, #tpu.memory_space<vmem>> -> memref<50x64xf32, #tpu.memory_space<vmem>>
      %dma_wait3A_849 = arith.constant 0 : i32
      %dma_wait3A_850 = arith.constant 0 : i32
      %dma_wait3A_851 = tpu.memref_slice %arg4[%add3A, %dma_wait3A_831, %dma_wait3A_832, %dma_wait3A_849, %dma_wait3A_850] : memref<32x16x8x56x128xf32, #tpu.memory_space<hbm>> -> memref<1x1x1x50x64xf32, #tpu.memory_space<hbm>>
      %dma_wait3A_852 = tpu.memref_squeeze %dma_wait3A_851 : memref<1x1x1x50x64xf32, #tpu.memory_space<hbm>> -> memref<50x64xf32, #tpu.memory_space<hbm>>
      tpu.wait_dma2 semaphore(%dma_wait3A_844 : memref<!tpu.dma_semaphore, #tpu.memory_space<semaphore_mem>>) src(%dma_wait3A_852 : memref<50x64xf32, #tpu.memory_space<hbm>>) dst(%dma_wait3A_848 : memref<50x64xf32, #tpu.memory_space<vmem>>)
      %dma_wait3A_853 = arith.constant 0 : i32
      %dma_wait3A_854 = arith.constant 0 : i32
      %dma_wait3A_855 = arith.constant 0 : i32
      %dma_wait3A_856 = arith.constant 0 : i32
      %dma_wait3A_857 = arith.constant 0 : i32
      %dma_wait3A_858 = arith.constant 0 : i32
      %dma_wait3A_859 = tpu.memref_slice %arg6[%dma_wait3A_855, %dma_wait3A_856, %dma_wait3A_857, %dma_wait3A_858] : memref<4x8x50x64xf32, #tpu.memory_space<vmem>> -> memref<1x1x50x64xf32, #tpu.memory_space<vmem>>
      %dma_wait3A_860 = tpu.memref_squeeze %dma_wait3A_859 : memref<1x1x50x64xf32, #tpu.memory_space<vmem>> -> memref<50x64xf32, #tpu.memory_space<vmem>>
      %dma_wait3A_861 = arith.constant 0 : i32
      %dma_wait3A_862 = arith.constant 0 : i32
      %dma_wait3A_863 = tpu.memref_slice %arg4[%add3A, %dma_wait3A_853, %dma_wait3A_854, %dma_wait3A_861, %dma_wait3A_862] : memref<32x16x8x56x128xf32, #tpu.memory_space<hbm>> -> memref<1x1x1x50x64xf32, #tpu.memory_space<hbm>>
      %dma_wait3A_864 = tpu.memref_squeeze %dma_wait3A_863 : memref<1x1x1x50x64xf32, #tpu.memory_space<hbm>> -> memref<50x64xf32, #tpu.memory_space<hbm>>
      %dma_wait3A_865 = tpu.memref_slice %arg7[%rem3A_764] : memref<4x!tpu.dma_semaphore, #tpu.memory_space<semaphore_mem>> -> memref<1x!tpu.dma_semaphore, #tpu.memory_space<semaphore_mem>>
      %dma_wait3A_866 = tpu.memref_squeeze %dma_wait3A_865 : memref<1x!tpu.dma_semaphore, #tpu.memory_space<semaphore_mem>> -> memref<!tpu.dma_semaphore, #tpu.memory_space<semaphore_mem>>
      %dma_wait3A_867 = arith.constant 0 : i32
      %dma_wait3A_868 = arith.constant 0 : i32
      %dma_wait3A_869 = tpu.memref_slice %arg6[%dma_wait3A_855, %dma_wait3A_856, %dma_wait3A_867, %dma_wait3A_868] : memref<4x8x50x64xf32, #tpu.memory_space<vmem>> -> memref<1x1x50x64xf32, #tpu.memory_space<vmem>>
      %dma_wait3A_870 = tpu.memref_squeeze %dma_wait3A_869 : memref<1x1x50x64xf32, #tpu.memory_space<vmem>> -> memref<50x64xf32, #tpu.memory_space<vmem>>
      %dma_wait3A_871 = arith.constant 0 : i32
      %dma_wait3A_872 = arith.constant 0 : i32
      %dma_wait3A_873 = tpu.memref_slice %arg4[%add3A, %dma_wait3A_853, %dma_wait3A_854, %dma_wait3A_871, %dma_wait3A_872] : memref<32x16x8x56x128xf32, #tpu.memory_space<hbm>> -> memref<1x1x1x50x64xf32, #tpu.memory_space<hbm>>
      %dma_wait3A_874 = tpu.memref_squeeze %dma_wait3A_873 : memref<1x1x1x50x64xf32, #tpu.memory_space<hbm>> -> memref<50x64xf32, #tpu.memory_space<hbm>>
      tpu.wait_dma2 semaphore(%dma_wait3A_866 : memref<!tpu.dma_semaphore, #tpu.memory_space<semaphore_mem>>) src(%dma_wait3A_874 : memref<50x64xf32, #tpu.memory_space<hbm>>) dst(%dma_wait3A_870 : memref<50x64xf32, #tpu.memory_space<vmem>>)
      %dma_wait3A_875 = arith.constant 0 : i32
      %dma_wait3A_876 = arith.constant 0 : i32
      %dma_wait3A_877 = arith.constant 0 : i32
      %dma_wait3A_878 = arith.constant 0 : i32
      %dma_wait3A_879 = arith.constant 0 : i32
      %dma_wait3A_880 = arith.constant 0 : i32
      %dma_wait3A_881 = tpu.memref_slice %arg6[%dma_wait3A_877, %dma_wait3A_878, %dma_wait3A_879, %dma_wait3A_880] : memref<4x8x50x64xf32, #tpu.memory_space<vmem>> -> memref<1x1x50x64xf32, #tpu.memory_space<vmem>>
      %dma_wait3A_882 = tpu.memref_squeeze %dma_wait3A_881 : memref<1x1x50x64xf32, #tpu.memory_space<vmem>> -> memref<50x64xf32, #tpu.memory_space<vmem>>
      %dma_wait3A_883 = arith.constant 0 : i32
      %dma_wait3A_884 = arith.constant 0 : i32
      %dma_wait3A_885 = tpu.memref_slice %arg4[%add3A, %dma_wait3A_875, %dma_wait3A_876, %dma_wait3A_883, %dma_wait3A_884] : memref<32x16x8x56x128xf32, #tpu.memory_space<hbm>> -> memref<1x1x1x50x64xf32, #tpu.memory_space<hbm>>
      %dma_wait3A_886 = tpu.memref_squeeze %dma_wait3A_885 : memref<1x1x1x50x64xf32, #tpu.memory_space<hbm>> -> memref<50x64xf32, #tpu.memory_space<hbm>>
      %dma_wait3A_887 = tpu.memref_slice %arg7[%rem3A_764] : memref<4x!tpu.dma_semaphore, #tpu.memory_space<semaphore_mem>> -> memref<1x!tpu.dma_semaphore, #tpu.memory_space<semaphore_mem>>
      %dma_wait3A_888 = tpu.memref_squeeze %dma_wait3A_887 : memref<1x!tpu.dma_semaphore, #tpu.memory_space<semaphore_mem>> -> memref<!tpu.dma_semaphore, #tpu.memory_space<semaphore_mem>>
      %dma_wait3A_889 = arith.constant 0 : i32
      %dma_wait3A_890 = arith.constant 0 : i32
      %dma_wait3A_891 = tpu.memref_slice %arg6[%dma_wait3A_877, %dma_wait3A_878, %dma_wait3A_889, %dma_wait3A_890] : memref<4x8x50x64xf32, #tpu.memory_space<vmem>> -> memref<1x1x50x64xf32, #tpu.memory_space<vmem>>
      %dma_wait3A_892 = tpu.memref_squeeze %dma_wait3A_891 : memref<1x1x50x64xf32, #tpu.memory_space<vmem>> -> memref<50x64xf32, #tpu.memory_space<vmem>>
      %dma_wait3A_893 = arith.constant 0 : i32
      %dma_wait3A_894 = arith.constant 0 : i32
      %dma_wait3A_895 = tpu.memref_slice %arg4[%add3A, %dma_wait3A_875, %dma_wait3A_876, %dma_wait3A_893, %dma_wait3A_894] : memref<32x16x8x56x128xf32, #tpu.memory_space<hbm>> -> memref<1x1x1x50x64xf32, #tpu.memory_space<hbm>>
      %dma_wait3A_896 = tpu.memref_squeeze %dma_wait3A_895 : memref<1x1x1x50x64xf32, #tpu.memory_space<hbm>> -> memref<50x64xf32, #tpu.memory_space<hbm>>
      tpu.wait_dma2 semaphore(%dma_wait3A_888 : memref<!tpu.dma_semaphore, #tpu.memory_space<semaphore_mem>>) src(%dma_wait3A_896 : memref<50x64xf32, #tpu.memory_space<hbm>>) dst(%dma_wait3A_892 : memref<50x64xf32, #tpu.memory_space<vmem>>)
      %dma_wait3A_897 = arith.constant 0 : i32
      %dma_wait3A_898 = arith.constant 0 : i32
      %dma_wait3A_899 = arith.constant 0 : i32
      %dma_wait3A_900 = arith.constant 0 : i32
      %dma_wait3A_901 = arith.constant 0 : i32
      %dma_wait3A_902 = arith.constant 0 : i32
      %dma_wait3A_903 = tpu.memref_slice %arg6[%dma_wait3A_899, %dma_wait3A_900, %dma_wait3A_901, %dma_wait3A_902] : memref<4x8x50x64xf32, #tpu.memory_space<vmem>> -> memref<1x1x50x64xf32, #tpu.memory_space<vmem>>
      %dma_wait3A_904 = tpu.memref_squeeze %dma_wait3A_903 : memref<1x1x50x64xf32, #tpu.memory_space<vmem>> -> memref<50x64xf32, #tpu.memory_space<vmem>>
      %dma_wait3A_905 = arith.constant 0 : i32
      %dma_wait3A_906 = arith.constant 0 : i32
      %dma_wait3A_907 = tpu.memref_slice %arg4[%add3A, %dma_wait3A_897, %dma_wait3A_898, %dma_wait3A_905, %dma_wait3A_906] : memref<32x16x8x56x128xf32, #tpu.memory_space<hbm>> -> memref<1x1x1x50x64xf32, #tpu.memory_space<hbm>>
      %dma_wait3A_908 = tpu.memref_squeeze %dma_wait3A_907 : memref<1x1x1x50x64xf32, #tpu.memory_space<hbm>> -> memref<50x64xf32, #tpu.memory_space<hbm>>
      %dma_wait3A_909 = tpu.memref_slice %arg7[%rem3A_764] : memref<4x!tpu.dma_semaphore, #tpu.memory_space<semaphore_mem>> -> memref<1x!tpu.dma_semaphore, #tpu.memory_space<semaphore_mem>>
      %dma_wait3A_910 = tpu.memref_squeeze %dma_wait3A_909 : memref<1x!tpu.dma_semaphore, #tpu.memory_space<semaphore_mem>> -> memref<!tpu.dma_semaphore, #tpu.memory_space<semaphore_mem>>
      %dma_wait3A_911 = arith.constant 0 : i32
      %dma_wait3A_912 = arith.constant 0 : i32
      %dma_wait3A_913 = tpu.memref_slice %arg6[%dma_wait3A_899, %dma_wait3A_900, %dma_wait3A_911, %dma_wait3A_912] : memref<4x8x50x64xf32, #tpu.memory_space<vmem>> -> memref<1x1x50x64xf32, #tpu.memory_space<vmem>>
      %dma_wait3A_914 = tpu.memref_squeeze %dma_wait3A_913 : memref<1x1x50x64xf32, #tpu.memory_space<vmem>> -> memref<50x64xf32, #tpu.memory_space<vmem>>
      %dma_wait3A_915 = arith.constant 0 : i32
      %dma_wait3A_916 = arith.constant 0 : i32
      %dma_wait3A_917 = tpu.memref_slice %arg4[%add3A, %dma_wait3A_897, %dma_wait3A_898, %dma_wait3A_915, %dma_wait3A_916] : memref<32x16x8x56x128xf32, #tpu.memory_space<hbm>> -> memref<1x1x1x50x64xf32, #tpu.memory_space<hbm>>
      %dma_wait3A_918 = tpu.memref_squeeze %dma_wait3A_917 : memref<1x1x1x50x64xf32, #tpu.memory_space<hbm>> -> memref<50x64xf32, #tpu.memory_space<hbm>>
      tpu.wait_dma2 semaphore(%dma_wait3A_910 : memref<!tpu.dma_semaphore, #tpu.memory_space<semaphore_mem>>) src(%dma_wait3A_918 : memref<50x64xf32, #tpu.memory_space<hbm>>) dst(%dma_wait3A_914 : memref<50x64xf32, #tpu.memory_space<vmem>>)
      %dma_wait3A_919 = arith.constant 0 : i32
      %dma_wait3A_920 = arith.constant 0 : i32
      %dma_wait3A_921 = arith.constant 0 : i32
      %dma_wait3A_922 = arith.constant 0 : i32
      %dma_wait3A_923 = arith.constant 0 : i32
      %dma_wait3A_924 = arith.constant 0 : i32
      %dma_wait3A_925 = tpu.memref_slice %arg6[%dma_wait3A_921, %dma_wait3A_922, %dma_wait3A_923, %dma_wait3A_924] : memref<4x8x50x64xf32, #tpu.memory_space<vmem>> -> memref<1x1x50x64xf32, #tpu.memory_space<vmem>>
      %dma_wait3A_926 = tpu.memref_squeeze %dma_wait3A_925 : memref<1x1x50x64xf32, #tpu.memory_space<vmem>> -> memref<50x64xf32, #tpu.memory_space<vmem>>
      %dma_wait3A_927 = arith.constant 0 : i32
      %dma_wait3A_928 = arith.constant 0 : i32
      %dma_wait3A_929 = tpu.memref_slice %arg4[%add3A, %dma_wait3A_919, %dma_wait3A_920, %dma_wait3A_927, %dma_wait3A_928] : memref<32x16x8x56x128xf32, #tpu.memory_space<hbm>> -> memref<1x1x1x50x64xf32, #tpu.memory_space<hbm>>
      %dma_wait3A_930 = tpu.memref_squeeze %dma_wait3A_929 : memref<1x1x1x50x64xf32, #tpu.memory_space<hbm>> -> memref<50x64xf32, #tpu.memory_space<hbm>>
      %dma_wait3A_931 = tpu.memref_slice %arg7[%rem3A_764] : memref<4x!tpu.dma_semaphore, #tpu.memory_space<semaphore_mem>> -> memref<1x!tpu.dma_semaphore, #tpu.memory_space<semaphore_mem>>
      %dma_wait3A_932 = tpu.memref_squeeze %dma_wait3A_931 : memref<1x!tpu.dma_semaphore, #tpu.memory_space<semaphore_mem>> -> memref<!tpu.dma_semaphore, #tpu.memory_space<semaphore_mem>>
      %dma_wait3A_933 = arith.constant 0 : i32
      %dma_wait3A_934 = arith.constant 0 : i32
      %dma_wait3A_935 = tpu.memref_slice %arg6[%dma_wait3A_921, %dma_wait3A_922, %dma_wait3A_933, %dma_wait3A_934] : memref<4x8x50x64xf32, #tpu.memory_space<vmem>> -> memref<1x1x50x64xf32, #tpu.memory_space<vmem>>
      %dma_wait3A_936 = tpu.memref_squeeze %dma_wait3A_935 : memref<1x1x50x64xf32, #tpu.memory_space<vmem>> -> memref<50x64xf32, #tpu.memory_space<vmem>>
      %dma_wait3A_937 = arith.constant 0 : i32
      %dma_wait3A_938 = arith.constant 0 : i32
      %dma_wait3A_939 = tpu.memref_slice %arg4[%add3A, %dma_wait3A_919, %dma_wait3A_920, %dma_wait3A_937, %dma_wait3A_938] : memref<32x16x8x56x128xf32, #tpu.memory_space<hbm>> -> memref<1x1x1x50x64xf32, #tpu.memory_space<hbm>>
      %dma_wait3A_940 = tpu.memref_squeeze %dma_wait3A_939 : memref<1x1x1x50x64xf32, #tpu.memory_space<hbm>> -> memref<50x64xf32, #tpu.memory_space<hbm>>
      tpu.wait_dma2 semaphore(%dma_wait3A_932 : memref<!tpu.dma_semaphore, #tpu.memory_space<semaphore_mem>>) src(%dma_wait3A_940 : memref<50x64xf32, #tpu.memory_space<hbm>>) dst(%dma_wait3A_936 : memref<50x64xf32, #tpu.memory_space<vmem>>)
      %dma_wait3A_941 = arith.constant 0 : i32
      %dma_wait3A_942 = arith.constant 0 : i32
      %dma_wait3A_943 = arith.constant 0 : i32
      %dma_wait3A_944 = arith.constant 0 : i32
      %dma_wait3A_945 = arith.constant 0 : i32
      %dma_wait3A_946 = tpu.memref_slice %arg6[%dma_wait3A_941, %dma_wait3A_943, %dma_wait3A_944, %dma_wait3A_945] : memref<4x8x50x64xf32, #tpu.memory_space<vmem>> -> memref<1x8x50x64xf32, #tpu.memory_space<vmem>>
      %dma_wait3A_947 = tpu.memref_squeeze %dma_wait3A_946 : memref<1x8x50x64xf32, #tpu.memory_space<vmem>> -> memref<8x50x64xf32, #tpu.memory_space<vmem>>
      %dma_wait3A_948 = arith.constant 0 : i32
      %dma_wait3A_949 = arith.constant 0 : i32
      %dma_wait3A_950 = arith.constant 0 : i32
      %dma_wait3A_951 = tpu.memref_slice %arg4[%add3A, %dma_wait3A_942, %dma_wait3A_948, %dma_wait3A_949, %dma_wait3A_950] : memref<32x16x8x56x128xf32, #tpu.memory_space<hbm>> -> memref<1x1x8x50x64xf32, #tpu.memory_space<hbm>>
      %dma_wait3A_952 = tpu.memref_squeeze %dma_wait3A_951 : memref<1x1x8x50x64xf32, #tpu.memory_space<hbm>> -> memref<8x50x64xf32, #tpu.memory_space<hbm>>
      %dma_wait3A_953 = arith.constant 0 : i32
      %dma_wait3A_954 = arith.constant 0 : i32
      %dma_wait3A_955 = arith.constant 0 : i32
      %dma_wait3A_956 = tpu.memref_slice %arg4[%add3A, %dma_wait3A_942, %dma_wait3A_953, %dma_wait3A_954, %dma_wait3A_955] : memref<32x16x8x56x128xf32, #tpu.memory_space<hbm>> -> memref<1x1x8x50x64xf32, #tpu.memory_space<hbm>>
      %dma_wait3A_957 = tpu.memref_squeeze %dma_wait3A_956 : memref<1x1x8x50x64xf32, #tpu.memory_space<hbm>> -> memref<8x50x64xf32, #tpu.memory_space<hbm>>
      %dma_wait3A_958 = arith.constant 0 : i32
      %dma_wait3A_959 = arith.constant 0 : i32
      %dma_wait3A_960 = arith.constant 0 : i32
      %dma_wait3A_961 = tpu.memref_slice %arg6[%dma_wait3A_941, %dma_wait3A_958, %dma_wait3A_959, %dma_wait3A_960] : memref<4x8x50x64xf32, #tpu.memory_space<vmem>> -> memref<1x8x50x64xf32, #tpu.memory_space<vmem>>
      %dma_wait3A_962 = tpu.memref_squeeze %dma_wait3A_961 : memref<1x8x50x64xf32, #tpu.memory_space<vmem>> -> memref<8x50x64xf32, #tpu.memory_space<vmem>>
      tpu.wait_dma2 semaphore(%arg8 : memref<!tpu.dma_semaphore, #tpu.memory_space<semaphore_mem>>) src(%dma_wait3A_962 : memref<8x50x64xf32, #tpu.memory_space<vmem>>) dst(%dma_wait3A_957 : memref<8x50x64xf32, #tpu.memory_space<hbm>>)
      %rem3A_963 = arith.constant 4 : i32
      %rem3A_964 = arith.remsi %add3A_762, %rem3A_963 : i32
      %dma_start3A_965 = arith.constant 0 : i32
      %dma_start3A_966 = arith.constant 0 : i32
      %dma_start3A_967 = arith.constant 0 : i32
      %dma_start3A_968 = tpu.memref_slice %arg6[%rem3A_964, %dma_start3A_965, %dma_start3A_966, %dma_start3A_967] : memref<4x8x50x64xf32, #tpu.memory_space<vmem>> -> memref<1x8x50x64xf32, #tpu.memory_space<vmem>>
      %dma_start3A_969 = tpu.memref_squeeze %dma_start3A_968 : memref<1x8x50x64xf32, #tpu.memory_space<vmem>> -> memref<8x50x64xf32, #tpu.memory_space<vmem>>
      %dma_start3A_970 = arith.constant 0 : i32
      %dma_start3A_971 = arith.constant 0 : i32
      %dma_start3A_972 = arith.constant 0 : i32
      %dma_start3A_973 = tpu.memref_slice %arg4[%add3A, %add3A_762, %dma_start3A_970, %dma_start3A_971, %dma_start3A_972] : memref<32x16x8x56x128xf32, #tpu.memory_space<hbm>> -> memref<1x1x8x50x64xf32, #tpu.memory_space<hbm>>
      %dma_start3A_974 = tpu.memref_squeeze %dma_start3A_973 : memref<1x1x8x50x64xf32, #tpu.memory_space<hbm>> -> memref<8x50x64xf32, #tpu.memory_space<hbm>>
      %dma_start3A_975 = arith.constant 0 : i32
      %dma_start3A_976 = arith.constant 0 : i32
      %dma_start3A_977 = arith.constant 0 : i32
      %dma_start3A_978 = tpu.memref_slice %arg4[%add3A, %add3A_762, %dma_start3A_975, %dma_start3A_976, %dma_start3A_977] : memref<32x16x8x56x128xf32, #tpu.memory_space<hbm>> -> memref<1x1x8x50x64xf32, #tpu.memory_space<hbm>>
      %dma_start3A_979 = tpu.memref_squeeze %dma_start3A_978 : memref<1x1x8x50x64xf32, #tpu.memory_space<hbm>> -> memref<8x50x64xf32, #tpu.memory_space<hbm>>
      %dma_start3A_980 = arith.constant 0 : i32
      %dma_start3A_981 = arith.constant 0 : i32
      %dma_start3A_982 = arith.constant 0 : i32
      %dma_start3A_983 = tpu.memref_slice %arg6[%rem3A_964, %dma_start3A_980, %dma_start3A_981, %dma_start3A_982] : memref<4x8x50x64xf32, #tpu.memory_space<vmem>> -> memref<1x8x50x64xf32, #tpu.memory_space<vmem>>
      %dma_start3A_984 = tpu.memref_squeeze %dma_start3A_983 : memref<1x8x50x64xf32, #tpu.memory_space<vmem>> -> memref<8x50x64xf32, #tpu.memory_space<vmem>>
      tpu.enqueue_dma source(%dma_start3A_984 : memref<8x50x64xf32, #tpu.memory_space<vmem>>) target(%dma_start3A_979 : memref<8x50x64xf32, #tpu.memory_space<hbm>>) target_semaphore(%arg8 : memref<!tpu.dma_semaphore, #tpu.memory_space<semaphore_mem>>)
      %add3A_985 = arith.constant 4 : i32
      %add3A_986 = arith.addi %add3A_762, %add3A_985 : i32
      %sub3A = arith.constant 1 : i32
      %sub3A_987 = arith.subi %add3A_986, %sub3A : i32
      %rem3A_988 = arith.constant 4 : i32
      %rem3A_989 = arith.remsi %sub3A_987, %rem3A_988 : i32
      %mul3A_990 = arith.constant 8 : i32
      %mul3A_991 = arith.muli %sub3A_987, %mul3A_990 : i32
      %add3A_992 = arith.constant 0 : i32
      %add3A_993 = arith.addi %mul3A_991, %add3A_992 : i32
      %dma_start3A_994 = arith.constant 0 : i32
      %dma_start3A_995 = arith.constant 0 : i32
      %dma_start3A_996 = arith.constant 0 : i32
      %dma_start3A_997 = tpu.memref_slice %arg6[%rem3A_989, %dma_start3A_994, %dma_start3A_995, %dma_start3A_996] : memref<4x8x50x64xf32, #tpu.memory_space<vmem>> -> memref<1x1x50x64xf32, #tpu.memory_space<vmem>>
      %dma_start3A_998 = tpu.memref_squeeze %dma_start3A_997 : memref<1x1x50x64xf32, #tpu.memory_space<vmem>> -> memref<50x64xf32, #tpu.memory_space<vmem>>
      %dma_start3A_999 = arith.constant 0 : i32
      %dma_start3A_1000 = tpu.memref_slice %arg5[%add3A_993, %dma_start3A_999] : memref<128x50xi32, #tpu.memory_space<vmem>> -> memref<1x50xi32, #tpu.memory_space<vmem>>
      %dma_start3A_1001 = tpu.memref_squeeze %dma_start3A_1000 : memref<1x50xi32, #tpu.memory_space<vmem>> -> memref<50xi32, #tpu.memory_space<vmem>>
      %dma_start3A_1002 = arith.constant 0 : i32
      %dma_start3A_1003 = arith.constant 0 : i32
      %dma_start3A_1004 = tpu.memref_slice %arg3[%dma_start3A_1002, %dma_start3A_1003] : memref<100000x64xf32, #tpu.memory_space<hbm>> -> memref<100000x64xf32, #tpu.memory_space<hbm>>
      %dma_start3A_1005 = tpu.memref_slice %arg7[%rem3A_989] : memref<4x!tpu.dma_semaphore, #tpu.memory_space<semaphore_mem>> -> memref<1x!tpu.dma_semaphore, #tpu.memory_space<semaphore_mem>>
      %dma_start3A_1006 = tpu.memref_squeeze %dma_start3A_1005 : memref<1x!tpu.dma_semaphore, #tpu.memory_space<semaphore_mem>> -> memref<!tpu.dma_semaphore, #tpu.memory_space<semaphore_mem>>
      tpu.enqueue_indirect_dma source(%dma_start3A_1004 : memref<100000x64xf32, #tpu.memory_space<hbm>>) target(%dma_start3A_998 : memref<50x64xf32, #tpu.memory_space<vmem>>) offsets(%dma_start3A_1001 : memref<50xi32, #tpu.memory_space<vmem>>) semaphore(%dma_start3A_1006 : memref<!tpu.dma_semaphore, #tpu.memory_space<semaphore_mem>>)
      %mul3A_1007 = arith.constant 8 : i32
      %mul3A_1008 = arith.muli %sub3A_987, %mul3A_1007 : i32
      %add3A_1009 = arith.constant 1 : i32
      %add3A_1010 = arith.addi %mul3A_1008, %add3A_1009 : i32
      %dma_start3A_1011 = arith.constant 1 : i32
      %dma_start3A_1012 = arith.constant 0 : i32
      %dma_start3A_1013 = arith.constant 0 : i32
      %dma_start3A_1014 = tpu.memref_slice %arg6[%rem3A_989, %dma_start3A_1011, %dma_start3A_1012, %dma_start3A_1013] : memref<4x8x50x64xf32, #tpu.memory_space<vmem>> -> memref<1x1x50x64xf32, #tpu.memory_space<vmem>>
      %dma_start3A_1015 = tpu.memref_squeeze %dma_start3A_1014 : memref<1x1x50x64xf32, #tpu.memory_space<vmem>> -> memref<50x64xf32, #tpu.memory_space<vmem>>
      %dma_start3A_1016 = arith.constant 0 : i32
      %dma_start3A_1017 = tpu.memref_slice %arg5[%add3A_1010, %dma_start3A_1016] : memref<128x50xi32, #tpu.memory_space<vmem>> -> memref<1x50xi32, #tpu.memory_space<vmem>>
      %dma_start3A_1018 = tpu.memref_squeeze %dma_start3A_1017 : memref<1x50xi32, #tpu.memory_space<vmem>> -> memref<50xi32, #tpu.memory_space<vmem>>
      %dma_start3A_1019 = arith.constant 0 : i32
      %dma_start3A_1020 = arith.constant 0 : i32
      %dma_start3A_1021 = tpu.memref_slice %arg3[%dma_start3A_1019, %dma_start3A_1020] : memref<100000x64xf32, #tpu.memory_space<hbm>> -> memref<100000x64xf32, #tpu.memory_space<hbm>>
      %dma_start3A_1022 = tpu.memref_slice %arg7[%rem3A_989] : memref<4x!tpu.dma_semaphore, #tpu.memory_space<semaphore_mem>> -> memref<1x!tpu.dma_semaphore, #tpu.memory_space<semaphore_mem>>
      %dma_start3A_1023 = tpu.memref_squeeze %dma_start3A_1022 : memref<1x!tpu.dma_semaphore, #tpu.memory_space<semaphore_mem>> -> memref<!tpu.dma_semaphore, #tpu.memory_space<semaphore_mem>>
      tpu.enqueue_indirect_dma source(%dma_start3A_1021 : memref<100000x64xf32, #tpu.memory_space<hbm>>) target(%dma_start3A_1015 : memref<50x64xf32, #tpu.memory_space<vmem>>) offsets(%dma_start3A_1018 : memref<50xi32, #tpu.memory_space<vmem>>) semaphore(%dma_start3A_1023 : memref<!tpu.dma_semaphore, #tpu.memory_space<semaphore_mem>>)
      %mul3A_1024 = arith.constant 8 : i32
      %mul3A_1025 = arith.muli %sub3A_987, %mul3A_1024 : i32
      %add3A_1026 = arith.constant 2 : i32
      %add3A_1027 = arith.addi %mul3A_1025, %add3A_1026 : i32
      %dma_start3A_1028 = arith.constant 2 : i32
      %dma_start3A_1029 = arith.constant 0 : i32
      %dma_start3A_1030 = arith.constant 0 : i32
      %dma_start3A_1031 = tpu.memref_slice %arg6[%rem3A_989, %dma_start3A_1028, %dma_start3A_1029, %dma_start3A_1030] : memref<4x8x50x64xf32, #tpu.memory_space<vmem>> -> memref<1x1x50x64xf32, #tpu.memory_space<vmem>>
      %dma_start3A_1032 = tpu.memref_squeeze %dma_start3A_1031 : memref<1x1x50x64xf32, #tpu.memory_space<vmem>> -> memref<50x64xf32, #tpu.memory_space<vmem>>
      %dma_start3A_1033 = arith.constant 0 : i32
      %dma_start3A_1034 = tpu.memref_slice %arg5[%add3A_1027, %dma_start3A_1033] : memref<128x50xi32, #tpu.memory_space<vmem>> -> memref<1x50xi32, #tpu.memory_space<vmem>>
      %dma_start3A_1035 = tpu.memref_squeeze %dma_start3A_1034 : memref<1x50xi32, #tpu.memory_space<vmem>> -> memref<50xi32, #tpu.memory_space<vmem>>
      %dma_start3A_1036 = arith.constant 0 : i32
      %dma_start3A_1037 = arith.constant 0 : i32
      %dma_start3A_1038 = tpu.memref_slice %arg3[%dma_start3A_1036, %dma_start3A_1037] : memref<100000x64xf32, #tpu.memory_space<hbm>> -> memref<100000x64xf32, #tpu.memory_space<hbm>>
      %dma_start3A_1039 = tpu.memref_slice %arg7[%rem3A_989] : memref<4x!tpu.dma_semaphore, #tpu.memory_space<semaphore_mem>> -> memref<1x!tpu.dma_semaphore, #tpu.memory_space<semaphore_mem>>
      %dma_start3A_1040 = tpu.memref_squeeze %dma_start3A_1039 : memref<1x!tpu.dma_semaphore, #tpu.memory_space<semaphore_mem>> -> memref<!tpu.dma_semaphore, #tpu.memory_space<semaphore_mem>>
      tpu.enqueue_indirect_dma source(%dma_start3A_1038 : memref<100000x64xf32, #tpu.memory_space<hbm>>) target(%dma_start3A_1032 : memref<50x64xf32, #tpu.memory_space<vmem>>) offsets(%dma_start3A_1035 : memref<50xi32, #tpu.memory_space<vmem>>) semaphore(%dma_start3A_1040 : memref<!tpu.dma_semaphore, #tpu.memory_space<semaphore_mem>>)
      %mul3A_1041 = arith.constant 8 : i32
      %mul3A_1042 = arith.muli %sub3A_987, %mul3A_1041 : i32
      %add3A_1043 = arith.constant 3 : i32
      %add3A_1044 = arith.addi %mul3A_1042, %add3A_1043 : i32
      %dma_start3A_1045 = arith.constant 3 : i32
      %dma_start3A_1046 = arith.constant 0 : i32
      %dma_start3A_1047 = arith.constant 0 : i32
      %dma_start3A_1048 = tpu.memref_slice %arg6[%rem3A_989, %dma_start3A_1045, %dma_start3A_1046, %dma_start3A_1047] : memref<4x8x50x64xf32, #tpu.memory_space<vmem>> -> memref<1x1x50x64xf32, #tpu.memory_space<vmem>>
      %dma_start3A_1049 = tpu.memref_squeeze %dma_start3A_1048 : memref<1x1x50x64xf32, #tpu.memory_space<vmem>> -> memref<50x64xf32, #tpu.memory_space<vmem>>
      %dma_start3A_1050 = arith.constant 0 : i32
      %dma_start3A_1051 = tpu.memref_slice %arg5[%add3A_1044, %dma_start3A_1050] : memref<128x50xi32, #tpu.memory_space<vmem>> -> memref<1x50xi32, #tpu.memory_space<vmem>>
      %dma_start3A_1052 = tpu.memref_squeeze %dma_start3A_1051 : memref<1x50xi32, #tpu.memory_space<vmem>> -> memref<50xi32, #tpu.memory_space<vmem>>
      %dma_start3A_1053 = arith.constant 0 : i32
      %dma_start3A_1054 = arith.constant 0 : i32
      %dma_start3A_1055 = tpu.memref_slice %arg3[%dma_start3A_1053, %dma_start3A_1054] : memref<100000x64xf32, #tpu.memory_space<hbm>> -> memref<100000x64xf32, #tpu.memory_space<hbm>>
      %dma_start3A_1056 = tpu.memref_slice %arg7[%rem3A_989] : memref<4x!tpu.dma_semaphore, #tpu.memory_space<semaphore_mem>> -> memref<1x!tpu.dma_semaphore, #tpu.memory_space<semaphore_mem>>
      %dma_start3A_1057 = tpu.memref_squeeze %dma_start3A_1056 : memref<1x!tpu.dma_semaphore, #tpu.memory_space<semaphore_mem>> -> memref<!tpu.dma_semaphore, #tpu.memory_space<semaphore_mem>>
      tpu.enqueue_indirect_dma source(%dma_start3A_1055 : memref<100000x64xf32, #tpu.memory_space<hbm>>) target(%dma_start3A_1049 : memref<50x64xf32, #tpu.memory_space<vmem>>) offsets(%dma_start3A_1052 : memref<50xi32, #tpu.memory_space<vmem>>) semaphore(%dma_start3A_1057 : memref<!tpu.dma_semaphore, #tpu.memory_space<semaphore_mem>>)
      %mul3A_1058 = arith.constant 8 : i32
      %mul3A_1059 = arith.muli %sub3A_987, %mul3A_1058 : i32
      %add3A_1060 = arith.constant 4 : i32
      %add3A_1061 = arith.addi %mul3A_1059, %add3A_1060 : i32
      %dma_start3A_1062 = arith.constant 4 : i32
      %dma_start3A_1063 = arith.constant 0 : i32
      %dma_start3A_1064 = arith.constant 0 : i32
      %dma_start3A_1065 = tpu.memref_slice %arg6[%rem3A_989, %dma_start3A_1062, %dma_start3A_1063, %dma_start3A_1064] : memref<4x8x50x64xf32, #tpu.memory_space<vmem>> -> memref<1x1x50x64xf32, #tpu.memory_space<vmem>>
      %dma_start3A_1066 = tpu.memref_squeeze %dma_start3A_1065 : memref<1x1x50x64xf32, #tpu.memory_space<vmem>> -> memref<50x64xf32, #tpu.memory_space<vmem>>
      %dma_start3A_1067 = arith.constant 0 : i32
      %dma_start3A_1068 = tpu.memref_slice %arg5[%add3A_1061, %dma_start3A_1067] : memref<128x50xi32, #tpu.memory_space<vmem>> -> memref<1x50xi32, #tpu.memory_space<vmem>>
      %dma_start3A_1069 = tpu.memref_squeeze %dma_start3A_1068 : memref<1x50xi32, #tpu.memory_space<vmem>> -> memref<50xi32, #tpu.memory_space<vmem>>
      %dma_start3A_1070 = arith.constant 0 : i32
      %dma_start3A_1071 = arith.constant 0 : i32
      %dma_start3A_1072 = tpu.memref_slice %arg3[%dma_start3A_1070, %dma_start3A_1071] : memref<100000x64xf32, #tpu.memory_space<hbm>> -> memref<100000x64xf32, #tpu.memory_space<hbm>>
      %dma_start3A_1073 = tpu.memref_slice %arg7[%rem3A_989] : memref<4x!tpu.dma_semaphore, #tpu.memory_space<semaphore_mem>> -> memref<1x!tpu.dma_semaphore, #tpu.memory_space<semaphore_mem>>
      %dma_start3A_1074 = tpu.memref_squeeze %dma_start3A_1073 : memref<1x!tpu.dma_semaphore, #tpu.memory_space<semaphore_mem>> -> memref<!tpu.dma_semaphore, #tpu.memory_space<semaphore_mem>>
      tpu.enqueue_indirect_dma source(%dma_start3A_1072 : memref<100000x64xf32, #tpu.memory_space<hbm>>) target(%dma_start3A_1066 : memref<50x64xf32, #tpu.memory_space<vmem>>) offsets(%dma_start3A_1069 : memref<50xi32, #tpu.memory_space<vmem>>) semaphore(%dma_start3A_1074 : memref<!tpu.dma_semaphore, #tpu.memory_space<semaphore_mem>>)
      %mul3A_1075 = arith.constant 8 : i32
      %mul3A_1076 = arith.muli %sub3A_987, %mul3A_1075 : i32
      %add3A_1077 = arith.constant 5 : i32
      %add3A_1078 = arith.addi %mul3A_1076, %add3A_1077 : i32
      %dma_start3A_1079 = arith.constant 5 : i32
      %dma_start3A_1080 = arith.constant 0 : i32
      %dma_start3A_1081 = arith.constant 0 : i32
      %dma_start3A_1082 = tpu.memref_slice %arg6[%rem3A_989, %dma_start3A_1079, %dma_start3A_1080, %dma_start3A_1081] : memref<4x8x50x64xf32, #tpu.memory_space<vmem>> -> memref<1x1x50x64xf32, #tpu.memory_space<vmem>>
      %dma_start3A_1083 = tpu.memref_squeeze %dma_start3A_1082 : memref<1x1x50x64xf32, #tpu.memory_space<vmem>> -> memref<50x64xf32, #tpu.memory_space<vmem>>
      %dma_start3A_1084 = arith.constant 0 : i32
      %dma_start3A_1085 = tpu.memref_slice %arg5[%add3A_1078, %dma_start3A_1084] : memref<128x50xi32, #tpu.memory_space<vmem>> -> memref<1x50xi32, #tpu.memory_space<vmem>>
      %dma_start3A_1086 = tpu.memref_squeeze %dma_start3A_1085 : memref<1x50xi32, #tpu.memory_space<vmem>> -> memref<50xi32, #tpu.memory_space<vmem>>
      %dma_start3A_1087 = arith.constant 0 : i32
      %dma_start3A_1088 = arith.constant 0 : i32
      %dma_start3A_1089 = tpu.memref_slice %arg3[%dma_start3A_1087, %dma_start3A_1088] : memref<100000x64xf32, #tpu.memory_space<hbm>> -> memref<100000x64xf32, #tpu.memory_space<hbm>>
      %dma_start3A_1090 = tpu.memref_slice %arg7[%rem3A_989] : memref<4x!tpu.dma_semaphore, #tpu.memory_space<semaphore_mem>> -> memref<1x!tpu.dma_semaphore, #tpu.memory_space<semaphore_mem>>
      %dma_start3A_1091 = tpu.memref_squeeze %dma_start3A_1090 : memref<1x!tpu.dma_semaphore, #tpu.memory_space<semaphore_mem>> -> memref<!tpu.dma_semaphore, #tpu.memory_space<semaphore_mem>>
      tpu.enqueue_indirect_dma source(%dma_start3A_1089 : memref<100000x64xf32, #tpu.memory_space<hbm>>) target(%dma_start3A_1083 : memref<50x64xf32, #tpu.memory_space<vmem>>) offsets(%dma_start3A_1086 : memref<50xi32, #tpu.memory_space<vmem>>) semaphore(%dma_start3A_1091 : memref<!tpu.dma_semaphore, #tpu.memory_space<semaphore_mem>>)
      %mul3A_1092 = arith.constant 8 : i32
      %mul3A_1093 = arith.muli %sub3A_987, %mul3A_1092 : i32
      %add3A_1094 = arith.constant 6 : i32
      %add3A_1095 = arith.addi %mul3A_1093, %add3A_1094 : i32
      %dma_start3A_1096 = arith.constant 6 : i32
      %dma_start3A_1097 = arith.constant 0 : i32
      %dma_start3A_1098 = arith.constant 0 : i32
      %dma_start3A_1099 = tpu.memref_slice %arg6[%rem3A_989, %dma_start3A_1096, %dma_start3A_1097, %dma_start3A_1098] : memref<4x8x50x64xf32, #tpu.memory_space<vmem>> -> memref<1x1x50x64xf32, #tpu.memory_space<vmem>>
      %dma_start3A_1100 = tpu.memref_squeeze %dma_start3A_1099 : memref<1x1x50x64xf32, #tpu.memory_space<vmem>> -> memref<50x64xf32, #tpu.memory_space<vmem>>
      %dma_start3A_1101 = arith.constant 0 : i32
      %dma_start3A_1102 = tpu.memref_slice %arg5[%add3A_1095, %dma_start3A_1101] : memref<128x50xi32, #tpu.memory_space<vmem>> -> memref<1x50xi32, #tpu.memory_space<vmem>>
      %dma_start3A_1103 = tpu.memref_squeeze %dma_start3A_1102 : memref<1x50xi32, #tpu.memory_space<vmem>> -> memref<50xi32, #tpu.memory_space<vmem>>
      %dma_start3A_1104 = arith.constant 0 : i32
      %dma_start3A_1105 = arith.constant 0 : i32
      %dma_start3A_1106 = tpu.memref_slice %arg3[%dma_start3A_1104, %dma_start3A_1105] : memref<100000x64xf32, #tpu.memory_space<hbm>> -> memref<100000x64xf32, #tpu.memory_space<hbm>>
      %dma_start3A_1107 = tpu.memref_slice %arg7[%rem3A_989] : memref<4x!tpu.dma_semaphore, #tpu.memory_space<semaphore_mem>> -> memref<1x!tpu.dma_semaphore, #tpu.memory_space<semaphore_mem>>
      %dma_start3A_1108 = tpu.memref_squeeze %dma_start3A_1107 : memref<1x!tpu.dma_semaphore, #tpu.memory_space<semaphore_mem>> -> memref<!tpu.dma_semaphore, #tpu.memory_space<semaphore_mem>>
      tpu.enqueue_indirect_dma source(%dma_start3A_1106 : memref<100000x64xf32, #tpu.memory_space<hbm>>) target(%dma_start3A_1100 : memref<50x64xf32, #tpu.memory_space<vmem>>) offsets(%dma_start3A_1103 : memref<50xi32, #tpu.memory_space<vmem>>) semaphore(%dma_start3A_1108 : memref<!tpu.dma_semaphore, #tpu.memory_space<semaphore_mem>>)
      %mul3A_1109 = arith.constant 8 : i32
      %mul3A_1110 = arith.muli %sub3A_987, %mul3A_1109 : i32
      %add3A_1111 = arith.constant 7 : i32
      %add3A_1112 = arith.addi %mul3A_1110, %add3A_1111 : i32
      %dma_start3A_1113 = arith.constant 7 : i32
      %dma_start3A_1114 = arith.constant 0 : i32
      %dma_start3A_1115 = arith.constant 0 : i32
      %dma_start3A_1116 = tpu.memref_slice %arg6[%rem3A_989, %dma_start3A_1113, %dma_start3A_1114, %dma_start3A_1115] : memref<4x8x50x64xf32, #tpu.memory_space<vmem>> -> memref<1x1x50x64xf32, #tpu.memory_space<vmem>>
      %dma_start3A_1117 = tpu.memref_squeeze %dma_start3A_1116 : memref<1x1x50x64xf32, #tpu.memory_space<vmem>> -> memref<50x64xf32, #tpu.memory_space<vmem>>
      %dma_start3A_1118 = arith.constant 0 : i32
      %dma_start3A_1119 = tpu.memref_slice %arg5[%add3A_1112, %dma_start3A_1118] : memref<128x50xi32, #tpu.memory_space<vmem>> -> memref<1x50xi32, #tpu.memory_space<vmem>>
      %dma_start3A_1120 = tpu.memref_squeeze %dma_start3A_1119 : memref<1x50xi32, #tpu.memory_space<vmem>> -> memref<50xi32, #tpu.memory_space<vmem>>
      %dma_start3A_1121 = arith.constant 0 : i32
      %dma_start3A_1122 = arith.constant 0 : i32
      %dma_start3A_1123 = tpu.memref_slice %arg3[%dma_start3A_1121, %dma_start3A_1122] : memref<100000x64xf32, #tpu.memory_space<hbm>> -> memref<100000x64xf32, #tpu.memory_space<hbm>>
      %dma_start3A_1124 = tpu.memref_slice %arg7[%rem3A_989] : memref<4x!tpu.dma_semaphore, #tpu.memory_space<semaphore_mem>> -> memref<1x!tpu.dma_semaphore, #tpu.memory_space<semaphore_mem>>
      %dma_start3A_1125 = tpu.memref_squeeze %dma_start3A_1124 : memref<1x!tpu.dma_semaphore, #tpu.memory_space<semaphore_mem>> -> memref<!tpu.dma_semaphore, #tpu.memory_space<semaphore_mem>>
      tpu.enqueue_indirect_dma source(%dma_start3A_1123 : memref<100000x64xf32, #tpu.memory_space<hbm>>) target(%dma_start3A_1117 : memref<50x64xf32, #tpu.memory_space<vmem>>) offsets(%dma_start3A_1120 : memref<50xi32, #tpu.memory_space<vmem>>) semaphore(%dma_start3A_1125 : memref<!tpu.dma_semaphore, #tpu.memory_space<semaphore_mem>>)
    }
    %scan3A_664 = arith.constant 12 : i32
    %scan3A_665 = arith.constant 0 : i32
    %scan3A_666 = arith.constant 3 : i32
    %scan3A_667 = arith.addi %scan3A_665, %scan3A_666 : i32
    %scan3A_668 = arith.constant 1 : i32
    scf.for %scan3A_758 = %scan3A_665 to %scan3A_667 step %scan3A_668  : i32 {
      %mul3A_759 = arith.constant 1 : i32
      %mul3A_760 = arith.muli %scan3A_758, %mul3A_759 : i32
      %add3A_761 = arith.constant 13 : i32
      %add3A_762 = arith.addi %add3A_761, %mul3A_760 : i32
      %rem3A_763 = arith.constant 4 : i32
      %rem3A_764 = arith.remsi %add3A_762, %rem3A_763 : i32
      %dma_wait3A_765 = arith.constant 0 : i32
      %dma_wait3A_766 = arith.constant 0 : i32
      %dma_wait3A_767 = arith.constant 0 : i32
      %dma_wait3A_768 = arith.constant 0 : i32
      %dma_wait3A_769 = arith.constant 0 : i32
      %dma_wait3A_770 = arith.constant 0 : i32
      %dma_wait3A_771 = tpu.memref_slice %arg6[%dma_wait3A_767, %dma_wait3A_768, %dma_wait3A_769, %dma_wait3A_770] : memref<4x8x50x64xf32, #tpu.memory_space<vmem>> -> memref<1x1x50x64xf32, #tpu.memory_space<vmem>>
      %dma_wait3A_772 = tpu.memref_squeeze %dma_wait3A_771 : memref<1x1x50x64xf32, #tpu.memory_space<vmem>> -> memref<50x64xf32, #tpu.memory_space<vmem>>
      %dma_wait3A_773 = arith.constant 0 : i32
      %dma_wait3A_774 = arith.constant 0 : i32
      %dma_wait3A_775 = tpu.memref_slice %arg4[%add3A, %dma_wait3A_765, %dma_wait3A_766, %dma_wait3A_773, %dma_wait3A_774] : memref<32x16x8x56x128xf32, #tpu.memory_space<hbm>> -> memref<1x1x1x50x64xf32, #tpu.memory_space<hbm>>
      %dma_wait3A_776 = tpu.memref_squeeze %dma_wait3A_775 : memref<1x1x1x50x64xf32, #tpu.memory_space<hbm>> -> memref<50x64xf32, #tpu.memory_space<hbm>>
      %dma_wait3A_777 = tpu.memref_slice %arg7[%rem3A_764] : memref<4x!tpu.dma_semaphore, #tpu.memory_space<semaphore_mem>> -> memref<1x!tpu.dma_semaphore, #tpu.memory_space<semaphore_mem>>
      %dma_wait3A_778 = tpu.memref_squeeze %dma_wait3A_777 : memref<1x!tpu.dma_semaphore, #tpu.memory_space<semaphore_mem>> -> memref<!tpu.dma_semaphore, #tpu.memory_space<semaphore_mem>>
      %dma_wait3A_779 = arith.constant 0 : i32
      %dma_wait3A_780 = arith.constant 0 : i32
      %dma_wait3A_781 = tpu.memref_slice %arg6[%dma_wait3A_767, %dma_wait3A_768, %dma_wait3A_779, %dma_wait3A_780] : memref<4x8x50x64xf32, #tpu.memory_space<vmem>> -> memref<1x1x50x64xf32, #tpu.memory_space<vmem>>
      %dma_wait3A_782 = tpu.memref_squeeze %dma_wait3A_781 : memref<1x1x50x64xf32, #tpu.memory_space<vmem>> -> memref<50x64xf32, #tpu.memory_space<vmem>>
      %dma_wait3A_783 = arith.constant 0 : i32
      %dma_wait3A_784 = arith.constant 0 : i32
      %dma_wait3A_785 = tpu.memref_slice %arg4[%add3A, %dma_wait3A_765, %dma_wait3A_766, %dma_wait3A_783, %dma_wait3A_784] : memref<32x16x8x56x128xf32, #tpu.memory_space<hbm>> -> memref<1x1x1x50x64xf32, #tpu.memory_space<hbm>>
      %dma_wait3A_786 = tpu.memref_squeeze %dma_wait3A_785 : memref<1x1x1x50x64xf32, #tpu.memory_space<hbm>> -> memref<50x64xf32, #tpu.memory_space<hbm>>
      tpu.wait_dma2 semaphore(%dma_wait3A_778 : memref<!tpu.dma_semaphore, #tpu.memory_space<semaphore_mem>>) src(%dma_wait3A_786 : memref<50x64xf32, #tpu.memory_space<hbm>>) dst(%dma_wait3A_782 : memref<50x64xf32, #tpu.memory_space<vmem>>)
      %dma_wait3A_787 = arith.constant 0 : i32
      %dma_wait3A_788 = arith.constant 0 : i32
      %dma_wait3A_789 = arith.constant 0 : i32
      %dma_wait3A_790 = arith.constant 0 : i32
      %dma_wait3A_791 = arith.constant 0 : i32
      %dma_wait3A_792 = arith.constant 0 : i32
      %dma_wait3A_793 = tpu.memref_slice %arg6[%dma_wait3A_789, %dma_wait3A_790, %dma_wait3A_791, %dma_wait3A_792] : memref<4x8x50x64xf32, #tpu.memory_space<vmem>> -> memref<1x1x50x64xf32, #tpu.memory_space<vmem>>
      %dma_wait3A_794 = tpu.memref_squeeze %dma_wait3A_793 : memref<1x1x50x64xf32, #tpu.memory_space<vmem>> -> memref<50x64xf32, #tpu.memory_space<vmem>>
      %dma_wait3A_795 = arith.constant 0 : i32
      %dma_wait3A_796 = arith.constant 0 : i32
      %dma_wait3A_797 = tpu.memref_slice %arg4[%add3A, %dma_wait3A_787, %dma_wait3A_788, %dma_wait3A_795, %dma_wait3A_796] : memref<32x16x8x56x128xf32, #tpu.memory_space<hbm>> -> memref<1x1x1x50x64xf32, #tpu.memory_space<hbm>>
      %dma_wait3A_798 = tpu.memref_squeeze %dma_wait3A_797 : memref<1x1x1x50x64xf32, #tpu.memory_space<hbm>> -> memref<50x64xf32, #tpu.memory_space<hbm>>
      %dma_wait3A_799 = tpu.memref_slice %arg7[%rem3A_764] : memref<4x!tpu.dma_semaphore, #tpu.memory_space<semaphore_mem>> -> memref<1x!tpu.dma_semaphore, #tpu.memory_space<semaphore_mem>>
      %dma_wait3A_800 = tpu.memref_squeeze %dma_wait3A_799 : memref<1x!tpu.dma_semaphore, #tpu.memory_space<semaphore_mem>> -> memref<!tpu.dma_semaphore, #tpu.memory_space<semaphore_mem>>
      %dma_wait3A_801 = arith.constant 0 : i32
      %dma_wait3A_802 = arith.constant 0 : i32
      %dma_wait3A_803 = tpu.memref_slice %arg6[%dma_wait3A_789, %dma_wait3A_790, %dma_wait3A_801, %dma_wait3A_802] : memref<4x8x50x64xf32, #tpu.memory_space<vmem>> -> memref<1x1x50x64xf32, #tpu.memory_space<vmem>>
      %dma_wait3A_804 = tpu.memref_squeeze %dma_wait3A_803 : memref<1x1x50x64xf32, #tpu.memory_space<vmem>> -> memref<50x64xf32, #tpu.memory_space<vmem>>
      %dma_wait3A_805 = arith.constant 0 : i32
      %dma_wait3A_806 = arith.constant 0 : i32
      %dma_wait3A_807 = tpu.memref_slice %arg4[%add3A, %dma_wait3A_787, %dma_wait3A_788, %dma_wait3A_805, %dma_wait3A_806] : memref<32x16x8x56x128xf32, #tpu.memory_space<hbm>> -> memref<1x1x1x50x64xf32, #tpu.memory_space<hbm>>
      %dma_wait3A_808 = tpu.memref_squeeze %dma_wait3A_807 : memref<1x1x1x50x64xf32, #tpu.memory_space<hbm>> -> memref<50x64xf32, #tpu.memory_space<hbm>>
      tpu.wait_dma2 semaphore(%dma_wait3A_800 : memref<!tpu.dma_semaphore, #tpu.memory_space<semaphore_mem>>) src(%dma_wait3A_808 : memref<50x64xf32, #tpu.memory_space<hbm>>) dst(%dma_wait3A_804 : memref<50x64xf32, #tpu.memory_space<vmem>>)
      %dma_wait3A_809 = arith.constant 0 : i32
      %dma_wait3A_810 = arith.constant 0 : i32
      %dma_wait3A_811 = arith.constant 0 : i32
      %dma_wait3A_812 = arith.constant 0 : i32
      %dma_wait3A_813 = arith.constant 0 : i32
      %dma_wait3A_814 = arith.constant 0 : i32
      %dma_wait3A_815 = tpu.memref_slice %arg6[%dma_wait3A_811, %dma_wait3A_812, %dma_wait3A_813, %dma_wait3A_814] : memref<4x8x50x64xf32, #tpu.memory_space<vmem>> -> memref<1x1x50x64xf32, #tpu.memory_space<vmem>>
      %dma_wait3A_816 = tpu.memref_squeeze %dma_wait3A_815 : memref<1x1x50x64xf32, #tpu.memory_space<vmem>> -> memref<50x64xf32, #tpu.memory_space<vmem>>
      %dma_wait3A_817 = arith.constant 0 : i32
      %dma_wait3A_818 = arith.constant 0 : i32
      %dma_wait3A_819 = tpu.memref_slice %arg4[%add3A, %dma_wait3A_809, %dma_wait3A_810, %dma_wait3A_817, %dma_wait3A_818] : memref<32x16x8x56x128xf32, #tpu.memory_space<hbm>> -> memref<1x1x1x50x64xf32, #tpu.memory_space<hbm>>
      %dma_wait3A_820 = tpu.memref_squeeze %dma_wait3A_819 : memref<1x1x1x50x64xf32, #tpu.memory_space<hbm>> -> memref<50x64xf32, #tpu.memory_space<hbm>>
      %dma_wait3A_821 = tpu.memref_slice %arg7[%rem3A_764] : memref<4x!tpu.dma_semaphore, #tpu.memory_space<semaphore_mem>> -> memref<1x!tpu.dma_semaphore, #tpu.memory_space<semaphore_mem>>
      %dma_wait3A_822 = tpu.memref_squeeze %dma_wait3A_821 : memref<1x!tpu.dma_semaphore, #tpu.memory_space<semaphore_mem>> -> memref<!tpu.dma_semaphore, #tpu.memory_space<semaphore_mem>>
      %dma_wait3A_823 = arith.constant 0 : i32
      %dma_wait3A_824 = arith.constant 0 : i32
      %dma_wait3A_825 = tpu.memref_slice %arg6[%dma_wait3A_811, %dma_wait3A_812, %dma_wait3A_823, %dma_wait3A_824] : memref<4x8x50x64xf32, #tpu.memory_space<vmem>> -> memref<1x1x50x64xf32, #tpu.memory_space<vmem>>
      %dma_wait3A_826 = tpu.memref_squeeze %dma_wait3A_825 : memref<1x1x50x64xf32, #tpu.memory_space<vmem>> -> memref<50x64xf32, #tpu.memory_space<vmem>>
      %dma_wait3A_827 = arith.constant 0 : i32
      %dma_wait3A_828 = arith.constant 0 : i32
      %dma_wait3A_829 = tpu.memref_slice %arg4[%add3A, %dma_wait3A_809, %dma_wait3A_810, %dma_wait3A_827, %dma_wait3A_828] : memref<32x16x8x56x128xf32, #tpu.memory_space<hbm>> -> memref<1x1x1x50x64xf32, #tpu.memory_space<hbm>>
      %dma_wait3A_830 = tpu.memref_squeeze %dma_wait3A_829 : memref<1x1x1x50x64xf32, #tpu.memory_space<hbm>> -> memref<50x64xf32, #tpu.memory_space<hbm>>
      tpu.wait_dma2 semaphore(%dma_wait3A_822 : memref<!tpu.dma_semaphore, #tpu.memory_space<semaphore_mem>>) src(%dma_wait3A_830 : memref<50x64xf32, #tpu.memory_space<hbm>>) dst(%dma_wait3A_826 : memref<50x64xf32, #tpu.memory_space<vmem>>)
      %dma_wait3A_831 = arith.constant 0 : i32
      %dma_wait3A_832 = arith.constant 0 : i32
      %dma_wait3A_833 = arith.constant 0 : i32
      %dma_wait3A_834 = arith.constant 0 : i32
      %dma_wait3A_835 = arith.constant 0 : i32
      %dma_wait3A_836 = arith.constant 0 : i32
      %dma_wait3A_837 = tpu.memref_slice %arg6[%dma_wait3A_833, %dma_wait3A_834, %dma_wait3A_835, %dma_wait3A_836] : memref<4x8x50x64xf32, #tpu.memory_space<vmem>> -> memref<1x1x50x64xf32, #tpu.memory_space<vmem>>
      %dma_wait3A_838 = tpu.memref_squeeze %dma_wait3A_837 : memref<1x1x50x64xf32, #tpu.memory_space<vmem>> -> memref<50x64xf32, #tpu.memory_space<vmem>>
      %dma_wait3A_839 = arith.constant 0 : i32
      %dma_wait3A_840 = arith.constant 0 : i32
      %dma_wait3A_841 = tpu.memref_slice %arg4[%add3A, %dma_wait3A_831, %dma_wait3A_832, %dma_wait3A_839, %dma_wait3A_840] : memref<32x16x8x56x128xf32, #tpu.memory_space<hbm>> -> memref<1x1x1x50x64xf32, #tpu.memory_space<hbm>>
      %dma_wait3A_842 = tpu.memref_squeeze %dma_wait3A_841 : memref<1x1x1x50x64xf32, #tpu.memory_space<hbm>> -> memref<50x64xf32, #tpu.memory_space<hbm>>
      %dma_wait3A_843 = tpu.memref_slice %arg7[%rem3A_764] : memref<4x!tpu.dma_semaphore, #tpu.memory_space<semaphore_mem>> -> memref<1x!tpu.dma_semaphore, #tpu.memory_space<semaphore_mem>>
      %dma_wait3A_844 = tpu.memref_squeeze %dma_wait3A_843 : memref<1x!tpu.dma_semaphore, #tpu.memory_space<semaphore_mem>> -> memref<!tpu.dma_semaphore, #tpu.memory_space<semaphore_mem>>
      %dma_wait3A_845 = arith.constant 0 : i32
      %dma_wait3A_846 = arith.constant 0 : i32
      %dma_wait3A_847 = tpu.memref_slice %arg6[%dma_wait3A_833, %dma_wait3A_834, %dma_wait3A_845, %dma_wait3A_846] : memref<4x8x50x64xf32, #tpu.memory_space<vmem>> -> memref<1x1x50x64xf32, #tpu.memory_space<vmem>>
      %dma_wait3A_848 = tpu.memref_squeeze %dma_wait3A_847 : memref<1x1x50x64xf32, #tpu.memory_space<vmem>> -> memref<50x64xf32, #tpu.memory_space<vmem>>
      %dma_wait3A_849 = arith.constant 0 : i32
      %dma_wait3A_850 = arith.constant 0 : i32
      %dma_wait3A_851 = tpu.memref_slice %arg4[%add3A, %dma_wait3A_831, %dma_wait3A_832, %dma_wait3A_849, %dma_wait3A_850] : memref<32x16x8x56x128xf32, #tpu.memory_space<hbm>> -> memref<1x1x1x50x64xf32, #tpu.memory_space<hbm>>
      %dma_wait3A_852 = tpu.memref_squeeze %dma_wait3A_851 : memref<1x1x1x50x64xf32, #tpu.memory_space<hbm>> -> memref<50x64xf32, #tpu.memory_space<hbm>>
      tpu.wait_dma2 semaphore(%dma_wait3A_844 : memref<!tpu.dma_semaphore, #tpu.memory_space<semaphore_mem>>) src(%dma_wait3A_852 : memref<50x64xf32, #tpu.memory_space<hbm>>) dst(%dma_wait3A_848 : memref<50x64xf32, #tpu.memory_space<vmem>>)
      %dma_wait3A_853 = arith.constant 0 : i32
      %dma_wait3A_854 = arith.constant 0 : i32
      %dma_wait3A_855 = arith.constant 0 : i32
      %dma_wait3A_856 = arith.constant 0 : i32
      %dma_wait3A_857 = arith.constant 0 : i32
      %dma_wait3A_858 = arith.constant 0 : i32
      %dma_wait3A_859 = tpu.memref_slice %arg6[%dma_wait3A_855, %dma_wait3A_856, %dma_wait3A_857, %dma_wait3A_858] : memref<4x8x50x64xf32, #tpu.memory_space<vmem>> -> memref<1x1x50x64xf32, #tpu.memory_space<vmem>>
      %dma_wait3A_860 = tpu.memref_squeeze %dma_wait3A_859 : memref<1x1x50x64xf32, #tpu.memory_space<vmem>> -> memref<50x64xf32, #tpu.memory_space<vmem>>
      %dma_wait3A_861 = arith.constant 0 : i32
      %dma_wait3A_862 = arith.constant 0 : i32
      %dma_wait3A_863 = tpu.memref_slice %arg4[%add3A, %dma_wait3A_853, %dma_wait3A_854, %dma_wait3A_861, %dma_wait3A_862] : memref<32x16x8x56x128xf32, #tpu.memory_space<hbm>> -> memref<1x1x1x50x64xf32, #tpu.memory_space<hbm>>
      %dma_wait3A_864 = tpu.memref_squeeze %dma_wait3A_863 : memref<1x1x1x50x64xf32, #tpu.memory_space<hbm>> -> memref<50x64xf32, #tpu.memory_space<hbm>>
      %dma_wait3A_865 = tpu.memref_slice %arg7[%rem3A_764] : memref<4x!tpu.dma_semaphore, #tpu.memory_space<semaphore_mem>> -> memref<1x!tpu.dma_semaphore, #tpu.memory_space<semaphore_mem>>
      %dma_wait3A_866 = tpu.memref_squeeze %dma_wait3A_865 : memref<1x!tpu.dma_semaphore, #tpu.memory_space<semaphore_mem>> -> memref<!tpu.dma_semaphore, #tpu.memory_space<semaphore_mem>>
      %dma_wait3A_867 = arith.constant 0 : i32
      %dma_wait3A_868 = arith.constant 0 : i32
      %dma_wait3A_869 = tpu.memref_slice %arg6[%dma_wait3A_855, %dma_wait3A_856, %dma_wait3A_867, %dma_wait3A_868] : memref<4x8x50x64xf32, #tpu.memory_space<vmem>> -> memref<1x1x50x64xf32, #tpu.memory_space<vmem>>
      %dma_wait3A_870 = tpu.memref_squeeze %dma_wait3A_869 : memref<1x1x50x64xf32, #tpu.memory_space<vmem>> -> memref<50x64xf32, #tpu.memory_space<vmem>>
      %dma_wait3A_871 = arith.constant 0 : i32
      %dma_wait3A_872 = arith.constant 0 : i32
      %dma_wait3A_873 = tpu.memref_slice %arg4[%add3A, %dma_wait3A_853, %dma_wait3A_854, %dma_wait3A_871, %dma_wait3A_872] : memref<32x16x8x56x128xf32, #tpu.memory_space<hbm>> -> memref<1x1x1x50x64xf32, #tpu.memory_space<hbm>>
      %dma_wait3A_874 = tpu.memref_squeeze %dma_wait3A_873 : memref<1x1x1x50x64xf32, #tpu.memory_space<hbm>> -> memref<50x64xf32, #tpu.memory_space<hbm>>
      tpu.wait_dma2 semaphore(%dma_wait3A_866 : memref<!tpu.dma_semaphore, #tpu.memory_space<semaphore_mem>>) src(%dma_wait3A_874 : memref<50x64xf32, #tpu.memory_space<hbm>>) dst(%dma_wait3A_870 : memref<50x64xf32, #tpu.memory_space<vmem>>)
      %dma_wait3A_875 = arith.constant 0 : i32
      %dma_wait3A_876 = arith.constant 0 : i32
      %dma_wait3A_877 = arith.constant 0 : i32
      %dma_wait3A_878 = arith.constant 0 : i32
      %dma_wait3A_879 = arith.constant 0 : i32
      %dma_wait3A_880 = arith.constant 0 : i32
      %dma_wait3A_881 = tpu.memref_slice %arg6[%dma_wait3A_877, %dma_wait3A_878, %dma_wait3A_879, %dma_wait3A_880] : memref<4x8x50x64xf32, #tpu.memory_space<vmem>> -> memref<1x1x50x64xf32, #tpu.memory_space<vmem>>
      %dma_wait3A_882 = tpu.memref_squeeze %dma_wait3A_881 : memref<1x1x50x64xf32, #tpu.memory_space<vmem>> -> memref<50x64xf32, #tpu.memory_space<vmem>>
      %dma_wait3A_883 = arith.constant 0 : i32
      %dma_wait3A_884 = arith.constant 0 : i32
      %dma_wait3A_885 = tpu.memref_slice %arg4[%add3A, %dma_wait3A_875, %dma_wait3A_876, %dma_wait3A_883, %dma_wait3A_884] : memref<32x16x8x56x128xf32, #tpu.memory_space<hbm>> -> memref<1x1x1x50x64xf32, #tpu.memory_space<hbm>>
      %dma_wait3A_886 = tpu.memref_squeeze %dma_wait3A_885 : memref<1x1x1x50x64xf32, #tpu.memory_space<hbm>> -> memref<50x64xf32, #tpu.memory_space<hbm>>
      %dma_wait3A_887 = tpu.memref_slice %arg7[%rem3A_764] : memref<4x!tpu.dma_semaphore, #tpu.memory_space<semaphore_mem>> -> memref<1x!tpu.dma_semaphore, #tpu.memory_space<semaphore_mem>>
      %dma_wait3A_888 = tpu.memref_squeeze %dma_wait3A_887 : memref<1x!tpu.dma_semaphore, #tpu.memory_space<semaphore_mem>> -> memref<!tpu.dma_semaphore, #tpu.memory_space<semaphore_mem>>
      %dma_wait3A_889 = arith.constant 0 : i32
      %dma_wait3A_890 = arith.constant 0 : i32
      %dma_wait3A_891 = tpu.memref_slice %arg6[%dma_wait3A_877, %dma_wait3A_878, %dma_wait3A_889, %dma_wait3A_890] : memref<4x8x50x64xf32, #tpu.memory_space<vmem>> -> memref<1x1x50x64xf32, #tpu.memory_space<vmem>>
      %dma_wait3A_892 = tpu.memref_squeeze %dma_wait3A_891 : memref<1x1x50x64xf32, #tpu.memory_space<vmem>> -> memref<50x64xf32, #tpu.memory_space<vmem>>
      %dma_wait3A_893 = arith.constant 0 : i32
      %dma_wait3A_894 = arith.constant 0 : i32
      %dma_wait3A_895 = tpu.memref_slice %arg4[%add3A, %dma_wait3A_875, %dma_wait3A_876, %dma_wait3A_893, %dma_wait3A_894] : memref<32x16x8x56x128xf32, #tpu.memory_space<hbm>> -> memref<1x1x1x50x64xf32, #tpu.memory_space<hbm>>
      %dma_wait3A_896 = tpu.memref_squeeze %dma_wait3A_895 : memref<1x1x1x50x64xf32, #tpu.memory_space<hbm>> -> memref<50x64xf32, #tpu.memory_space<hbm>>
      tpu.wait_dma2 semaphore(%dma_wait3A_888 : memref<!tpu.dma_semaphore, #tpu.memory_space<semaphore_mem>>) src(%dma_wait3A_896 : memref<50x64xf32, #tpu.memory_space<hbm>>) dst(%dma_wait3A_892 : memref<50x64xf32, #tpu.memory_space<vmem>>)
      %dma_wait3A_897 = arith.constant 0 : i32
      %dma_wait3A_898 = arith.constant 0 : i32
      %dma_wait3A_899 = arith.constant 0 : i32
      %dma_wait3A_900 = arith.constant 0 : i32
      %dma_wait3A_901 = arith.constant 0 : i32
      %dma_wait3A_902 = arith.constant 0 : i32
      %dma_wait3A_903 = tpu.memref_slice %arg6[%dma_wait3A_899, %dma_wait3A_900, %dma_wait3A_901, %dma_wait3A_902] : memref<4x8x50x64xf32, #tpu.memory_space<vmem>> -> memref<1x1x50x64xf32, #tpu.memory_space<vmem>>
      %dma_wait3A_904 = tpu.memref_squeeze %dma_wait3A_903 : memref<1x1x50x64xf32, #tpu.memory_space<vmem>> -> memref<50x64xf32, #tpu.memory_space<vmem>>
      %dma_wait3A_905 = arith.constant 0 : i32
      %dma_wait3A_906 = arith.constant 0 : i32
      %dma_wait3A_907 = tpu.memref_slice %arg4[%add3A, %dma_wait3A_897, %dma_wait3A_898, %dma_wait3A_905, %dma_wait3A_906] : memref<32x16x8x56x128xf32, #tpu.memory_space<hbm>> -> memref<1x1x1x50x64xf32, #tpu.memory_space<hbm>>
      %dma_wait3A_908 = tpu.memref_squeeze %dma_wait3A_907 : memref<1x1x1x50x64xf32, #tpu.memory_space<hbm>> -> memref<50x64xf32, #tpu.memory_space<hbm>>
      %dma_wait3A_909 = tpu.memref_slice %arg7[%rem3A_764] : memref<4x!tpu.dma_semaphore, #tpu.memory_space<semaphore_mem>> -> memref<1x!tpu.dma_semaphore, #tpu.memory_space<semaphore_mem>>
      %dma_wait3A_910 = tpu.memref_squeeze %dma_wait3A_909 : memref<1x!tpu.dma_semaphore, #tpu.memory_space<semaphore_mem>> -> memref<!tpu.dma_semaphore, #tpu.memory_space<semaphore_mem>>
      %dma_wait3A_911 = arith.constant 0 : i32
      %dma_wait3A_912 = arith.constant 0 : i32
      %dma_wait3A_913 = tpu.memref_slice %arg6[%dma_wait3A_899, %dma_wait3A_900, %dma_wait3A_911, %dma_wait3A_912] : memref<4x8x50x64xf32, #tpu.memory_space<vmem>> -> memref<1x1x50x64xf32, #tpu.memory_space<vmem>>
      %dma_wait3A_914 = tpu.memref_squeeze %dma_wait3A_913 : memref<1x1x50x64xf32, #tpu.memory_space<vmem>> -> memref<50x64xf32, #tpu.memory_space<vmem>>
      %dma_wait3A_915 = arith.constant 0 : i32
      %dma_wait3A_916 = arith.constant 0 : i32
      %dma_wait3A_917 = tpu.memref_slice %arg4[%add3A, %dma_wait3A_897, %dma_wait3A_898, %dma_wait3A_915, %dma_wait3A_916] : memref<32x16x8x56x128xf32, #tpu.memory_space<hbm>> -> memref<1x1x1x50x64xf32, #tpu.memory_space<hbm>>
      %dma_wait3A_918 = tpu.memref_squeeze %dma_wait3A_917 : memref<1x1x1x50x64xf32, #tpu.memory_space<hbm>> -> memref<50x64xf32, #tpu.memory_space<hbm>>
      tpu.wait_dma2 semaphore(%dma_wait3A_910 : memref<!tpu.dma_semaphore, #tpu.memory_space<semaphore_mem>>) src(%dma_wait3A_918 : memref<50x64xf32, #tpu.memory_space<hbm>>) dst(%dma_wait3A_914 : memref<50x64xf32, #tpu.memory_space<vmem>>)
      %dma_wait3A_919 = arith.constant 0 : i32
      %dma_wait3A_920 = arith.constant 0 : i32
      %dma_wait3A_921 = arith.constant 0 : i32
      %dma_wait3A_922 = arith.constant 0 : i32
      %dma_wait3A_923 = arith.constant 0 : i32
      %dma_wait3A_924 = arith.constant 0 : i32
      %dma_wait3A_925 = tpu.memref_slice %arg6[%dma_wait3A_921, %dma_wait3A_922, %dma_wait3A_923, %dma_wait3A_924] : memref<4x8x50x64xf32, #tpu.memory_space<vmem>> -> memref<1x1x50x64xf32, #tpu.memory_space<vmem>>
      %dma_wait3A_926 = tpu.memref_squeeze %dma_wait3A_925 : memref<1x1x50x64xf32, #tpu.memory_space<vmem>> -> memref<50x64xf32, #tpu.memory_space<vmem>>
      %dma_wait3A_927 = arith.constant 0 : i32
      %dma_wait3A_928 = arith.constant 0 : i32
      %dma_wait3A_929 = tpu.memref_slice %arg4[%add3A, %dma_wait3A_919, %dma_wait3A_920, %dma_wait3A_927, %dma_wait3A_928] : memref<32x16x8x56x128xf32, #tpu.memory_space<hbm>> -> memref<1x1x1x50x64xf32, #tpu.memory_space<hbm>>
      %dma_wait3A_930 = tpu.memref_squeeze %dma_wait3A_929 : memref<1x1x1x50x64xf32, #tpu.memory_space<hbm>> -> memref<50x64xf32, #tpu.memory_space<hbm>>
      %dma_wait3A_931 = tpu.memref_slice %arg7[%rem3A_764] : memref<4x!tpu.dma_semaphore, #tpu.memory_space<semaphore_mem>> -> memref<1x!tpu.dma_semaphore, #tpu.memory_space<semaphore_mem>>
      %dma_wait3A_932 = tpu.memref_squeeze %dma_wait3A_931 : memref<1x!tpu.dma_semaphore, #tpu.memory_space<semaphore_mem>> -> memref<!tpu.dma_semaphore, #tpu.memory_space<semaphore_mem>>
      %dma_wait3A_933 = arith.constant 0 : i32
      %dma_wait3A_934 = arith.constant 0 : i32
      %dma_wait3A_935 = tpu.memref_slice %arg6[%dma_wait3A_921, %dma_wait3A_922, %dma_wait3A_933, %dma_wait3A_934] : memref<4x8x50x64xf32, #tpu.memory_space<vmem>> -> memref<1x1x50x64xf32, #tpu.memory_space<vmem>>
      %dma_wait3A_936 = tpu.memref_squeeze %dma_wait3A_935 : memref<1x1x50x64xf32, #tpu.memory_space<vmem>> -> memref<50x64xf32, #tpu.memory_space<vmem>>
      %dma_wait3A_937 = arith.constant 0 : i32
      %dma_wait3A_938 = arith.constant 0 : i32
      %dma_wait3A_939 = tpu.memref_slice %arg4[%add3A, %dma_wait3A_919, %dma_wait3A_920, %dma_wait3A_937, %dma_wait3A_938] : memref<32x16x8x56x128xf32, #tpu.memory_space<hbm>> -> memref<1x1x1x50x64xf32, #tpu.memory_space<hbm>>
      %dma_wait3A_940 = tpu.memref_squeeze %dma_wait3A_939 : memref<1x1x1x50x64xf32, #tpu.memory_space<hbm>> -> memref<50x64xf32, #tpu.memory_space<hbm>>
      tpu.wait_dma2 semaphore(%dma_wait3A_932 : memref<!tpu.dma_semaphore, #tpu.memory_space<semaphore_mem>>) src(%dma_wait3A_940 : memref<50x64xf32, #tpu.memory_space<hbm>>) dst(%dma_wait3A_936 : memref<50x64xf32, #tpu.memory_space<vmem>>)
      %rem3A_941 = arith.constant 4 : i32
      %rem3A_942 = arith.remsi %add3A_762, %rem3A_941 : i32
      %dma_start3A_943 = arith.constant 0 : i32
      %dma_start3A_944 = arith.constant 0 : i32
      %dma_start3A_945 = arith.constant 0 : i32
      %dma_start3A_946 = tpu.memref_slice %arg6[%rem3A_942, %dma_start3A_943, %dma_start3A_944, %dma_start3A_945] : memref<4x8x50x64xf32, #tpu.memory_space<vmem>> -> memref<1x8x50x64xf32, #tpu.memory_space<vmem>>
      %dma_start3A_947 = tpu.memref_squeeze %dma_start3A_946 : memref<1x8x50x64xf32, #tpu.memory_space<vmem>> -> memref<8x50x64xf32, #tpu.memory_space<vmem>>
      %dma_start3A_948 = arith.constant 0 : i32
      %dma_start3A_949 = arith.constant 0 : i32
      %dma_start3A_950 = arith.constant 0 : i32
      %dma_start3A_951 = tpu.memref_slice %arg4[%add3A, %add3A_762, %dma_start3A_948, %dma_start3A_949, %dma_start3A_950] : memref<32x16x8x56x128xf32, #tpu.memory_space<hbm>> -> memref<1x1x8x50x64xf32, #tpu.memory_space<hbm>>
      %dma_start3A_952 = tpu.memref_squeeze %dma_start3A_951 : memref<1x1x8x50x64xf32, #tpu.memory_space<hbm>> -> memref<8x50x64xf32, #tpu.memory_space<hbm>>
      %dma_start3A_953 = arith.constant 0 : i32
      %dma_start3A_954 = arith.constant 0 : i32
      %dma_start3A_955 = arith.constant 0 : i32
      %dma_start3A_956 = tpu.memref_slice %arg4[%add3A, %add3A_762, %dma_start3A_953, %dma_start3A_954, %dma_start3A_955] : memref<32x16x8x56x128xf32, #tpu.memory_space<hbm>> -> memref<1x1x8x50x64xf32, #tpu.memory_space<hbm>>
      %dma_start3A_957 = tpu.memref_squeeze %dma_start3A_956 : memref<1x1x8x50x64xf32, #tpu.memory_space<hbm>> -> memref<8x50x64xf32, #tpu.memory_space<hbm>>
      %dma_start3A_958 = arith.constant 0 : i32
      %dma_start3A_959 = arith.constant 0 : i32
      %dma_start3A_960 = arith.constant 0 : i32
      %dma_start3A_961 = tpu.memref_slice %arg6[%rem3A_942, %dma_start3A_958, %dma_start3A_959, %dma_start3A_960] : memref<4x8x50x64xf32, #tpu.memory_space<vmem>> -> memref<1x8x50x64xf32, #tpu.memory_space<vmem>>
      %dma_start3A_962 = tpu.memref_squeeze %dma_start3A_961 : memref<1x8x50x64xf32, #tpu.memory_space<vmem>> -> memref<8x50x64xf32, #tpu.memory_space<vmem>>
      tpu.enqueue_dma source(%dma_start3A_962 : memref<8x50x64xf32, #tpu.memory_space<vmem>>) target(%dma_start3A_957 : memref<8x50x64xf32, #tpu.memory_space<hbm>>) target_semaphore(%arg8 : memref<!tpu.dma_semaphore, #tpu.memory_space<semaphore_mem>>)
    }
    %scan3A_669 = arith.constant 3 : i32
    %dma_wait3A_670 = arith.constant 0 : i32
    %dma_wait3A_671 = arith.constant 0 : i32
    %dma_wait3A_672 = arith.constant 0 : i32
    %dma_wait3A_673 = arith.constant 0 : i32
    %dma_wait3A_674 = arith.constant 0 : i32
    %dma_wait3A_675 = tpu.memref_slice %arg6[%dma_wait3A_670, %dma_wait3A_672, %dma_wait3A_673, %dma_wait3A_674] : memref<4x8x50x64xf32, #tpu.memory_space<vmem>> -> memref<1x8x50x64xf32, #tpu.memory_space<vmem>>
    %dma_wait3A_676 = tpu.memref_squeeze %dma_wait3A_675 : memref<1x8x50x64xf32, #tpu.memory_space<vmem>> -> memref<8x50x64xf32, #tpu.memory_space<vmem>>
    %dma_wait3A_677 = arith.constant 0 : i32
    %dma_wait3A_678 = arith.constant 0 : i32
    %dma_wait3A_679 = arith.constant 0 : i32
    %dma_wait3A_680 = tpu.memref_slice %arg4[%add3A, %dma_wait3A_671, %dma_wait3A_677, %dma_wait3A_678, %dma_wait3A_679] : memref<32x16x8x56x128xf32, #tpu.memory_space<hbm>> -> memref<1x1x8x50x64xf32, #tpu.memory_space<hbm>>
    %dma_wait3A_681 = tpu.memref_squeeze %dma_wait3A_680 : memref<1x1x8x50x64xf32, #tpu.memory_space<hbm>> -> memref<8x50x64xf32, #tpu.memory_space<hbm>>
    %dma_wait3A_682 = arith.constant 0 : i32
    %dma_wait3A_683 = arith.constant 0 : i32
    %dma_wait3A_684 = arith.constant 0 : i32
    %dma_wait3A_685 = tpu.memref_slice %arg4[%add3A, %dma_wait3A_671, %dma_wait3A_682, %dma_wait3A_683, %dma_wait3A_684] : memref<32x16x8x56x128xf32, #tpu.memory_space<hbm>> -> memref<1x1x8x50x64xf32, #tpu.memory_space<hbm>>
    %dma_wait3A_686 = tpu.memref_squeeze %dma_wait3A_685 : memref<1x1x8x50x64xf32, #tpu.memory_space<hbm>> -> memref<8x50x64xf32, #tpu.memory_space<hbm>>
    %dma_wait3A_687 = arith.constant 0 : i32
    %dma_wait3A_688 = arith.constant 0 : i32
    %dma_wait3A_689 = arith.constant 0 : i32
    %dma_wait3A_690 = tpu.memref_slice %arg6[%dma_wait3A_670, %dma_wait3A_687, %dma_wait3A_688, %dma_wait3A_689] : memref<4x8x50x64xf32, #tpu.memory_space<vmem>> -> memref<1x8x50x64xf32, #tpu.memory_space<vmem>>
    %dma_wait3A_691 = tpu.memref_squeeze %dma_wait3A_690 : memref<1x8x50x64xf32, #tpu.memory_space<vmem>> -> memref<8x50x64xf32, #tpu.memory_space<vmem>>
    tpu.wait_dma2 semaphore(%arg8 : memref<!tpu.dma_semaphore, #tpu.memory_space<semaphore_mem>>) src(%dma_wait3A_691 : memref<8x50x64xf32, #tpu.memory_space<vmem>>) dst(%dma_wait3A_686 : memref<8x50x64xf32, #tpu.memory_space<hbm>>)
    %dma_wait3A_692 = arith.constant 0 : i32
    %dma_wait3A_693 = arith.constant 0 : i32
    %dma_wait3A_694 = arith.constant 0 : i32
    %dma_wait3A_695 = arith.constant 0 : i32
    %dma_wait3A_696 = arith.constant 0 : i32
    %dma_wait3A_697 = tpu.memref_slice %arg6[%dma_wait3A_692, %dma_wait3A_694, %dma_wait3A_695, %dma_wait3A_696] : memref<4x8x50x64xf32, #tpu.memory_space<vmem>> -> memref<1x8x50x64xf32, #tpu.memory_space<vmem>>
    %dma_wait3A_698 = tpu.memref_squeeze %dma_wait3A_697 : memref<1x8x50x64xf32, #tpu.memory_space<vmem>> -> memref<8x50x64xf32, #tpu.memory_space<vmem>>
    %dma_wait3A_699 = arith.constant 0 : i32
    %dma_wait3A_700 = arith.constant 0 : i32
    %dma_wait3A_701 = arith.constant 0 : i32
    %dma_wait3A_702 = tpu.memref_slice %arg4[%add3A, %dma_wait3A_693, %dma_wait3A_699, %dma_wait3A_700, %dma_wait3A_701] : memref<32x16x8x56x128xf32, #tpu.memory_space<hbm>> -> memref<1x1x8x50x64xf32, #tpu.memory_space<hbm>>
    %dma_wait3A_703 = tpu.memref_squeeze %dma_wait3A_702 : memref<1x1x8x50x64xf32, #tpu.memory_space<hbm>> -> memref<8x50x64xf32, #tpu.memory_space<hbm>>
    %dma_wait3A_704 = arith.constant 0 : i32
    %dma_wait3A_705 = arith.constant 0 : i32
    %dma_wait3A_706 = arith.constant 0 : i32
    %dma_wait3A_707 = tpu.memref_slice %arg4[%add3A, %dma_wait3A_693, %dma_wait3A_704, %dma_wait3A_705, %dma_wait3A_706] : memref<32x16x8x56x128xf32, #tpu.memory_space<hbm>> -> memref<1x1x8x50x64xf32, #tpu.memory_space<hbm>>
    %dma_wait3A_708 = tpu.memref_squeeze %dma_wait3A_707 : memref<1x1x8x50x64xf32, #tpu.memory_space<hbm>> -> memref<8x50x64xf32, #tpu.memory_space<hbm>>
    %dma_wait3A_709 = arith.constant 0 : i32
    %dma_wait3A_710 = arith.constant 0 : i32
    %dma_wait3A_711 = arith.constant 0 : i32
    %dma_wait3A_712 = tpu.memref_slice %arg6[%dma_wait3A_692, %dma_wait3A_709, %dma_wait3A_710, %dma_wait3A_711] : memref<4x8x50x64xf32, #tpu.memory_space<vmem>> -> memref<1x8x50x64xf32, #tpu.memory_space<vmem>>
    %dma_wait3A_713 = tpu.memref_squeeze %dma_wait3A_712 : memref<1x8x50x64xf32, #tpu.memory_space<vmem>> -> memref<8x50x64xf32, #tpu.memory_space<vmem>>
    tpu.wait_dma2 semaphore(%arg8 : memref<!tpu.dma_semaphore, #tpu.memory_space<semaphore_mem>>) src(%dma_wait3A_713 : memref<8x50x64xf32, #tpu.memory_space<vmem>>) dst(%dma_wait3A_708 : memref<8x50x64xf32, #tpu.memory_space<hbm>>)
    %dma_wait3A_714 = arith.constant 0 : i32
    %dma_wait3A_715 = arith.constant 0 : i32
    %dma_wait3A_716 = arith.constant 0 : i32
    %dma_wait3A_717 = arith.constant 0 : i32
    %dma_wait3A_718 = arith.constant 0 : i32
    %dma_wait3A_719 = tpu.memref_slice %arg6[%dma_wait3A_714, %dma_wait3A_716, %dma_wait3A_717, %dma_wait3A_718] : memref<4x8x50x64xf32, #tpu.memory_space<vmem>> -> memref<1x8x50x64xf32, #tpu.memory_space<vmem>>
    %dma_wait3A_720 = tpu.memref_squeeze %dma_wait3A_719 : memref<1x8x50x64xf32, #tpu.memory_space<vmem>> -> memref<8x50x64xf32, #tpu.memory_space<vmem>>
    %dma_wait3A_721 = arith.constant 0 : i32
    %dma_wait3A_722 = arith.constant 0 : i32
    %dma_wait3A_723 = arith.constant 0 : i32
    %dma_wait3A_724 = tpu.memref_slice %arg4[%add3A, %dma_wait3A_715, %dma_wait3A_721, %dma_wait3A_722, %dma_wait3A_723] : memref<32x16x8x56x128xf32, #tpu.memory_space<hbm>> -> memref<1x1x8x50x64xf32, #tpu.memory_space<hbm>>
    %dma_wait3A_725 = tpu.memref_squeeze %dma_wait3A_724 : memref<1x1x8x50x64xf32, #tpu.memory_space<hbm>> -> memref<8x50x64xf32, #tpu.memory_space<hbm>>
    %dma_wait3A_726 = arith.constant 0 : i32
    %dma_wait3A_727 = arith.constant 0 : i32
    %dma_wait3A_728 = arith.constant 0 : i32
    %dma_wait3A_729 = tpu.memref_slice %arg4[%add3A, %dma_wait3A_715, %dma_wait3A_726, %dma_wait3A_727, %dma_wait3A_728] : memref<32x16x8x56x128xf32, #tpu.memory_space<hbm>> -> memref<1x1x8x50x64xf32, #tpu.memory_space<hbm>>
    %dma_wait3A_730 = tpu.memref_squeeze %dma_wait3A_729 : memref<1x1x8x50x64xf32, #tpu.memory_space<hbm>> -> memref<8x50x64xf32, #tpu.memory_space<hbm>>
    %dma_wait3A_731 = arith.constant 0 : i32
    %dma_wait3A_732 = arith.constant 0 : i32
    %dma_wait3A_733 = arith.constant 0 : i32
    %dma_wait3A_734 = tpu.memref_slice %arg6[%dma_wait3A_714, %dma_wait3A_731, %dma_wait3A_732, %dma_wait3A_733] : memref<4x8x50x64xf32, #tpu.memory_space<vmem>> -> memref<1x8x50x64xf32, #tpu.memory_space<vmem>>
    %dma_wait3A_735 = tpu.memref_squeeze %dma_wait3A_734 : memref<1x8x50x64xf32, #tpu.memory_space<vmem>> -> memref<8x50x64xf32, #tpu.memory_space<vmem>>
    tpu.wait_dma2 semaphore(%arg8 : memref<!tpu.dma_semaphore, #tpu.memory_space<semaphore_mem>>) src(%dma_wait3A_735 : memref<8x50x64xf32, #tpu.memory_space<vmem>>) dst(%dma_wait3A_730 : memref<8x50x64xf32, #tpu.memory_space<hbm>>)
    %dma_wait3A_736 = arith.constant 0 : i32
    %dma_wait3A_737 = arith.constant 0 : i32
    %dma_wait3A_738 = arith.constant 0 : i32
    %dma_wait3A_739 = arith.constant 0 : i32
    %dma_wait3A_740 = arith.constant 0 : i32
    %dma_wait3A_741 = tpu.memref_slice %arg6[%dma_wait3A_736, %dma_wait3A_738, %dma_wait3A_739, %dma_wait3A_740] : memref<4x8x50x64xf32, #tpu.memory_space<vmem>> -> memref<1x8x50x64xf32, #tpu.memory_space<vmem>>
    %dma_wait3A_742 = tpu.memref_squeeze %dma_wait3A_741 : memref<1x8x50x64xf32, #tpu.memory_space<vmem>> -> memref<8x50x64xf32, #tpu.memory_space<vmem>>
    %dma_wait3A_743 = arith.constant 0 : i32
    %dma_wait3A_744 = arith.constant 0 : i32
    %dma_wait3A_745 = arith.constant 0 : i32
    %dma_wait3A_746 = tpu.memref_slice %arg4[%add3A, %dma_wait3A_737, %dma_wait3A_743, %dma_wait3A_744, %dma_wait3A_745] : memref<32x16x8x56x128xf32, #tpu.memory_space<hbm>> -> memref<1x1x8x50x64xf32, #tpu.memory_space<hbm>>
    %dma_wait3A_747 = tpu.memref_squeeze %dma_wait3A_746 : memref<1x1x8x50x64xf32, #tpu.memory_space<hbm>> -> memref<8x50x64xf32, #tpu.memory_space<hbm>>
    %dma_wait3A_748 = arith.constant 0 : i32
    %dma_wait3A_749 = arith.constant 0 : i32
    %dma_wait3A_750 = arith.constant 0 : i32
    %dma_wait3A_751 = tpu.memref_slice %arg4[%add3A, %dma_wait3A_737, %dma_wait3A_748, %dma_wait3A_749, %dma_wait3A_750] : memref<32x16x8x56x128xf32, #tpu.memory_space<hbm>> -> memref<1x1x8x50x64xf32, #tpu.memory_space<hbm>>
    %dma_wait3A_752 = tpu.memref_squeeze %dma_wait3A_751 : memref<1x1x8x50x64xf32, #tpu.memory_space<hbm>> -> memref<8x50x64xf32, #tpu.memory_space<hbm>>
    %dma_wait3A_753 = arith.constant 0 : i32
    %dma_wait3A_754 = arith.constant 0 : i32
    %dma_wait3A_755 = arith.constant 0 : i32
    %dma_wait3A_756 = tpu.memref_slice %arg6[%dma_wait3A_736, %dma_wait3A_753, %dma_wait3A_754, %dma_wait3A_755] : memref<4x8x50x64xf32, #tpu.memory_space<vmem>> -> memref<1x8x50x64xf32, #tpu.memory_space<vmem>>
    %dma_wait3A_757 = tpu.memref_squeeze %dma_wait3A_756 : memref<1x8x50x64xf32, #tpu.memory_space<vmem>> -> memref<8x50x64xf32, #tpu.memory_space<vmem>>
    tpu.wait_dma2 semaphore(%arg8 : memref<!tpu.dma_semaphore, #tpu.memory_space<semaphore_mem>>) src(%dma_wait3A_757 : memref<8x50x64xf32, #tpu.memory_space<vmem>>) dst(%dma_wait3A_752 : memref<8x50x64xf32, #tpu.memory_space<hbm>>)
    return
  }
}

</mosaic_0001>

<sc_bundles>
// kernel: kernel.3.cloned.1.call-start
scs
__scs_entry_jumppad:
0x0: {  	(pc) =	sbr.rel $0x88, $3  }
0x1: {  	(tag) =	ssettag $0x0;
	lr =	simm.s32 $0x1  }
0x2: {  	[smem:$0x3F9F] =	sst lr;
	_ =	strace $0xD0000000  }
0x3: {  	_ = 	snop  }
0x4: {  	_ = 	snop  }
0x5: {  	_ = 	snop  }
0x6: {  	_ = 	snop  }
0x7: {  	_ = 	snop  }
__scs_overlays_trampoline_lowered:
0x8: {  	[smem:$0x3FAE] =	sst s0  }
0x9: {  	[smem:$0x3FAF] =	sst s1  }
0xa: {  	[smem:$0x3FB0] =	sst s2  }
0xb: {  	[smem:$0x3FB1] =	sst s3  }
0xc: {  	[smem:$0x3FB2] =	sst s4  }
0xd: {  	[smem:$0x3FB3] =	sst s5  }
0xe: {  	[smem:$0x3FB4] =	sst s6  }
0xf: {  	[smem:$0x3FB5] =	sst s7  }
0x10: {  	[smem:$0x3FB6] =	sst s8  }
0x11: {  	[smem:$0x3FB7] =	sst s9;
	s0 =	simm.s32 @!p0 $0x0  }
0x12: {  	s1 =	sld [smem:$0x3F9D];
	s0 =	simm.s32 @p0 $0x1  }
0x13: {  	[smem:$0x3FB8] =	sst s0;
	s0 =	simm.s32 @!p1 $0x0  }
0x14: {  	s2 =	sld [smem:$0x3F9C];
	s0 =	simm.s32 @p1 $0x1  }
0x15: {  	[smem:$0x3FB9] =	sst s0;
	s0 =	simm.s32 @!p2 $0x0  }
0x16: {  	s3 =	sld [smem:$0x3FDB];
	s0 =	simm.s32 @p2 $0x1  }
0x17: {  	s4 =	simm.s32 $0x1BF5;
	[smem:$0x3FBB] =	sst s0  }
0x18: {  	s0 =	sld [smem:$0x3F9E];
	_ =	swait.ge [sflag:s4], $0x0  }
0x19: {  	s7 =	sld [smem:$0x3F9F]  }
0x1a: {  	s8 =	sadd.s32 $0xFFFFE003, lr  }
0x1b: {  	s9 =	sadd.s32 $0xFFFFFEF7, lr;
	s5 =	simm.s32 $0xFFFFFFFF;
	p2 =	slt.u32 s8, $0xFFFFF086  }
0x1c: {  	p1 =	slt.u32 s9, $0xF7A;
	s5 =	simm.s32 @!p2 $0x0  }
0x1d: {  	s5 =	simm.s32 @p1 $0x1;
	p0 =	seq.s32 s7, s2  }
0x1e: {  	s7 =	smul.u32 @!p0 $0xF7A, s2;
	p2 =	seq.s32 @!p0 s5, $0x0  }
0x1f: {  	s9 =	smul.u32 $0xF7A, s1;
	s8 =	simm.s32 @!p0 $0x1BF5;
	p2 =	por !p2, p0  }
0x20: {  	[sflag:s8] =	ssyncset.s32 @!p0 $0xFFFFF086;
	s6 =	sadd.s32 @!p0 s3, s7;
	s7 =	simm.s32 @!p0 $0x108  }
0x21: {  	s3 =	sadd.s32 s3, s9;
	s6 =	sadd.s32 @!p0 $0x88, s6;
	s7 =	simm.s32 @p2 $0x1082  }
0x22: {  	[simem:s7], [sflag:s8] =	dma.local @!p0 [hbm:s6], $0xF7A  }
0x23: {  	s9 =	sor.u32 $0xD0000000, s2;
	s6 =	simm.s32 $0x108;
	_ =	swait.ge @!p0 [sflag:s8], $0x0  }
0x24: {  	s3 =	sadd.s32 $0x88, s3;
	s6 =	simm.s32 @!p1 $0x1082;
	[sflag:s4] =	ssyncset.s32 $0xFFFFF086  }
0x25: {  	[simem:s6], [sflag:s4] =	dma.local [hbm:s3], $0xF7A  }
0x26: {  	[smem:$0x3F9F] =	sst s1;
	(tag) =	ssettag s2;
	_ =	strace s9  }
0x27: {  	s1 =	sld [smem:$0x3FAF]  }
0x28: {  	s2 =	sld [smem:$0x3FB0]  }
0x29: {  	s4 =	sld [smem:$0x3FB2]  }
0x2a: {  	p0 =	seq.s32 s5, $0x0;
	s5 =	sld [smem:$0x3FB3]  }
0x2b: {  	s6 =	sld [smem:$0x3FB4]  }
0x2c: {  	s7 =	sld [smem:$0x3FB5]  }
0x2d: {  	s3 =	simm.s32 $0x108;
	s8 =	sld [smem:$0x3FB6]  }
0x2e: {  	s3 =	simm.s32 @!p0 $0x1082;
	s9 =	sld [smem:$0x3FB7]  }
0x2f: {  	lr =	sadd.s32 s0, s3;
	s0 =	sld [smem:$0x3FAE]  }
0x30: {  	s3 =	sld [smem:$0x3FB1]  }
0x31: {  	[smem:$0x3FBA] =	sst s10  }
0x32: {  	s10 =	sld [smem:$0x3FB8];
	_ =	sdelay $0x3  }
0x33: {  	p0 =	seq.s32 s10, $0x1;
	s10 =	sld [smem:$0x3FBA];
	_ =	sdelay $0x3  }
0x34: {  	[smem:$0x3FBA] =	sst s10  }
0x35: {  	s10 =	sld [smem:$0x3FB9];
	_ =	sdelay $0x3  }
0x36: {  	p1 =	seq.s32 s10, $0x1;
	s10 =	sld [smem:$0x3FBA];
	_ =	sdelay $0x3  }
0x37: {  	[smem:$0x3FBA] =	sst s10  }
0x38: {  	s10 =	sld [smem:$0x3FBB]  }
0x39: {  	_ = 	snop;
	(pc) =	sbr.ind lr, $3  }
0x3a: {  	_ = 	snop  }
0x3b: {  	_ = 	snop  }
0x3c: {  	p2 =	seq.s32 s10, $0x1;
	s10 =	sld [smem:$0x3FBA]  }
0x3d: {  	_ =	shalt  }
0x3e: {  	_ =	shalt  }
0x3f: {  	_ =	shalt  }
0x40: {  	_ =	shalt  }
0x41: {  	_ =	shalt  }
0x42: {  	_ =	shalt  }
0x43: {  	_ =	shalt  }
0x44: {  	_ =	shalt  }
0x45: {  	_ =	shalt  }
0x46: {  	_ =	shalt  }
0x47: {  	_ =	shalt  }
0x48: {  	_ =	shalt  }
0x49: {  	_ =	shalt  }
0x4a: {  	_ =	shalt  }
0x4b: {  	_ =	shalt  }
0x4c: {  	_ =	shalt  }
0x4d: {  	_ =	shalt  }
0x4e: {  	_ =	shalt  }
0x4f: {  	_ =	shalt  }
0x50: {  	_ =	shalt  }
0x51: {  	_ =	shalt  }
0x52: {  	_ =	shalt  }
0x53: {  	_ =	shalt  }
0x54: {  	_ =	shalt  }
0x55: {  	_ =	shalt  }
0x56: {  	_ =	shalt  }
0x57: {  	_ =	shalt  }
0x58: {  	_ =	shalt  }
0x59: {  	_ =	shalt  }
0x5a: {  	_ =	shalt  }
0x5b: {  	_ =	shalt  }
0x5c: {  	_ =	shalt  }
0x5d: {  	_ =	shalt  }
0x5e: {  	_ =	shalt  }
0x5f: {  	_ =	shalt  }
0x60: {  	_ =	shalt  }
0x61: {  	_ =	shalt  }
0x62: {  	_ =	shalt  }
0x63: {  	_ =	shalt  }
0x64: {  	_ =	shalt  }
0x65: {  	_ =	shalt  }
0x66: {  	_ =	shalt  }
0x67: {  	_ =	shalt  }
0x68: {  	_ =	shalt  }
0x69: {  	_ =	shalt  }
0x6a: {  	_ =	shalt  }
0x6b: {  	_ =	shalt  }
0x6c: {  	_ =	shalt  }
0x6d: {  	_ =	shalt  }
0x6e: {  	_ =	shalt  }
0x6f: {  	_ =	shalt  }
0x70: {  	_ =	shalt  }
0x71: {  	_ =	shalt  }
0x72: {  	_ =	shalt  }
0x73: {  	_ =	shalt  }
0x74: {  	_ =	shalt  }
0x75: {  	_ =	shalt  }
0x76: {  	_ =	shalt  }
0x77: {  	_ =	shalt  }
0x78: {  	_ =	shalt  }
0x79: {  	_ =	shalt  }
0x7a: {  	_ =	shalt  }
0x7b: {  	_ =	shalt  }
0x7c: {  	_ =	shalt  }
0x7d: {  	_ =	shalt  }
0x7e: {  	_ =	shalt  }
0x7f: {  	_ =	shalt  }
0x80: {  	_ =	shalt  }
0x81: {  	_ =	shalt  }
0x82: {  	_ =	shalt  }
0x83: {  	_ =	shalt  }
0x84: {  	_ =	shalt  }
0x85: {  	_ =	shalt  }
0x86: {  	_ =	shalt  }
0x87: {  	_ =	shalt  }
.Lfunc_end0:
.L_simem_size_0:
called_computation.1_lowered:
.L_overlay_start_0:
0x88: {  	s2 =	sld [smem:$0x3FD9]  }
0x89: {  	s3 =	sld [smem:$0x3FFE];
	_ =	sdelay $0x1  }
0x8a: {  	s1 =	srdreg.scid  }
0x8b: {  	s0 =	sand.u32 $0x1, s1  }
0x8c: {  	s16 =	sshll.u32 s0, $0xA;
	s2 =	sadd.s32 s3, s2  }
0x8d: {  	s2 =	sadd.s32 s2, s16  }
0x8e: {  	[smem:$0x3FC6] =	sst s2  }
0x8f: {  	_ = 	snop  }
0x90: {  	(tm) =	ssettm $0x1  }
0x91: {  	s17 =	sld [smem:$0x3FFB];
	_ =	sdelay $0x3  }
0x92: {  	_ =	strace s17  }
0x93: {  	s2 =	sld [smem:$0x3FFC];
	_ =	sdelay $0x3  }
0x94: {  	_ =	strace s2  }
0x95: {  	s2 =	sld [smem:$0x3FFD];
	_ =	sdelay $0x3  }
0x96: {  	_ =	strace s2  }
0x97: {  	_ =	strace $0x8FFFFFFF  }
0x98: {  	s18 =	sld [smem:$0x3FDB];
	_ =	sdelay $0x1  }
0x99: {  	s19 =	simm.s32 $_scs_section_size  }
0x9a: {  	s4 =	simm.s32 $_size__tile_overlayer_lowered;
	s5 =	simm.s32 $_tile_overlayer_lowered  }
0x9b: {  	s22 =	simm.s32 $0x1BFF;
	s21 =	sshll.u32 s5, $0x1;
	s2 =	sadd.s32 s19, s18  }
0x9c: {  	s6 =	simm.s32 $0x0;
	s20 =	sshll.u32 s4, $0x1;
	s4 =	sadd.s32 s21, s2  }
0x9d: {  	[timem:s6], [sflag:s22] =	dma.local [hbm:s4], s20  }
0x9e: {  	_ =	swait.ge [sflag:s22], s20  }
0x9f: {  	s3 =	ssub.s32 $0x0, s20;
	[sflag:s22] =	ssyncset.done $0x0  }
0xa0: {  	[sflag:s22] =	ssyncadd.s32 s3;
	_ =	sdelay $0x1  }
0xa1: {  	s23 =	simm.s32 $0x1B8B  }
0xa2: {  	_ =	swait.ge [sflag:s23], $0x1  }
0xa3: {  	[sflag:s23] =	ssyncset.done $0x0  }
0xa4: {  	s25 =	simm.s32 $0x1B8E;
	s24 =	sld [smem:$0x3FFE];
	[sflag:s23] =	ssyncadd.s32 $0xFFFFFFFF  }
0xa5: {  	s26 =	simm.s32 $execute0_lowered;
	[smem:$0x3FD2] =	sst s25  }
0xa6: {  	s4 =	sshll.u32 s26, $0x1;
	_ =	strace $0x80000046;
	[dreg:$0x1] =	wrdreg $0xFFFFFFFF  }
0xa7: {  	s28 =	simm.s32 $_size_execute0_lowered;
	s2 =	sadd.s32 s2, s4;
	[dreg:$0x0] =	wrdreg $0x0  }
0xa8: {  	s4 =	sshll.u32 s28, $0x1;
	[dreg:$0x2] =	wrdreg s2  }
0xa9: {  	[dreg:$0x3] =	wrdreg s4  }
0xaa: {  	[dreg:$0x4] =	wrdreg $0xC0  }
0xab: {  	_ =	task [dreg:s6], $0x5FFFF  }
0xac: {  	[dreg:$0x1] =	wrdreg $0xFFFFFFFF  }
0xad: {  	[dreg:$0x0] =	wrdreg $0x60  }
0xae: {  	[dreg:$0x2] =	wrdreg s24  }
0xaf: {  	[dreg:$0x3] =	wrdreg $0x9  }
0xb0: {  	_ =	task.clear_ibuf [dreg:s6], $0x4FFFF;
	_ =	strace $0x90000046  }
0xb1: {  	s29 =	simm.s32 $0x9;
	_ =	strace $0x80000048  }
0xb2: {  	_ =	swait.ge [sflag:s29], $0x1  }
0xb3: {  	[sflag:s29] =	ssyncadd.s32 $0xFFFFFFFF  }
0xb4: {  	_ =	strace $0x90000048  }
0xb5: {  	_ =	sfence  }
0xb6: {  	s30 =	sld [smem:$0x0];
	_ =	sdelay $0x2  }
0xb7: {  	s31 =	sshll.u32 s1, $0xD;
	s1 =	sshrl.u32 s1, $0x2  }
0xb8: {  	s3 =	sand.u32 $0x4000, s31;
	s1 =	sadd.s32 s1, s30  }
0xb9: {  	s0 =	sor.u32 s3, s0;
	s1 =	sshll.u32 s1, $0x11  }
0xba: {  	s0 =	sor.u32 s1, s0  }
0xbb: {  	s0 =	sadd.s32 $0x8F2B, s0  }
0xbc: {  	[sflag:s0] =	ssyncadd.remote.s32 $0x1  }
0xbd: {  	_ =	sfence.sel $0xFFFF  }
0xbe: {  	[dreg:$0x0] =	wrdreg $0xFFFFFFFF;
	(pc) =	sbr.abs _section_cstart, $3  }
0xbf: {  	[dreg:$0x1] =	wrdreg $0xFFFFFFFF  }
0xc0: {  	_ =	task.clear_ibuf [dreg:s6], $0x2FFFF;
	_ =	strace $0x9FFFFFFF  }
0xc1: {  	(tm) =	ssettm $0x7FFFFFFF  }
tec
execute0_lowered:
.L_overlay_start_1:
0x0: {  	(tag) =	ssettag $0x1  }
0x1: {  	s0 =	srdreg.scid  }
0x2: {  	s2 =	stileid.u32;
	s4 =	rddreg [dreg:$0x0]  }
0x3: {  	s5 =	simm.s32 $0x0;
	s9 =	simm.s32 $0x6;
	s10 =	simm.s32 $0x32  }
0x4: {  	s17 =	simm.s32 $0x4180;
	s19 =	simm.s32 $0x4E00;
	s21 =	simm.s32 $0x5A80  }
0x5: {  	s23 =	simm.s32 $0x6700;
	s25 =	simm.s32 $0x7380;
	s31 =	simm.s32 $0x40  }
0x6: {  	s18 =	simm.s32 $0x5;
	s20 =	simm.s32 $0x0;
	s0 =	sand.u32 $0x1, s0  }
0x7: {  	s1 =	sshll.u32 s2, $0x1;
	[smem:$0x7FF] =	sst s5;
	s6 =	smul.u32 $0x1C0000, s2  }
0x8: {  	s1 =	sor.u32 s0, s1;
	s7 =	ssub.s32 $0x2, s0;
	s0 =	smul.u32 $0xE0000, s0  }
0x9: {  	s8 =	sadd.s32 $0xCAE00, s4;
	s3 =	smul.u32 $0x380, s1;
	s28 =	sshrl.u32 s7, $0x1  }
0xa: {  	_ =	strace $0x80000047;
	s1 =	smul.u32 $0xE0000, s1;
	s7 =	ssub.s32 s7, s28  }
0xb: {  	s0 =	sadd.s32 s0, s6;
	s26 =	sadd.s32 s3, s4;
	s3 =	sadd.s32 $0x7800, s4  }
0xc: {  	s1 =	sshrl.u32 s1, $0x3;
	s6 =	sor.u32 $0xE000, s0;
	s0 =	sadd.s32 $0xB6000, s0  }
0xd: {  	s29 =	sadd.s32 $0x800, s26;
	s5 =	sadd.s32 s8, s1;
	s30 =	sshrl.u32 s6, $0x3  }
0xe: {  	s0 =	sshrl.u32 s0, $0x3;
	s6 =	smax.u32 s7, $0x1;
	s1 =	simm.s32 $0x80  }
0xf: {  	[dreg:$0x2] =	wrdreg s29;
	s26 =	sadd.s32 s30, s8;
	s8 =	sadd.s32 s0, s8  }
.LBB2_1:
0x10: {  	s0 =	simm.s32 $0x0;
	s2 =	rddreg [dreg:$0x2]  }
0x11: {  	[tilespmem:s0], [sflag:$0x6] =	stream.linear.gather [hbm4b:s2+s0], $0x1C00, $0x38;
	[tilespmem:$0x1AC00] =	vst v63  }
0x12: {  	_ =	swait.ge [sflag:s9], $0x1C00  }
0x13: {  	[sflag:s9] =	ssyncset.done $0x0  }
0x14: {  	s2 =	simm.s32 $0x1C00;
	[sflag:s9] =	ssyncadd.s32 $0xFFFFE400  }
0x15: {  	[tilespmem:s2], [sflag:$0x1] =	stream.indirect.gather [hbm4b:s3+s10], $0x40, s0, s10, $0xb8;
	[tilespmem:$0x1AC00] =	vst v63  }
0x16: {  	s15 =	simm.s32 $0x38;
	s4 =	simm.s32 $0x2880  }
0x17: {  	[tilespmem:s4], [sflag:$0x1] =	stream.indirect.gather [hbm4b:s3+s10], $0x40, s15, s10, $0xb8;
	[tilespmem:$0x1AC00] =	vst v63  }
0x18: {  	s16 =	simm.s32 $0x70;
	s11 =	simm.s32 $0x3500  }
0x19: {  	[tilespmem:s11], [sflag:$0x1] =	stream.indirect.gather [hbm4b:s3+s10], $0x40, s16, s10, $0xb8;
	[tilespmem:$0x1AC00] =	vst v63  }
0x1a: {  	s22 =	simm.s32 $0xA8  }
0x1b: {  	[tilespmem:s17], [sflag:$0x1] =	stream.indirect.gather [hbm4b:s3+s10], $0x40, s22, s10, $0xb8;
	[tilespmem:$0x1AC00] =	vst v63  }
0x1c: {  	s24 =	simm.s32 $0xE0  }
0x1d: {  	[tilespmem:s19], [sflag:$0x1] =	stream.indirect.gather [hbm4b:s3+s10], $0x40, s24, s10, $0xb8;
	[tilespmem:$0x1AC00] =	vst v63  }
0x1e: {  	s7 =	simm.s32 $0x118  }
0x1f: {  	[tilespmem:s21], [sflag:$0x1] =	stream.indirect.gather [hbm4b:s3+s10], $0x40, s7, s10, $0xb8;
	[tilespmem:$0x1AC00] =	vst v63  }
0x20: {  	s12 =	simm.s32 $0x150  }
0x21: {  	[tilespmem:s23], [sflag:$0x1] =	stream.indirect.gather [hbm4b:s3+s10], $0x40, s12, s10, $0xb8;
	[tilespmem:$0x1AC00] =	vst v63  }
0x22: {  	s13 =	simm.s32 $0x188  }
0x23: {  	[tilespmem:s25], [sflag:$0x1] =	stream.indirect.gather [hbm4b:s3+s10], $0x40, s13, s10, $0xb8;
	[tilespmem:$0x1AC00] =	vst v63  }
0x24: {  	s14 =	simm.s32 $0x1C0;
	s7 =	simm.s32 $0x8000  }
0x25: {  	[tilespmem:s7], [sflag:$0x2] =	stream.indirect.gather [hbm4b:s3+s10], $0x40, s14, s10, $0xb8;
	[tilespmem:$0x1AC00] =	vst v63  }
0x26: {  	s15 =	simm.s32 $0x1F8;
	s16 =	simm.s32 $0x8C80  }
0x27: {  	[tilespmem:s16], [sflag:$0x2] =	stream.indirect.gather [hbm4b:s3+s10], $0x40, s15, s10, $0xb8;
	[tilespmem:$0x1AC00] =	vst v63  }
0x28: {  	s22 =	simm.s32 $0x230;
	s24 =	simm.s32 $0x9900  }
0x29: {  	[tilespmem:s24], [sflag:$0x2] =	stream.indirect.gather [hbm4b:s3+s10], $0x40, s22, s10, $0xb8;
	[tilespmem:$0x1AC00] =	vst v63  }
0x2a: {  	s12 =	simm.s32 $0xA580;
	s7 =	simm.s32 $0x268  }
0x2b: {  	[tilespmem:s12], [sflag:$0x2] =	stream.indirect.gather [hbm4b:s3+s10], $0x40, s7, s10, $0xb8;
	[tilespmem:$0x1AC00] =	vst v63  }
0x2c: {  	s13 =	simm.s32 $0x2A0;
	s14 =	simm.s32 $0xB200  }
0x2d: {  	[tilespmem:s14], [sflag:$0x2] =	stream.indirect.gather [hbm4b:s3+s10], $0x40, s13, s10, $0xb8;
	[tilespmem:$0x1AC00] =	vst v63  }
0x2e: {  	s15 =	simm.s32 $0x2D8;
	s16 =	simm.s32 $0xBE80  }
0x2f: {  	[tilespmem:s16], [sflag:$0x2] =	stream.indirect.gather [hbm4b:s3+s10], $0x40, s15, s10, $0xb8;
	[tilespmem:$0x1AC00] =	vst v63  }
0x30: {  	s22 =	simm.s32 $0x310;
	s24 =	simm.s32 $0xCB00  }
0x31: {  	[tilespmem:s24], [sflag:$0x2] =	stream.indirect.gather [hbm4b:s3+s10], $0x40, s22, s10, $0xb8;
	[tilespmem:$0x1AC00] =	vst v63  }
0x32: {  	s7 =	simm.s32 $0x348;
	s12 =	simm.s32 $0xD780  }
0x33: {  	[tilespmem:s12], [sflag:$0x2] =	stream.indirect.gather [hbm4b:s3+s10], $0x40, s7, s10, $0xb8;
	[tilespmem:$0x1AC00] =	vst v63  }
0x34: {  	s13 =	simm.s32 $0x380;
	s14 =	simm.s32 $0xE400  }
0x35: {  	[tilespmem:s14], [sflag:$0x3] =	stream.indirect.gather [hbm4b:s3+s10], $0x40, s13, s10, $0xb8;
	[tilespmem:$0x1AC00] =	vst v63  }
0x36: {  	s15 =	simm.s32 $0x3B8;
	s16 =	simm.s32 $0xF080  }
0x37: {  	[tilespmem:s16], [sflag:$0x3] =	stream.indirect.gather [hbm4b:s3+s10], $0x40, s15, s10, $0xb8;
	[tilespmem:$0x1AC00] =	vst v63  }
0x38: {  	s22 =	simm.s32 $0x3F0;
	s24 =	simm.s32 $0xFD00  }
0x39: {  	[tilespmem:s24], [sflag:$0x3] =	stream.indirect.gather [hbm4b:s3+s10], $0x40, s22, s10, $0xb8;
	[tilespmem:$0x1AC00] =	vst v63  }
0x3a: {  	s7 =	simm.s32 $0x428;
	s12 =	simm.s32 $0x10980  }
0x3b: {  	[tilespmem:s12], [sflag:$0x3] =	stream.indirect.gather [hbm4b:s3+s10], $0x40, s7, s10, $0xb8;
	[tilespmem:$0x1AC00] =	vst v63  }
0x3c: {  	s13 =	simm.s32 $0x460;
	s14 =	simm.s32 $0x11600  }
0x3d: {  	[tilespmem:s14], [sflag:$0x3] =	stream.indirect.gather [hbm4b:s3+s10], $0x40, s13, s10, $0xb8;
	[tilespmem:$0x1AC00] =	vst v63  }
0x3e: {  	s15 =	simm.s32 $0x498;
	s16 =	simm.s32 $0x12280  }
0x3f: {  	[tilespmem:s16], [sflag:$0x3] =	stream.indirect.gather [hbm4b:s3+s10], $0x40, s15, s10, $0xb8;
	[tilespmem:$0x1AC00] =	vst v63  }
0x40: {  	s22 =	simm.s32 $0x4D0;
	s24 =	simm.s32 $0x12F00  }
0x41: {  	[tilespmem:s24], [sflag:$0x3] =	stream.indirect.gather [hbm4b:s3+s10], $0x40, s22, s10, $0xb8;
	[tilespmem:$0x1AC00] =	vst v63  }
0x42: {  	s0 =	simm.s32 $0x1;
	s7 =	simm.s32 $0x508;
	s12 =	simm.s32 $0x13B80  }
0x43: {  	[tilespmem:s12], [sflag:$0x3] =	stream.indirect.gather [hbm4b:s3+s10], $0x40, s7, s10, $0xb8;
	[tilespmem:$0x1AC00] =	vst v63  }
0x44: {  	_ =	swait.ge [sflag:s0], $0xC80  }
0x45: {  	[sflag:s0] =	ssyncset.done $0x0  }
0x46: {  	[sflag:s0] =	ssyncadd.s32 $0xFFFFF380  }
0x47: {  	_ =	swait.ge [sflag:s0], $0xC80  }
0x48: {  	[sflag:s0] =	ssyncset.done $0x0  }
0x49: {  	[sflag:s0] =	ssyncadd.s32 $0xFFFFF380  }
0x4a: {  	_ =	swait.ge [sflag:s0], $0xC80  }
0x4b: {  	[sflag:s0] =	ssyncset.done $0x0  }
0x4c: {  	[sflag:s0] =	ssyncadd.s32 $0xFFFFF380  }
0x4d: {  	_ =	swait.ge [sflag:s0], $0xC80  }
0x4e: {  	[sflag:s0] =	ssyncset.done $0x0  }
0x4f: {  	[sflag:s0] =	ssyncadd.s32 $0xFFFFF380  }
0x50: {  	_ =	swait.ge [sflag:s0], $0xC80  }
0x51: {  	[sflag:s0] =	ssyncset.done $0x0  }
0x52: {  	[sflag:s0] =	ssyncadd.s32 $0xFFFFF380  }
0x53: {  	_ =	swait.ge [sflag:s0], $0xC80  }
0x54: {  	[sflag:s0] =	ssyncset.done $0x0  }
0x55: {  	[sflag:s0] =	ssyncadd.s32 $0xFFFFF380  }
0x56: {  	_ =	swait.ge [sflag:s0], $0xC80  }
0x57: {  	[sflag:s0] =	ssyncset.done $0x0  }
0x58: {  	[sflag:s0] =	ssyncadd.s32 $0xFFFFF380  }
0x59: {  	_ =	swait.ge [sflag:s0], $0xC80  }
0x5a: {  	[sflag:s0] =	ssyncset.done $0x0  }
0x5b: {  	[sflag:s0] =	ssyncadd.s32 $0xFFFFF380  }
0x5c: {  	[hbm4b:s5+s31] =	stream.strided.scatter [tilespmem:s2], [sflag:$0x5], $0xC80, s1, s31, $0x38;
	[tilespmem:$0x1AC00] =	vst v63  }
0x5d: {  	s13 =	sadd.s32 $0x380, s5  }
0x5e: {  	[hbm4b:s13+s31] =	stream.strided.scatter [tilespmem:s4], [sflag:$0x5], $0xC80, s1, s31, $0x38;
	[tilespmem:$0x1AC00] =	vst v63  }
0x5f: {  	s14 =	sadd.s32 $0x700, s5  }
0x60: {  	[hbm4b:s14+s31] =	stream.strided.scatter [tilespmem:s11], [sflag:$0x5], $0xC80, s1, s31, $0x38;
	[tilespmem:$0x1AC00] =	vst v63  }
0x61: {  	s15 =	sadd.s32 $0xA80, s5  }
0x62: {  	[hbm4b:s15+s31] =	stream.strided.scatter [tilespmem:s17], [sflag:$0x5], $0xC80, s1, s31, $0x38;
	[tilespmem:$0x1AC00] =	vst v63  }
0x63: {  	s16 =	sadd.s32 $0xE00, s5  }
0x64: {  	[hbm4b:s16+s31] =	stream.strided.scatter [tilespmem:s19], [sflag:$0x5], $0xC80, s1, s31, $0x38;
	[tilespmem:$0x1AC00] =	vst v63  }
0x65: {  	s22 =	sadd.s32 $0x1180, s5  }
0x66: {  	[hbm4b:s22+s31] =	stream.strided.scatter [tilespmem:s21], [sflag:$0x5], $0xC80, s1, s31, $0x38;
	[tilespmem:$0x1AC00] =	vst v63  }
0x67: {  	s24 =	sadd.s32 $0x1500, s5  }
0x68: {  	[hbm4b:s24+s31] =	stream.strided.scatter [tilespmem:s23], [sflag:$0x5], $0xC80, s1, s31, $0x38;
	[tilespmem:$0x1AC00] =	vst v63  }
0x69: {  	s2 =	sadd.s32 $0x1880, s5  }
0x6a: {  	[hbm4b:s2+s31] =	stream.strided.scatter [tilespmem:s25], [sflag:$0x5], $0xC80, s1, s31, $0x38;
	[tilespmem:$0x1AC00] =	vst v63  }
0x6b: {  	s7 =	simm.s32 $0x14800;
	s4 =	simm.s32 $0x540  }
0x6c: {  	[tilespmem:s7], [sflag:$0x4] =	stream.indirect.gather [hbm4b:s3+s10], $0x40, s4, s10, $0xb8;
	[tilespmem:$0x1AC00] =	vst v63  }
0x6d: {  	s12 =	simm.s32 $0x15480;
	s11 =	simm.s32 $0x578  }
0x6e: {  	[tilespmem:s12], [sflag:$0x4] =	stream.indirect.gather [hbm4b:s3+s10], $0x40, s11, s10, $0xb8;
	[tilespmem:$0x1AC00] =	vst v63  }
0x6f: {  	s13 =	simm.s32 $0x5B0;
	s14 =	simm.s32 $0x16100  }
0x70: {  	[tilespmem:s14], [sflag:$0x4] =	stream.indirect.gather [hbm4b:s3+s10], $0x40, s13, s10, $0xb8;
	[tilespmem:$0x1AC00] =	vst v63  }
0x71: {  	s15 =	simm.s32 $0x5E8;
	s16 =	simm.s32 $0x16D80  }
0x72: {  	[tilespmem:s16], [sflag:$0x4] =	stream.indirect.gather [hbm4b:s3+s10], $0x40, s15, s10, $0xb8;
	[tilespmem:$0x1AC00] =	vst v63  }
0x73: {  	s22 =	simm.s32 $0x620;
	s24 =	simm.s32 $0x17A00  }
0x74: {  	[tilespmem:s24], [sflag:$0x4] =	stream.indirect.gather [hbm4b:s3+s10], $0x40, s22, s10, $0xb8;
	[tilespmem:$0x1AC00] =	vst v63  }
0x75: {  	s4 =	simm.s32 $0x658;
	s7 =	simm.s32 $0x18680  }
0x76: {  	[tilespmem:s7], [sflag:$0x4] =	stream.indirect.gather [hbm4b:s3+s10], $0x40, s4, s10, $0xb8;
	[tilespmem:$0x1AC00] =	vst v63  }
0x77: {  	s0 =	sand.u32 $0x3, s0;
	s11 =	simm.s32 $0x690;
	s12 =	simm.s32 $0x19300  }
0x78: {  	[tilespmem:s12], [sflag:$0x4] =	stream.indirect.gather [hbm4b:s3+s10], $0x40, s11, s10, $0xb8;
	[tilespmem:$0x1AC00] =	vst v63  }
0x79: {  	s13 =	simm.s32 $0x6C8;
	s14 =	simm.s32 $0x19F80;
	s15 =	sadd.s32 $0x1, s0  }
0x7a: {  	[tilespmem:s14], [sflag:$0x4] =	stream.indirect.gather [hbm4b:s3+s10], $0x40, s13, s10, $0xb8;
	[tilespmem:$0x1AC00] =	vst v63  }
0x7b: {  	_ =	swait.ge [sflag:s15], $0xC80  }
0x7c: {  	[sflag:s15] =	ssyncset.done $0x0  }
0x7d: {  	[sflag:s15] =	ssyncadd.s32 $0xFFFFF380  }
0x7e: {  	_ =	swait.ge [sflag:s15], $0xC80  }
0x7f: {  	[sflag:s15] =	ssyncset.done $0x0  }
0x80: {  	[sflag:s15] =	ssyncadd.s32 $0xFFFFF380  }
0x81: {  	_ =	swait.ge [sflag:s15], $0xC80  }
0x82: {  	[sflag:s15] =	ssyncset.done $0x0  }
0x83: {  	[sflag:s15] =	ssyncadd.s32 $0xFFFFF380  }
0x84: {  	_ =	swait.ge [sflag:s15], $0xC80  }
0x85: {  	[sflag:s15] =	ssyncset.done $0x0  }
0x86: {  	[sflag:s15] =	ssyncadd.s32 $0xFFFFF380  }
0x87: {  	_ =	swait.ge [sflag:s15], $0xC80  }
0x88: {  	[sflag:s15] =	ssyncset.done $0x0  }
0x89: {  	[sflag:s15] =	ssyncadd.s32 $0xFFFFF380  }
0x8a: {  	_ =	swait.ge [sflag:s15], $0xC80  }
0x8b: {  	[sflag:s15] =	ssyncset.done $0x0  }
0x8c: {  	[sflag:s15] =	ssyncadd.s32 $0xFFFFF380  }
0x8d: {  	_ =	swait.ge [sflag:s15], $0xC80  }
0x8e: {  	[sflag:s15] =	ssyncset.done $0x0  }
0x8f: {  	[sflag:s15] =	ssyncadd.s32 $0xFFFFF380  }
0x90: {  	_ =	swait.ge [sflag:s15], $0xC80  }
0x91: {  	[sflag:s15] =	ssyncset.done $0x0  }
0x92: {  	s0 =	smul.u32 $0x19000, s0;
	[sflag:s15] =	ssyncadd.s32 $0xFFFFF380  }
0x93: {  	_ =	swait.ge [sflag:s18], $0x6400  }
0x94: {  	s0 =	sshrl.u32 s0, $0x2;
	[sflag:s18] =	ssyncset.done $0x0  }
0x95: {  	s16 =	sadd.s32 $0x1C00, s0;
	[sflag:s18] =	ssyncadd.s32 $0xFFFF9C00  }
0x96: {  	[hbm4b:s26+s31] =	stream.strided.scatter [tilespmem:s16], [sflag:$0x5], $0xC80, s1, s31, $0x38;
	[tilespmem:$0x1AC00] =	vst v63  }
0x97: {  	s22 =	sadd.s32 $0x2880, s0;
	s12 =	sadd.s32 $0x380, s26  }
0x98: {  	[hbm4b:s12+s31] =	stream.strided.scatter [tilespmem:s22], [sflag:$0x5], $0xC80, s1, s31, $0x38;
	[tilespmem:$0x1AC00] =	vst v63  }
0x99: {  	s2 =	sadd.s32 $0x700, s26;
	s24 =	sadd.s32 $0x3500, s0  }
0x9a: {  	[hbm4b:s2+s31] =	stream.strided.scatter [tilespmem:s24], [sflag:$0x5], $0xC80, s1, s31, $0x38;
	[tilespmem:$0x1AC00] =	vst v63  }
0x9b: {  	s28 =	simm.s32 $0x2;
	s4 =	sadd.s32 $0x4180, s0;
	s11 =	sadd.s32 $0xA80, s26  }
0x9c: {  	[hbm4b:s11+s31] =	stream.strided.scatter [tilespmem:s4], [sflag:$0x5], $0xC80, s1, s31, $0x38;
	[tilespmem:$0x1AC00] =	vst v63  }
0x9d: {  	s13 =	sadd.s32 $0x4E00, s0;
	s14 =	sadd.s32 $0xE00, s26;
	s15 =	simm.s32 $0x0  }
0x9e: {  	[hbm4b:s14+s31] =	stream.strided.scatter [tilespmem:s13], [sflag:$0x5], $0xC80, s1, s31, $0x38;
	[tilespmem:$0x1AC00] =	vst v63  }
0x9f: {  	s7 =	sand.u32 $0x3, s15;
	s16 =	sadd.s32 $0x5A80, s0;
	s14 =	sadd.s32 $0x1180, s26  }
0xa0: {  	[hbm4b:s14+s31] =	stream.strided.scatter [tilespmem:s16], [sflag:$0x5], $0xC80, s1, s31, $0x38;
	[tilespmem:$0x1AC00] =	vst v63  }
0xa1: {  	s22 =	sadd.s32 $0x6700, s0;
	s24 =	sadd.s32 $0x1500, s26;
	s4 =	smul.u32 $0x19000, s7  }
0xa2: {  	[hbm4b:s24+s31] =	stream.strided.scatter [tilespmem:s22], [sflag:$0x5], $0xC80, s1, s31, $0x38;
	[tilespmem:$0x1AC00] =	vst v63  }
0xa3: {  	s0 =	sadd.s32 $0x7380, s0;
	s2 =	sadd.s32 $0x1880, s26;
	s12 =	sshrl.u32 s4, $0x2  }
0xa4: {  	[hbm4b:s2+s31] =	stream.strided.scatter [tilespmem:s0], [sflag:$0x5], $0xC80, s1, s31, $0x38;
	[tilespmem:$0x1AC00] =	vst v63  }
0xa5: {  	s11 =	simm.s32 $0x700;
	s13 =	sadd.s32 $0x1C00, s12;
	s16 =	sadd.s32 $0x1, s7  }
0xa6: {  	[tilespmem:s13], [sflag:s16] =	stream.indirect.gather [hbm4b:s3+s10], $0x40, s11, s10, $0xb8;
	[tilespmem:$0x1AC00] =	vst v63  }
0xa7: {  	s30 =	simm.s32 $0xE00;
	s15 =	simm.s32 $0x738;
	s14 =	sadd.s32 $0x2880, s12  }
0xa8: {  	[tilespmem:s14], [sflag:s16] =	stream.indirect.gather [hbm4b:s3+s10], $0x40, s15, s10, $0xb8;
	[tilespmem:$0x1AC00] =	vst v63  }
0xa9: {  	s29 =	sand.u32 $0x3, s28;
	s22 =	sadd.s32 $0x3500, s12;
	s24 =	simm.s32 $0x770  }
0xaa: {  	[tilespmem:s22], [sflag:s16] =	stream.indirect.gather [hbm4b:s3+s10], $0x40, s24, s10, $0xb8;
	[tilespmem:$0x1AC00] =	vst v63  }
0xab: {  	s4 =	simm.s32 $0x7A8;
	s7 =	sadd.s32 $0x4E00, s12;
	s2 =	sadd.s32 $0x4180, s12  }
0xac: {  	[tilespmem:s2], [sflag:s16] =	stream.indirect.gather [hbm4b:s3+s10], $0x40, s4, s10, $0xb8;
	[tilespmem:$0x1AC00] =	vst v63  }
0xad: {  	s0 =	simm.s32 $0x3;
	s11 =	simm.s32 $0x7E0;
	s13 =	sadd.s32 $0x5A80, s12  }
0xae: {  	[tilespmem:s7], [sflag:s16] =	stream.indirect.gather [hbm4b:s3+s10], $0x40, s11, s10, $0xb8;
	[tilespmem:$0x1AC00] =	vst v63  }
0xaf: {  	s14 =	simm.s32 $0x818;
	s15 =	smul.u32 $0x19000, s29;
	s22 =	sadd.s32 $0x6700, s12  }
0xb0: {  	[tilespmem:s13], [sflag:s16] =	stream.indirect.gather [hbm4b:s3+s10], $0x40, s14, s10, $0xb8;
	[tilespmem:$0x1AC00] =	vst v63  }
0xb1: {  	s24 =	simm.s32 $0x850;
	s12 =	sadd.s32 $0x7380, s12;
	s7 =	smov.u32 s26  }
0xb2: {  	[tilespmem:s22], [sflag:s16] =	stream.indirect.gather [hbm4b:s3+s10], $0x40, s24, s10, $0xb8;
	[tilespmem:$0x1AC00] =	vst v63  }
0xb3: {  	s14 =	simm.s32 $0x888;
	s24 =	simm.s32 $0x700;
	s22 =	sshrl.u32 s15, $0x2  }
.LBB2_2:
0xb4: {  	s2 =	sadd.s32 $0x1, s29;
	s29 =	sand.u32 $0x3, s0;
	s7 =	sadd.s32 $0x1C00, s7  }
0xb5: {  	[tilespmem:s12], [sflag:s16] =	stream.indirect.gather [hbm4b:s3+s10], $0x40, s14, s10, $0xb8;
	[tilespmem:$0x1AC00] =	vst v63  }
0xb6: {  	p0 =	sne.s32 s30, $0x4D00;
	s12 =	smul.u32 $0x19000, s29;
	_ =	swait.ge [sflag:s2], $0xC80  }
0xb7: {  	s14 =	smov.u32 s30;
	s30 =	sadd.s32 $0x700, s30;
	[sflag:s2] =	ssyncset.done $0x0  }
0xb8: {  	s12 =	sshrl.u32 s12, $0x2;
	[sflag:s2] =	ssyncadd.s32 $0xFFFFF380  }
0xb9: {  	_ =	swait.ge [sflag:s2], $0xC80  }
0xba: {  	[sflag:s2] =	ssyncset.done $0x0  }
0xbb: {  	[sflag:s2] =	ssyncadd.s32 $0xFFFFF380  }
0xbc: {  	_ =	swait.ge [sflag:s2], $0xC80  }
0xbd: {  	[sflag:s2] =	ssyncset.done $0x0  }
0xbe: {  	[sflag:s2] =	ssyncadd.s32 $0xFFFFF380  }
0xbf: {  	_ =	swait.ge [sflag:s2], $0xC80  }
0xc0: {  	[sflag:s2] =	ssyncset.done $0x0  }
0xc1: {  	[sflag:s2] =	ssyncadd.s32 $0xFFFFF380  }
0xc2: {  	_ =	swait.ge [sflag:s2], $0xC80  }
0xc3: {  	[sflag:s2] =	ssyncset.done $0x0  }
0xc4: {  	[sflag:s2] =	ssyncadd.s32 $0xFFFFF380  }
0xc5: {  	_ =	swait.ge [sflag:s2], $0xC80  }
0xc6: {  	[sflag:s2] =	ssyncset.done $0x0  }
0xc7: {  	[sflag:s2] =	ssyncadd.s32 $0xFFFFF380  }
0xc8: {  	_ =	swait.ge [sflag:s2], $0xC80  }
0xc9: {  	[sflag:s2] =	ssyncset.done $0x0  }
0xca: {  	[sflag:s2] =	ssyncadd.s32 $0xFFFFF380  }
0xcb: {  	_ =	swait.ge [sflag:s2], $0xC80  }
0xcc: {  	[sflag:s2] =	ssyncset.done $0x0  }
0xcd: {  	[sflag:s2] =	ssyncadd.s32 $0xFFFFF380  }
0xce: {  	_ =	swait.ge [sflag:s18], $0x6400  }
0xcf: {  	[sflag:s18] =	ssyncset.done $0x0  }
0xd0: {  	s2 =	sadd.s32 $0x1C00, s22;
	[sflag:s18] =	ssyncadd.s32 $0xFFFF9C00  }
0xd1: {  	[hbm4b:s7+s31] =	stream.strided.scatter [tilespmem:s2], [sflag:$0x5], $0xC80, s1, s31, $0x38;
	[tilespmem:$0x1AC00] =	vst v63  }
0xd2: {  	s16 =	sadd.s32 $0x380, s7;
	s2 =	sadd.s32 $0x2880, s22  }
0xd3: {  	[hbm4b:s16+s31] =	stream.strided.scatter [tilespmem:s2], [sflag:$0x5], $0xC80, s1, s31, $0x38;
	[tilespmem:$0x1AC00] =	vst v63  }
0xd4: {  	s2 =	sadd.s32 $0x3500, s22;
	s16 =	sadd.s32 $0x700, s7  }
0xd5: {  	[hbm4b:s16+s31] =	stream.strided.scatter [tilespmem:s2], [sflag:$0x5], $0xC80, s1, s31, $0x38;
	[tilespmem:$0x1AC00] =	vst v63  }
0xd6: {  	s2 =	sadd.s32 $0x4180, s22;
	s16 =	sadd.s32 $0xA80, s7  }
0xd7: {  	[hbm4b:s16+s31] =	stream.strided.scatter [tilespmem:s2], [sflag:$0x5], $0xC80, s1, s31, $0x38;
	[tilespmem:$0x1AC00] =	vst v63  }
0xd8: {  	s4 =	sshra.s32 s24, $0x2;
	s2 =	sadd.s32 $0x4E00, s22;
	s16 =	sadd.s32 $0xE00, s7  }
0xd9: {  	[hbm4b:s16+s31] =	stream.strided.scatter [tilespmem:s2], [sflag:$0x5], $0xC80, s1, s31, $0x38;
	[tilespmem:$0x1AC00] =	vst v63  }
0xda: {  	s24 =	sadd.s32 $0x1180, s7;
	s2 =	sadd.s32 $0xFFFFFFFF, s28;
	s16 =	sadd.s32 $0x5A80, s22  }
0xdb: {  	[hbm4b:s24+s31] =	stream.strided.scatter [tilespmem:s16], [sflag:$0x5], $0xC80, s1, s31, $0x38;
	[tilespmem:$0x1AC00] =	vst v63  }
0xdc: {  	s2 =	sand.u32 $0x3, s2;
	s16 =	sadd.s32 $0x6700, s22;
	s24 =	sadd.s32 $0x1500, s7  }
0xdd: {  	[hbm4b:s24+s31] =	stream.strided.scatter [tilespmem:s16], [sflag:$0x5], $0xC80, s1, s31, $0x38;
	[tilespmem:$0x1AC00] =	vst v63  }
0xde: {  	s16 =	sadd.s32 $0x7380, s22;
	s22 =	sadd.s32 $0x1880, s7;
	s24 =	smul.u32 $0x19000, s2  }
0xdf: {  	[hbm4b:s22+s31] =	stream.strided.scatter [tilespmem:s16], [sflag:$0x5], $0xC80, s1, s31, $0x38;
	[tilespmem:$0x1AC00] =	vst v63  }
0xe0: {  	s11 =	sshrl.u32 s24, $0x2;
	s22 =	sadd.s32 $0x700, s4;
	s16 =	sadd.s32 $0x1, s2  }
0xe1: {  	s13 =	sadd.s32 $0x738, s4;
	s2 =	sadd.s32 $0x1C00, s11;
	s28 =	sadd.s32 $0x2880, s11  }
0xe2: {  	[tilespmem:s2], [sflag:s16] =	stream.indirect.gather [hbm4b:s3+s10], $0x40, s22, s10, $0xb8;
	[tilespmem:$0x1AC00] =	vst v63  }
0xe3: {  	s15 =	sadd.s32 $0x770, s4;
	s24 =	smov.u32 s14;
	s2 =	sadd.s32 $0x3500, s11  }
0xe4: {  	[tilespmem:s28], [sflag:s16] =	stream.indirect.gather [hbm4b:s3+s10], $0x40, s13, s10, $0xb8;
	[tilespmem:$0x1AC00] =	vst v63  }
0xe5: {  	s14 =	sadd.s32 $0x7A8, s4;
	s22 =	smov.u32 s12;
	s13 =	sadd.s32 $0x4180, s11  }
0xe6: {  	[tilespmem:s2], [sflag:s16] =	stream.indirect.gather [hbm4b:s3+s10], $0x40, s15, s10, $0xb8;
	[tilespmem:$0x1AC00] =	vst v63  }
0xe7: {  	s12 =	sadd.s32 $0x7E0, s4;
	s28 =	smov.u32 s0;
	s2 =	sadd.s32 $0x4E00, s11  }
0xe8: {  	[tilespmem:s13], [sflag:s16] =	stream.indirect.gather [hbm4b:s3+s10], $0x40, s14, s10, $0xb8;
	[tilespmem:$0x1AC00] =	vst v63  }
0xe9: {  	s13 =	sadd.s32 $0x5A80, s11;
	s14 =	sadd.s32 $0x818, s4  }
0xea: {  	[tilespmem:s2], [sflag:s16] =	stream.indirect.gather [hbm4b:s3+s10], $0x40, s12, s10, $0xb8;
	[tilespmem:$0x1AC00] =	vst v63  }
.Ltmp0:
0xeb: {  	_ = 	snop;
	(pc) =	sbr.rel @p0 .LBB2_2-.Ltmp0, $4  }
0xec: {  	s15 =	sadd.s32 $0x850, s4;
	s2 =	sadd.s32 $0x6700, s11  }
0xed: {  	[tilespmem:s13], [sflag:s16] =	stream.indirect.gather [hbm4b:s3+s10], $0x40, s14, s10, $0xb8;
	[tilespmem:$0x1AC00] =	vst v63  }
0xee: {  	s0 =	sadd.s32 $0x1, s0;
	s12 =	sadd.s32 $0x7380, s11;
	s14 =	sadd.s32 $0x888, s4  }
0xef: {  	[tilespmem:s2], [sflag:s16] =	stream.indirect.gather [hbm4b:s3+s10], $0x40, s15, s10, $0xb8;
	[tilespmem:$0x1AC00] =	vst v63  }
0xf0: {  	s0 =	sadd.s32 $0x1, s29  }
0xf1: {  	[tilespmem:s12], [sflag:s16] =	stream.indirect.gather [hbm4b:s3+s10], $0x40, s14, s10, $0xb8;
	[tilespmem:$0x1AC00] =	vst v63  }
0xf2: {  	_ =	swait.ge [sflag:s0], $0xC80  }
0xf3: {  	[sflag:s0] =	ssyncset.done $0x0  }
0xf4: {  	[sflag:s0] =	ssyncadd.s32 $0xFFFFF380  }
0xf5: {  	_ =	swait.ge [sflag:s0], $0xC80  }
0xf6: {  	[sflag:s0] =	ssyncset.done $0x0  }
0xf7: {  	[sflag:s0] =	ssyncadd.s32 $0xFFFFF380  }
0xf8: {  	_ =	swait.ge [sflag:s0], $0xC80  }
0xf9: {  	[sflag:s0] =	ssyncset.done $0x0  }
0xfa: {  	[sflag:s0] =	ssyncadd.s32 $0xFFFFF380  }
0xfb: {  	_ =	swait.ge [sflag:s0], $0xC80  }
0xfc: {  	[sflag:s0] =	ssyncset.done $0x0  }
0xfd: {  	[sflag:s0] =	ssyncadd.s32 $0xFFFFF380  }
0xfe: {  	_ =	swait.ge [sflag:s0], $0xC80  }
0xff: {  	[sflag:s0] =	ssyncset.done $0x0  }
0x100: {  	[sflag:s0] =	ssyncadd.s32 $0xFFFFF380  }
0x101: {  	_ =	swait.ge [sflag:s0], $0xC80  }
0x102: {  	[sflag:s0] =	ssyncset.done $0x0  }
0x103: {  	[sflag:s0] =	ssyncadd.s32 $0xFFFFF380  }
0x104: {  	_ =	swait.ge [sflag:s0], $0xC80  }
0x105: {  	[sflag:s0] =	ssyncset.done $0x0  }
0x106: {  	[sflag:s0] =	ssyncadd.s32 $0xFFFFF380  }
0x107: {  	_ =	swait.ge [sflag:s0], $0xC80  }
0x108: {  	[sflag:s0] =	ssyncset.done $0x0  }
0x109: {  	[sflag:s0] =	ssyncadd.s32 $0xFFFFF380  }
0x10a: {  	_ =	swait.ge [sflag:s18], $0x6400  }
0x10b: {  	[sflag:s18] =	ssyncset.done $0x0  }
0x10c: {  	s2 =	sadd.s32 $0x1C00, s22;
	s0 =	sadd.s32 $0x1C00, s7;
	[sflag:s18] =	ssyncadd.s32 $0xFFFF9C00  }
0x10d: {  	[hbm4b:s0+s31] =	stream.strided.scatter [tilespmem:s2], [sflag:$0x5], $0xC80, s1, s31, $0x38;
	[tilespmem:$0x1AC00] =	vst v63  }
0x10e: {  	s14 =	sadd.s32 $0x2880, s22;
	s4 =	sadd.s32 $0x380, s0  }
0x10f: {  	[hbm4b:s4+s31] =	stream.strided.scatter [tilespmem:s14], [sflag:$0x5], $0xC80, s1, s31, $0x38;
	[tilespmem:$0x1AC00] =	vst v63  }
0x110: {  	s15 =	sadd.s32 $0x3500, s22;
	s16 =	sadd.s32 $0x700, s0  }
0x111: {  	[hbm4b:s16+s31] =	stream.strided.scatter [tilespmem:s15], [sflag:$0x5], $0xC80, s1, s31, $0x38;
	[tilespmem:$0x1AC00] =	vst v63  }
0x112: {  	s29 =	sadd.s32 $0x4180, s22;
	s30 =	sadd.s32 $0xA80, s0  }
0x113: {  	[hbm4b:s30+s31] =	stream.strided.scatter [tilespmem:s29], [sflag:$0x5], $0xC80, s1, s31, $0x38;
	[tilespmem:$0x1AC00] =	vst v63  }
0x114: {  	s7 =	sadd.s32 $0x4E00, s22;
	s11 =	sadd.s32 $0xE00, s0  }
0x115: {  	[hbm4b:s11+s31] =	stream.strided.scatter [tilespmem:s7], [sflag:$0x5], $0xC80, s1, s31, $0x38;
	[tilespmem:$0x1AC00] =	vst v63  }
0x116: {  	s12 =	sadd.s32 $0xFFFFFFFF, s28;
	s13 =	sadd.s32 $0x5A80, s22;
	s7 =	sadd.s32 $0x1180, s0  }
0x117: {  	[hbm4b:s7+s31] =	stream.strided.scatter [tilespmem:s13], [sflag:$0x5], $0xC80, s1, s31, $0x38;
	[tilespmem:$0x1AC00] =	vst v63  }
0x118: {  	s2 =	sand.u32 $0x3, s12;
	s14 =	sadd.s32 $0x6700, s22;
	s15 =	sadd.s32 $0x1500, s0  }
0x119: {  	[hbm4b:s15+s31] =	stream.strided.scatter [tilespmem:s14], [sflag:$0x5], $0xC80, s1, s31, $0x38;
	[tilespmem:$0x1AC00] =	vst v63  }
0x11a: {  	s16 =	sadd.s32 $0x7380, s22;
	s22 =	smul.u32 $0x19000, s2;
	s0 =	sadd.s32 $0x1880, s0  }
0x11b: {  	[hbm4b:s0+s31] =	stream.strided.scatter [tilespmem:s16], [sflag:$0x5], $0xC80, s1, s31, $0x38;
	[tilespmem:$0x1AC00] =	vst v63  }
0x11c: {  	s4 =	sshrl.u32 s22, $0x2;
	s0 =	sshra.s32 s24, $0x2  }
0x11d: {  	s2 =	sadd.s32 $0x1, s2;
	s11 =	sadd.s32 $0x1C00, s4;
	s28 =	sadd.s32 $0x700, s0  }
0x11e: {  	[tilespmem:s11], [sflag:s2] =	stream.indirect.gather [hbm4b:s3+s10], $0x40, s28, s10, $0xb8;
	[tilespmem:$0x1AC00] =	vst v63  }
0x11f: {  	s29 =	sadd.s32 $0x2880, s4;
	s30 =	sadd.s32 $0x738, s0  }
0x120: {  	[tilespmem:s29], [sflag:s2] =	stream.indirect.gather [hbm4b:s3+s10], $0x40, s30, s10, $0xb8;
	[tilespmem:$0x1AC00] =	vst v63  }
0x121: {  	s12 =	sadd.s32 $0x3500, s4;
	s13 =	sadd.s32 $0x770, s0  }
0x122: {  	[tilespmem:s12], [sflag:s2] =	stream.indirect.gather [hbm4b:s3+s10], $0x40, s13, s10, $0xb8;
	[tilespmem:$0x1AC00] =	vst v63  }
0x123: {  	s14 =	sadd.s32 $0x4180, s4;
	s15 =	sadd.s32 $0x7A8, s0  }
0x124: {  	[tilespmem:s14], [sflag:s2] =	stream.indirect.gather [hbm4b:s3+s10], $0x40, s15, s10, $0xb8;
	[tilespmem:$0x1AC00] =	vst v63  }
0x125: {  	s16 =	sadd.s32 $0x4E00, s4;
	s22 =	sadd.s32 $0x7E0, s0  }
0x126: {  	[tilespmem:s16], [sflag:s2] =	stream.indirect.gather [hbm4b:s3+s10], $0x40, s22, s10, $0xb8;
	[tilespmem:$0x1AC00] =	vst v63  }
0x127: {  	s24 =	sadd.s32 $0x5A80, s4;
	s28 =	sadd.s32 $0x818, s0  }
0x128: {  	[tilespmem:s24], [sflag:s2] =	stream.indirect.gather [hbm4b:s3+s10], $0x40, s28, s10, $0xb8;
	[tilespmem:$0x1AC00] =	vst v63  }
0x129: {  	s29 =	sadd.s32 $0x6700, s4;
	s30 =	sadd.s32 $0x850, s0  }
0x12a: {  	[tilespmem:s29], [sflag:s2] =	stream.indirect.gather [hbm4b:s3+s10], $0x40, s30, s10, $0xb8;
	[tilespmem:$0x1AC00] =	vst v63  }
0x12b: {  	s4 =	sadd.s32 $0x7380, s4;
	s0 =	sadd.s32 $0x888, s0  }
0x12c: {  	[tilespmem:s4], [sflag:s2] =	stream.indirect.gather [hbm4b:s3+s10], $0x40, s0, s10, $0xb8;
	[tilespmem:$0x1AC00] =	vst v63  }
0x12d: {  	s2 =	simm.s32 $0x2  }
0x12e: {  	_ =	swait.ge [sflag:s2], $0xC80  }
0x12f: {  	[sflag:s2] =	ssyncset.done $0x0  }
0x130: {  	[sflag:s2] =	ssyncadd.s32 $0xFFFFF380  }
0x131: {  	_ =	swait.ge [sflag:s2], $0xC80  }
0x132: {  	[sflag:s2] =	ssyncset.done $0x0  }
0x133: {  	[sflag:s2] =	ssyncadd.s32 $0xFFFFF380  }
0x134: {  	_ =	swait.ge [sflag:s2], $0xC80  }
0x135: {  	[sflag:s2] =	ssyncset.done $0x0  }
0x136: {  	[sflag:s2] =	ssyncadd.s32 $0xFFFFF380  }
0x137: {  	_ =	swait.ge [sflag:s2], $0xC80  }
0x138: {  	[sflag:s2] =	ssyncset.done $0x0  }
0x139: {  	[sflag:s2] =	ssyncadd.s32 $0xFFFFF380  }
0x13a: {  	_ =	swait.ge [sflag:s2], $0xC80  }
0x13b: {  	[sflag:s2] =	ssyncset.done $0x0  }
0x13c: {  	[sflag:s2] =	ssyncadd.s32 $0xFFFFF380  }
0x13d: {  	_ =	swait.ge [sflag:s2], $0xC80  }
0x13e: {  	[sflag:s2] =	ssyncset.done $0x0  }
0x13f: {  	[sflag:s2] =	ssyncadd.s32 $0xFFFFF380  }
0x140: {  	_ =	swait.ge [sflag:s2], $0xC80  }
0x141: {  	[sflag:s2] =	ssyncset.done $0x0  }
0x142: {  	[sflag:s2] =	ssyncadd.s32 $0xFFFFF380  }
0x143: {  	_ =	swait.ge [sflag:s2], $0xC80  }
0x144: {  	[sflag:s2] =	ssyncset.done $0x0  }
0x145: {  	s4 =	simm.s32 $0x8000;
	[sflag:s2] =	ssyncadd.s32 $0xFFFFF380  }
0x146: {  	[hbm4b:s8+s31] =	stream.strided.scatter [tilespmem:s4], [sflag:$0x5], $0xC80, s1, s31, $0x38;
	[tilespmem:$0x1AC00] =	vst v63  }
0x147: {  	s7 =	simm.s32 $0x8C80;
	s11 =	sadd.s32 $0x380, s8  }
0x148: {  	[hbm4b:s11+s31] =	stream.strided.scatter [tilespmem:s7], [sflag:$0x5], $0xC80, s1, s31, $0x38;
	[tilespmem:$0x1AC00] =	vst v63  }
0x149: {  	s12 =	simm.s32 $0x9900;
	s13 =	sadd.s32 $0x700, s8;
	s14 =	simm.s32 $0xA580  }
0x14a: {  	[hbm4b:s13+s31] =	stream.strided.scatter [tilespmem:s12], [sflag:$0x5], $0xC80, s1, s31, $0x38;
	[tilespmem:$0x1AC00] =	vst v63  }
0x14b: {  	s15 =	sadd.s32 $0xA80, s8;
	s16 =	simm.s32 $0xB200;
	s22 =	sadd.s32 $0xE00, s8  }
0x14c: {  	[hbm4b:s15+s31] =	stream.strided.scatter [tilespmem:s14], [sflag:$0x5], $0xC80, s1, s31, $0x38;
	[tilespmem:$0x1AC00] =	vst v63  }
0x14d: {  	s24 =	simm.s32 $0xBE80;
	s28 =	sadd.s32 $0x1180, s8;
	s29 =	simm.s32 $0xCB00  }
0x14e: {  	[hbm4b:s22+s31] =	stream.strided.scatter [tilespmem:s16], [sflag:$0x5], $0xC80, s1, s31, $0x38;
	[tilespmem:$0x1AC00] =	vst v63  }
0x14f: {  	s30 =	sadd.s32 $0x1500, s8;
	s0 =	simm.s32 $0x19000;
	s7 =	sadd.s32 $0x1C00, s8  }
0x150: {  	[hbm4b:s28+s31] =	stream.strided.scatter [tilespmem:s24], [sflag:$0x5], $0xC80, s1, s31, $0x38;
	[tilespmem:$0x1AC00] =	vst v63  }
0x151: {  	s12 =	simm.s32 $0x3;
	s14 =	sadd.s32 $0x1880, s8;
	s16 =	simm.s32 $0xD780  }
0x152: {  	[hbm4b:s30+s31] =	stream.strided.scatter [tilespmem:s29], [sflag:$0x5], $0xC80, s1, s31, $0x38;
	[tilespmem:$0x1AC00] =	vst v63  }
.LBB2_4:
0x153: {  	[hbm4b:s14+s31] =	stream.strided.scatter [tilespmem:s16], [sflag:$0x5], $0xC80, s1, s31, $0x38;
	[tilespmem:$0x1AC00] =	vst v63  }
0x154: {  	s2 =	smov.u32 s0;
	s14 =	smov.u32 s7  }
0x155: {  	p0 =	sne.s32 s0, $0x32000;
	s0 =	sadd.s32 $0x19000, s0;
	_ =	swait.ge [sflag:s12], $0xC80  }
0x156: {  	[sflag:s12] =	ssyncset.done $0x0  }
0x157: {  	[sflag:s12] =	ssyncadd.s32 $0xFFFFF380  }
0x158: {  	_ =	swait.ge [sflag:s12], $0xC80  }
0x159: {  	[sflag:s12] =	ssyncset.done $0x0  }
0x15a: {  	[sflag:s12] =	ssyncadd.s32 $0xFFFFF380  }
0x15b: {  	_ =	swait.ge [sflag:s12], $0xC80  }
0x15c: {  	[sflag:s12] =	ssyncset.done $0x0  }
0x15d: {  	[sflag:s12] =	ssyncadd.s32 $0xFFFFF380  }
0x15e: {  	_ =	swait.ge [sflag:s12], $0xC80  }
0x15f: {  	[sflag:s12] =	ssyncset.done $0x0  }
0x160: {  	[sflag:s12] =	ssyncadd.s32 $0xFFFFF380  }
0x161: {  	_ =	swait.ge [sflag:s12], $0xC80  }
0x162: {  	[sflag:s12] =	ssyncset.done $0x0  }
0x163: {  	[sflag:s12] =	ssyncadd.s32 $0xFFFFF380  }
0x164: {  	_ =	swait.ge [sflag:s12], $0xC80  }
0x165: {  	[sflag:s12] =	ssyncset.done $0x0  }
0x166: {  	[sflag:s12] =	ssyncadd.s32 $0xFFFFF380  }
0x167: {  	_ =	swait.ge [sflag:s12], $0xC80  }
0x168: {  	[sflag:s12] =	ssyncset.done $0x0  }
0x169: {  	[sflag:s12] =	ssyncadd.s32 $0xFFFFF380  }
0x16a: {  	_ =	swait.ge [sflag:s12], $0xC80  }
0x16b: {  	s2 =	sshra.s32 s2, $0x2;
	[sflag:s12] =	ssyncset.done $0x0  }
0x16c: {  	s4 =	sadd.s32 $0x8000, s2;
	[sflag:s12] =	ssyncadd.s32 $0xFFFFF380  }
0x16d: {  	[hbm4b:s7+s31] =	stream.strided.scatter [tilespmem:s4], [sflag:$0x5], $0xC80, s1, s31, $0x38;
	[tilespmem:$0x1AC00] =	vst v63  }
0x16e: {  	s11 =	sadd.s32 $0x380, s7;
	s4 =	sadd.s32 $0x8C80, s2  }
0x16f: {  	[hbm4b:s11+s31] =	stream.strided.scatter [tilespmem:s4], [sflag:$0x5], $0xC80, s1, s31, $0x38;
	[tilespmem:$0x1AC00] =	vst v63  }
0x170: {  	s4 =	sadd.s32 $0x9900, s2;
	s11 =	sadd.s32 $0x700, s7  }
0x171: {  	[hbm4b:s11+s31] =	stream.strided.scatter [tilespmem:s4], [sflag:$0x5], $0xC80, s1, s31, $0x38;
	[tilespmem:$0x1AC00] =	vst v63  }
0x172: {  	s4 =	sadd.s32 $0xA580, s2;
	s11 =	sadd.s32 $0xA80, s7  }
0x173: {  	[hbm4b:s11+s31] =	stream.strided.scatter [tilespmem:s4], [sflag:$0x5], $0xC80, s1, s31, $0x38;
	[tilespmem:$0x1AC00] =	vst v63  }
0x174: {  	s4 =	sadd.s32 $0xB200, s2;
	s11 =	sadd.s32 $0xE00, s7  }
0x175: {  	[hbm4b:s11+s31] =	stream.strided.scatter [tilespmem:s4], [sflag:$0x5], $0xC80, s1, s31, $0x38;
	[tilespmem:$0x1AC00] =	vst v63  }
.Ltmp1:
0x176: {  	s4 =	sadd.s32 $0xBE80, s2;
	s11 =	sadd.s32 $0x1180, s7;
	(pc) =	sbr.rel @p0 .LBB2_4-.Ltmp1, $4  }
0x177: {  	[hbm4b:s11+s31] =	stream.strided.scatter [tilespmem:s4], [sflag:$0x5], $0xC80, s1, s31, $0x38;
	[tilespmem:$0x1AC00] =	vst v63  }
0x178: {  	s7 =	sadd.s32 $0x1C00, s7;
	s4 =	sadd.s32 $0xCB00, s2;
	s11 =	sadd.s32 $0x1500, s14  }
0x179: {  	[hbm4b:s11+s31] =	stream.strided.scatter [tilespmem:s4], [sflag:$0x5], $0xC80, s1, s31, $0x38;
	[tilespmem:$0x1AC00] =	vst v63  }
0x17a: {  	s16 =	sadd.s32 $0xD780, s2;
	s12 =	sadd.s32 $0x1, s12;
	s14 =	sadd.s32 $0x1880, s14  }
0x17b: {  	[hbm4b:s14+s31] =	stream.strided.scatter [tilespmem:s16], [sflag:$0x5], $0xC80, s1, s31, $0x38;
	[tilespmem:$0x1AC00] =	vst v63  }
0x17c: {  	_ =	swait.ge [sflag:s18], $0x6400  }
0x17d: {  	[sflag:s18] =	ssyncset.done $0x0  }
0x17e: {  	[sflag:s18] =	ssyncadd.s32 $0xFFFF9C00  }
0x17f: {  	_ =	swait.ge [sflag:s18], $0x6400  }
0x180: {  	[sflag:s18] =	ssyncset.done $0x0  }
0x181: {  	s20 =	sadd.s32 $0x1, s20;
	[sflag:s18] =	ssyncadd.s32 $0xFFFF9C00  }
0x182: {  	p0 =	sne.s32 s20, s6;
	_ =	swait.ge [sflag:s18], $0x6400  }
.Ltmp2:
0x183: {  	[sflag:s18] =	ssyncset.done $0x0;
	(pc) =	sbr.rel @p0 .LBB2_1-.Ltmp2, $4  }
0x184: {  	[sflag:s18] =	ssyncadd.s32 $0xFFFF9C00  }
0x185: {  	_ =	swait.ge [sflag:s18], $0x6400  }
0x186: {  	[sflag:s18] =	ssyncset.done $0x0  }
0x187: {  	[sflag:s18] =	ssyncadd.s32 $0xFFFF9C00  }
0x188: {  	_ =	sfence.sel $0x180000  }
0x189: {  	[bflag:$0x0] =	sbarrier.arrive $0xFFFF  }
0x18a: {  	_ =	strace $0x90000047  }
0x18b: {  	s0 =	stileid.u32;
	[bflag:$0x2] =	sbarrier.arrive $0xFFFF  }
0x18c: {  	p0 =	sne.s32 s0, $0x0;
	s0 =	rddreg [dreg:$0x1]  }
0x18d: {  	s0 =	sadd.s32 @!p0 $0x100000, s0  }
0x18e: {  	[sflag:s0] =	ssyncadd.tile.s32 @!p0 $0x1;
	_ =	shalt  }
.Lfunc_end2:
_tile_overlayer_lowered:
.L_overlay_start_2:
0x18f: {  	(tag) =	ssettag $0x2  }
0x190: {  	s0 =	rddreg [dreg:$0x0];
	s2 =	stileid.u32  }
0x191: {  	s1 =	rddreg [dreg:$0x1];
	p0 =	sne.s32 s2, $0x0  }
0x192: {  	s3 =	rddreg [dreg:$0x2];
	[bflag:$0x3] =	sbarrier.arrive $0xFFFF;
	s2 =	simm.s32 @!p0 $0x1C06  }
0x193: {  	[timem:s3], [sflag:s2] =	dma.local @!p0 [hbm:s0], s1  }
0x194: {  	s0 =	simm.s32 @!p0 $0x6  }
0x195: {  	_ =	swait.ge @!p0 [sflag:s0], s1  }
0x196: {  	s1 =	ssub.s32 @!p0 $0x0, s1;
	[sflag:s0] =	ssyncset.done @!p0 $0x0  }
0x197: {  	[sflag:s0] =	ssyncadd.s32 @!p0 s1  }
0x198: {  	[bflag:$0x3] =	sbarrier.arrive $0xFFFF  }
0x199: {  	_ =	shalt  }

// kernel: sparse-core-data-format-call.cloned.1.call-start
scs
called_computation_lowered:
.L_overlay_start_0:
0x0: {  	s2 =	sld [smem:$0x3FD9]  }
0x1: {  	s3 =	sld [smem:$0x3FFE];
	_ =	sdelay $0x1  }
0x2: {  	s1 =	srdreg.scid  }
0x3: {  	s0 =	sand.u32 $0x1, s1  }
0x4: {  	s18 =	sshll.u32 s0, $0xA;
	s2 =	sadd.s32 s3, s2  }
0x5: {  	s2 =	sadd.s32 s2, s18  }
0x6: {  	[smem:$0x3FC6] =	sst s2  }
0x7: {  	_ = 	snop  }
0x8: {  	s2 =	sld [smem:$0x3FD0];
	(tm) =	ssettm $0x1  }
0x9: {  	s19 =	sld [smem:$0x3FFB];
	_ =	sdelay $0x3  }
0xa: {  	_ =	strace s19  }
0xb: {  	s3 =	sld [smem:$0x3FFC];
	_ =	sdelay $0x3  }
0xc: {  	_ =	strace s3  }
0xd: {  	s3 =	sld [smem:$0x3FFD];
	_ =	sdelay $0x3  }
0xe: {  	_ =	strace s3  }
0xf: {  	_ =	strace $0x8FFFFFFF  }
0x10: {  	s20 =	sld [smem:$0x3FDB];
	_ =	sdelay $0x1  }
0x11: {  	s4 =	simm.s32 $_scs_section_size  }
0x12: {  	s5 =	simm.s32 $_size__tile_overlayer_lowered;
	s6 =	simm.s32 $_tile_overlayer_lowered  }
0x13: {  	s23 =	simm.s32 $0x1BFF;
	s22 =	sshll.u32 s6, $0x1;
	s3 =	sadd.s32 s4, s20  }
0x14: {  	s7 =	simm.s32 $0x0;
	s21 =	sshll.u32 s5, $0x1;
	s5 =	sadd.s32 s22, s3  }
0x15: {  	[timem:s7], [sflag:s23] =	dma.local [hbm:s5], s21  }
0x16: {  	_ =	swait.ge [sflag:s23], s21  }
0x17: {  	s4 =	ssub.s32 $0x0, s21;
	[sflag:s23] =	ssyncset.done $0x0  }
0x18: {  	[sflag:s23] =	ssyncadd.s32 s4;
	_ =	sdelay $0x1  }
0x19: {  	s24 =	simm.s32 $0x1B8B  }
0x1a: {  	_ =	swait.ge [sflag:s24], $0x1  }
0x1b: {  	[sflag:s24] =	ssyncset.done $0x0  }
0x1c: {  	s26 =	simm.s32 $0x1B8E;
	s25 =	sld [smem:$0x3FFE];
	[sflag:s24] =	ssyncadd.s32 $0xFFFFFFFF  }
0x1d: {  	s27 =	simm.s32 $execute0_lowered;
	[smem:$0x3FD2] =	sst s26  }
0x1e: {  	s5 =	sshll.u32 s27, $0x1;
	_ =	strace $0x80000049;
	[dreg:$0x1] =	wrdreg $0xFFFFFFFF  }
0x1f: {  	s28 =	simm.s32 $_size_execute0_lowered;
	s3 =	sadd.s32 s3, s5;
	[dreg:$0x0] =	wrdreg $0x0  }
0x20: {  	s5 =	sshll.u32 s28, $0x1;
	[dreg:$0x2] =	wrdreg s3  }
0x21: {  	[dreg:$0x3] =	wrdreg s5  }
0x22: {  	[dreg:$0x4] =	wrdreg $0xC0  }
0x23: {  	_ =	task [dreg:s7], $0x5FFFF  }
0x24: {  	[dreg:$0x1] =	wrdreg $0xFFFFFFFF  }
0x25: {  	[dreg:$0x0] =	wrdreg $0x60  }
0x26: {  	[dreg:$0x2] =	wrdreg s25  }
0x27: {  	[dreg:$0x3] =	wrdreg s2  }
0x28: {  	[dreg:$0x4] =	wrdreg $0x9  }
0x29: {  	_ =	task.clear_ibuf [dreg:s7], $0x5FFFF;
	_ =	strace $0x90000049  }
0x2a: {  	s29 =	simm.s32 $0x9;
	_ =	strace $0x8000004B  }
0x2b: {  	_ =	swait.ge [sflag:s29], $0x1  }
0x2c: {  	[sflag:s29] =	ssyncadd.s32 $0xFFFFFFFF  }
0x2d: {  	_ =	strace $0x9000004B  }
0x2e: {  	_ =	sfence  }
0x2f: {  	s30 =	sld [smem:$0x0];
	_ =	sdelay $0x2  }
0x30: {  	s31 =	sshll.u32 s1, $0xD;
	s1 =	sshrl.u32 s1, $0x2  }
0x31: {  	s3 =	sand.u32 $0x4000, s31;
	s1 =	sadd.s32 s1, s30  }
0x32: {  	s0 =	sor.u32 s3, s0;
	s1 =	sshll.u32 s1, $0x11  }
0x33: {  	s0 =	sor.u32 s1, s0  }
0x34: {  	s0 =	sadd.s32 $0x8F2B, s0  }
0x35: {  	[sflag:s0] =	ssyncadd.remote.s32 $0x1  }
0x36: {  	_ =	sfence.sel $0xFFFF  }
0x37: {  	[dreg:$0x0] =	wrdreg $0xFFFFFFFF;
	(pc) =	sbr.abs _section_cstart, $3  }
0x38: {  	[dreg:$0x1] =	wrdreg $0xFFFFFFFF  }
0x39: {  	_ =	task.clear_ibuf [dreg:s7], $0x2FFFF;
	_ =	strace $0x9FFFFFFF  }
0x3a: {  	(tm) =	ssettm $0x7FFFFFFF  }
0x3b: {  	_ =	shalt  }
tec
execute0_lowered:
.L_overlay_start_1:
0x0: {  	(tag) =	ssettag $0x1  }
0x1: {  	s0 =	srdreg.scid  }
0x2: {  	s1 =	sshll.u32 s0, $0x4  }
0x3: {  	s0 =	stileid.u32;
	s1 =	sand.u32 $0x10, s1  }
0x4: {  	s1 =	sor.u32 s0, s1  }
0x5: {  	s6 =	rddreg [dreg:$0x0];
	s4 =	simm.s32 $0x1;
	s2 =	sshll.u32 s1, $0x7  }
0x6: {  	s7 =	simm.s32 $0x2;
	s12 =	simm.s32 $0x0;
	s1 =	ssub.s32 $0x1000, s2  }
0x7: {  	s8 =	simm.s32 $0x8000;
	s13 =	simm.s32 $0x0;
	s3 =	sand.u32 $0xF80, s1  }
0x8: {  	s9 =	simm.s32 $0x0;
	s5 =	sshrl.u32 s1, $0xC;
	p0 =	sne.s32 s3, $0x0  }
.Ltmp0:
0x9: {  	s1 =	rddreg [dreg:$0x2];
	s4 =	simm.s32 @!p0 $0x0;
	(pc) =	sbr.rel .LBB1_1-.Ltmp0, $4  }
0xa: {  	s11 =	simm.s32 $0x0;
	s3 =	rddreg [dreg:$0x1];
	s5 =	sadd.s32 s4, s5  }
0xb: {  	_ =	strace $0x8000004A;
	s4 =	simm.s32 $0x1;
	s5 =	smul.u32 $0x32, s5  }
0xc: {  	s6 =	sadd.s32 $0xCAE00, s6;
	s10 =	smov.u32 s2;
	[sflag:s4] =	ssyncpa.u1 $0x0  }
0xd: {  	p0 =	por $0x0, $0x0;
	[sflag:s7] =	ssyncpa.u1 $0x0;
	s7 =	sor.u32 $0x1, s5  }
.LBB1_4:
0xe: {  	s16 =	sshll.u32 s13, $0x3;
	s17 =	sand.u32 $0x78, s13  }
0xf: {  	s30 =	sand.u32 $0x7E00, s13;
	s12 =	sshll.u32 s12, $0xF;
	s16 =	sand.u32 $0xC00, s16  }
0x10: {  	[tilespmem:s15+$0x810 ss:$0x81] =	vst.msk $0xffff, v2;
	s31 =	sand.u32 $0x7, s13;
	s16 =	sor.u32 s17, s16;
	s17 =	sadd.s32 s3, s30  }
0x11: {  	[tilespmem:s15+$0x1020 ss:$0x81] =	vst.msk $0xffff, v0;
	s13 =	sshll.u32 s31, $0x12;
	s12 =	sadd.s32 s12, s17;
	s16 =	sshrl.u32 s16, $0x3  }
0x12: {  	[tilespmem:s15+$0x0 ss:$0x81] =	vst.msk $0xffff, v1;
	s13 =	sor.u32 $0x400, s13;
	s12 =	sadd.s32 s16, s12  }
0x13: {  	[hbm4b:s12+s13] =	stream.strided.scatter [tilespmem:s14], [sflag:$0x2], $0x2000, s8, s13, $0x20;
	[tilespmem:$0x8080] =	vst v63  }
.LBB1_5:
0x14: {  	s14 =	sadd.s32 $0x1, s9  }
0x15: {  	s12 =	sadd.s32 $0x1000, s10;
	s16 =	smov.u32 s10;
	p2 =	sgt.s32 s14, $0x31  }
0x16: {  	s16 =	smov.u32 @p2 s12  }
0x17: {  	s14 =	simm.s32 @p2 $0x0;
	p2 =	sgt.s32 s16, $0xFFF  }
0x18: {  	s16 =	smov.u32 @p2 s2;
	p2 =	sne.s32 s11, s7  }
.Ltmp1:
0x19: {  	p1 =	slt.u32 s11, $0x2;
	(pc) =	sbr.rel @!p2 .LBB1_6-.Ltmp1, $4  }
0x1a: {  	s15 =	simm.s32 @!p1 $0x2  }
0x1b: {  	s13 =	smov.u32 s10;
	p0 =	por !p0, !p0;
	_ =	swait.ge @!p1 [sflag:s15], $0x2000  }
0x1c: {  	s12 =	smov.u32 s9;
	[sflag:s15] =	ssyncset.done @!p1 $0x0;
	s9 =	smov.u32 s14  }
0x1d: {  	s11 =	sadd.s32 $0x1, s11;
	[sflag:s15] =	ssyncadd.s32 @!p1 $0xFFFFE000;
	s10 =	smov.u32 s16  }
.LBB1_1:
0x1e: {  	p1 =	sge.u32 s11, s5  }
0x1f: {  	s14 =	sand.u32 @!p1 $0x1FFFFFF, s9  }
0x20: {  	s15 =	smulhi.u32 @!p1 $0x4924925, s14;
	_ =	sdelay $0x1  }
0x21: {  	s15 =	smul.u32 @!p1 $0x38, s15  }
0x22: {  	s16 =	sxor.u32 @!p1 $0xFFFFFFFF, s11;
	s17 =	smul.u32 @!p1 $0x380, s10  }
0x23: {  	s31 =	sadd.s32 $0xFFFFFFFF, s11;
	s16 =	sshll.u32 @!p1 s16, $0xD;
	s14 =	ssub.s32 @!p1 s14, s15  }
0x24: {  	s15 =	sand.u32 @!p1 $0x2000, s16;
	s16 =	sadd.s32 @!p1 s6, s17;
	s14 =	sshll.u32 @!p1 s14, $0x4  }
0x25: {  	s17 =	simm.s32 @!p1 $0x1C00;
	s14 =	sadd.s32 @!p1 s14, s16;
	s16 =	simm.s32 @!p1 $0x40  }
0x26: {  	[tilespmem:s15], [sflag:$0x1] =	stream.strided.gather @!p1 [hbm4b:s14+s16], $0x2000, s17, s16, $0x38;
	[tilespmem:$0x8080] =	vst v63  }
0x27: {  	p1 =	sge.u32 s31, s5  }
.Ltmp2:
0x28: {  	_ = 	snop;
	(pc) =	sbr.rel @p1 .LBB1_5-.Ltmp2, $1  }
0x29: {  	_ =	sdelay $0x3  }
0x2a: {  	s14 =	simm.s32 $0x1  }
0x2b: {  	_ =	swait.ge [sflag:s4], $0x2000;
	s14 =	simm.s32 @!p0 $0x0  }
0x2c: {  	[sflag:s4] =	ssyncset.done $0x0;
	s15 =	sshll.u32 s14, $0xD  }
0x2d: {  	[sflag:s4] =	ssyncadd.s32 $0xFFFFE000;
	s18 =	sor.u32 $0x20, s15  }
0x2e: {  	s14 =	smul.u32 $0x8100, s14;
	v3 =	vld [tilespmem:s18+$0x10]  }
0x2f: {  	s30 =	sand.u32 $0x1, s11;
	v2 =	vld [tilespmem:s18+$0xFFFFFFF0]  }
0x30: {  	s15 =	smul.u32 $0x8100, s30;
	s14 =	sshrl.u32 s14, $0x2;
	v0 =	vld [tilespmem:s18+$0x0]  }
0x31: {  	v1 =	vld [tilespmem:s18+$0xFFFFFFE0];
	s16 =	sor.u32 $0x4000, s14  }
0x32: {  	s31 =	sshrl.u32 s15, $0x2;
	s15 =	sadd.s32 $0x0, s16  }
0x33: {  	s17 =	simm.s32 $0x4;
	s18 =	sadd.s32 $0x40, s18;
	s14 =	sor.u32 $0x4000, s31;
	[tilespmem:s15+$0x1830 ss:$0x81] =	vst.msk $0xffff, v3  }
.LBB1_3:
0x34: {  	v3 =	vld [tilespmem:s18+$0x10];
	p1 =	sne.s32 s17, $0x1FC;
	[tilespmem:s15+$0x810 ss:$0x81] =	vst.msk $0xffff, v2;
	s19 =	smov.u32 s17;
	s17 =	sadd.s32 $0x4, s17  }
.Ltmp3:
0x35: {  	v2 =	vld [tilespmem:s18+$0xFFFFFFF0];
	[tilespmem:s15+$0x1020 ss:$0x81] =	vst.msk $0xffff, v0;
	(pc) =	sbr.rel @p1 .LBB1_3-.Ltmp3, $4  }
0x36: {  	v0 =	vld [tilespmem:s18+$0x0];
	[tilespmem:s15+$0x0 ss:$0x81] =	vst.msk $0xffff, v1  }
0x37: {  	s15 =	sshra.s32 s19, $0x2;
	v1 =	vld [tilespmem:s18+$0xFFFFFFE0]  }
0x38: {  	s15 =	sadd.s32 s15, s16  }
0x39: {  	s18 =	sadd.s32 $0x40, s18;
	[tilespmem:s15+$0x1830 ss:$0x81] =	vst.msk $0xffff, v3  }
.Ltmp4:
0x3a: {  	_ = 	snop;
	(pc) =	sbr.rel .LBB1_4-.Ltmp4, $1  }
0x3b: {  	_ =	sdelay $0x3  }
.LBB1_6:
0x3c: {  	_ =	sfence.sel $0x180000  }
0x3d: {  	s2 =	simm.s32 $0x1;
	[bflag:$0x0] =	sbarrier.arrive $0xFFFF  }
0x3e: {  	s31 =	simm.s32 $0x2;
	[sflag:s2] =	ssyncpa.u1 $0x1  }
0x3f: {  	[sflag:s31] =	ssyncpa.u1 $0x1  }
0x40: {  	p0 =	sne.s32 s0, $0x0;
	_ =	strace $0x9000004A  }
0x41: {  	s0 =	sadd.s32 @!p0 $0x100000, s1;
	[bflag:$0x2] =	sbarrier.arrive $0xFFFF  }
0x42: {  	[sflag:s0] =	ssyncadd.tile.s32 @!p0 $0x1;
	_ =	shalt  }
.Lfunc_end1:
_tile_overlayer_lowered:
.L_overlay_start_2:
0x43: {  	(tag) =	ssettag $0x2  }
0x44: {  	s0 =	rddreg [dreg:$0x0];
	s2 =	stileid.u32  }
0x45: {  	s1 =	rddreg [dreg:$0x1];
	p0 =	sne.s32 s2, $0x0  }
0x46: {  	s3 =	rddreg [dreg:$0x2];
	[bflag:$0x3] =	sbarrier.arrive $0xFFFF;
	s2 =	simm.s32 @!p0 $0x1C01  }
0x47: {  	[timem:s3], [sflag:s2] =	dma.local @!p0 [hbm:s0], s1  }
0x48: {  	s0 =	simm.s32 @!p0 $0x1  }
0x49: {  	_ =	swait.ge @!p0 [sflag:s0], s1  }
0x4a: {  	s1 =	ssub.s32 @!p0 $0x0, s1;
	[sflag:s0] =	ssyncset.done @!p0 $0x0  }
0x4b: {  	[sflag:s0] =	ssyncadd.s32 @!p0 s1  }
0x4c: {  	[bflag:$0x3] =	sbarrier.arrive $0xFFFF  }
0x4d: {  	_ =	shalt  }

</sc_bundles>
